<compile_context>
chip_gen: v7x
topology: tpu7x:2x2x1
jax: 0.10.2.dev20260603
libtpu: 0.0.44.dev20260713+nightly
codegen_flags: <defaults>
</compile_context>

<pallas_src>
import jax
import jax.numpy as jnp
from jax import lax
from jax.experimental import pallas as pl
from jax.experimental.pallas import tpu as pltpu
from jax.experimental.pallas import tpu_sc as plsc

_NE, _D = 10000, 128
_NREG = 5000
_NMP = 8000
_EF, _EMP = 320000, 160000
_NC, _NS, _L = 2, 16, 16
_NW = _NC * _NS
_NEP = 10240
_NMPP = 8192
_CF = 79
_CH = 79
_F32 = jnp.float32


def _mesh():
    return plsc.VectorSubcoreMesh(core_axis_name="c", subcore_axis_name="s")


def _fill(ref, n16, val):
    v = jnp.full((_L,), val, _F32)

    def body(i, _):
        ref[pl.ds(i * _L, _L)] = v
        return 0

    lax.fori_loop(0, n16, body, 0)


def _zero_rows(rows):
    z = jnp.zeros((_L,), _F32)

    def body(i, _):
        for j in range(8):
            rows[i, pl.ds(j * _L, _L)] = z
        return 0

    lax.fori_loop(0, 128, body, 0)


def _make_sc_agg(n_rows, chunks, with_counts):
    rpt = n_rows // _NS
    assert rpt % 128 == 0

    def body(src_hbm, dst_hbm, y_hbm, *rest):
        if with_counts:
            (outp, outc, sidx, didx, rows, ones, zc, acc, cacc, sem) = rest
        else:
            (outp, sidx, didx, rows, ones, zc, acc, cacc, sem) = rest
        cid = lax.axis_index("c")
        sid = lax.axis_index("s")
        wid = cid * _NS + sid

        _zero_rows(rows)
        _fill(ones, 128 // _L, 1.0)
        _fill(zc, rpt // _L, 0.0)

        def zacc(k, _):
            pltpu.sync_copy(rows, acc.at[pl.ds(sid * rpt + k * 128, 128)])
            return 0

        lax.fori_loop(0, rpt // 128, zacc, 0)
        pltpu.sync_copy(zc, cacc.at[pl.ds(sid * rpt, rpt)])
        plsc.subcore_barrier()

        pltpu.sync_copy(src_hbm.at[wid], sidx)
        pltpu.sync_copy(dst_hbm.at[wid], didx)

        def step(j, _):
            pltpu.async_copy(y_hbm.at[sidx.at[j]], rows, sem).wait()
            pltpu.sync_copy(rows, acc.at[didx.at[j]], add=True)
            if with_counts:
                pltpu.sync_copy(ones, cacc.at[didx.at[j]], add=True)
            return 0

        lax.fori_loop(0, chunks, step, 0)
        plsc.subcore_barrier()

        def wout(k, _):
            r = sid * rpt + k * 128
            pltpu.sync_copy(acc.at[pl.ds(r, 128)],
                            outp.at[pl.ds(cid * n_rows + r, 128)])
            return 0

        lax.fori_loop(0, rpt // 128, wout, 0)
        if with_counts:
            pltpu.sync_copy(cacc.at[pl.ds(sid * rpt, rpt)],
                            outc.at[pl.ds(cid * n_rows + sid * rpt, rpt)])

    out_type = [jax.ShapeDtypeStruct((_NC * n_rows, _D), _F32)]
    if with_counts:
        out_type.append(jax.ShapeDtypeStruct((_NC * n_rows,), _F32))
    scratch = [
        pltpu.VMEM((chunks, 128), jnp.int32),
        pltpu.VMEM((chunks, 128), jnp.int32),
        pltpu.VMEM((128, _D), _F32),
        pltpu.VMEM((128,), _F32),
        pltpu.VMEM((rpt,), _F32),
    ]
    scratch += [
        pltpu.VMEM_SHARED((n_rows, _D), _F32),
        pltpu.VMEM_SHARED((n_rows,), _F32),
        pltpu.SemaphoreType.DMA,
    ]
    return pl.kernel(
        body,
        out_type=out_type if with_counts else out_type[0],
        mesh=_mesh(),
        scratch_types=scratch,
    )


def _make_sc_gather(n_out, table_rows):
    kpw = n_out // _NW // 128

    def body(table_hbm, idx_hbm, out_hbm, idxv, rows, sem):
        cid = lax.axis_index("c")
        sid = lax.axis_index("s")
        wid = cid * _NS + sid
        pltpu.sync_copy(idx_hbm.at[wid], idxv)
        for k in range(kpw):
            pltpu.async_copy(table_hbm.at[idxv.at[k]], rows, sem).wait()
            pltpu.sync_copy(rows, out_hbm.at[pl.ds(wid * kpw * 128 + k * 128, 128)])

    return pl.kernel(
        body,
        out_type=jax.ShapeDtypeStruct((n_out, _D), _F32),
        mesh=_mesh(),
        scratch_types=[
            pltpu.VMEM((kpw, 128), jnp.int32),
            pltpu.VMEM((128, _D), _F32),
            pltpu.SemaphoreType.DMA,
        ],
    )



_BLK = 1024


def _row_spec(blk=_BLK):
    return pl.BlockSpec((blk, _D), lambda i: (i, 0))


def _w_spec():
    return pl.BlockSpec((_D, _D), lambda i: (0, 0))


def _b_spec():
    return pl.BlockSpec((1, _D), lambda i: (0, 0))


def _tc_head(ep, wm, bm, wrel):
    def body(ep_r, wm_r, bm_r, wr_r, e_out, y_out):
        e = jnp.dot(ep_r[...], wm_r[...], preferred_element_type=_F32) + bm_r[...]
        e_out[...] = e
        y_out[...] = jnp.dot(e, wr_r[...], preferred_element_type=_F32)

    n = ep.shape[0]
    return pl.pallas_call(
        body,
        grid=(n // _BLK,),
        in_specs=[_row_spec(), _w_spec(), _b_spec(), _w_spec()],
        out_specs=[_row_spec(), _row_spec()],
        out_shape=[jax.ShapeDtypeStruct((n, _D), _F32)] * 2,
    )(ep, wm, bm, wrel)


def _tc_combine_full(p0, p1, c0, c1, e, wroot, b, wrel_next):
    with_next = wrel_next is not None

    def body(p0_r, p1_r, c0_r, c1_r, e_r, wr_r, b_r, *rest):
        if with_next:
            wn_r, e_out, y_out = rest
        else:
            (e_out,) = rest
        cnt = jnp.maximum(c0_r[...] + c1_r[...], 1.0)
        agg = (p0_r[...] + p1_r[...]) / cnt[:, None]
        enew = jnp.tanh(agg + jnp.dot(e_r[...], wr_r[...],
                                      preferred_element_type=_F32) + b_r[...])
        e_out[...] = enew
        if with_next:
            y_out[...] = jnp.dot(enew, wn_r[...], preferred_element_type=_F32)

    n = e.shape[0]
    c_spec = pl.BlockSpec((_BLK,), lambda i: (i,))
    in_specs = [_row_spec(), _row_spec(), c_spec, c_spec, _row_spec(),
                _w_spec(), _b_spec()]
    args = [p0, p1, c0, c1, e, wroot, b]
    out_specs = [_row_spec()]
    out_shape = [jax.ShapeDtypeStruct((n, _D), _F32)]
    if with_next:
        in_specs.append(_w_spec())
        args.append(wrel_next)
        out_specs.append(_row_spec())
        out_shape.append(jax.ShapeDtypeStruct((n, _D), _F32))
    res = pl.pallas_call(
        body, grid=(n // _BLK,), in_specs=in_specs, out_specs=out_specs,
        out_shape=out_shape,
    )(*args)
    return res if with_next else res[0]


def _tc_mm_per_graph(x, w):
    gblk = _NMPP // _BLK

    def body(x_r, w_r, y_out):
        y_out[...] = jnp.dot(x_r[...], w_r[0], preferred_element_type=_F32)

    n = x.shape[0]
    return pl.pallas_call(
        body,
        grid=(n // _BLK,),
        in_specs=[_row_spec(),
                  pl.BlockSpec((1, _D, _D), lambda i: (i // gblk, 0, 0))],
        out_specs=_row_spec(),
        out_shape=jax.ShapeDtypeStruct((n, _D), _F32),
    )(x, w)


def _tc_combine_han(s, c, e, wroot, b, wrel_next):
    with_next = wrel_next is not None
    gblk = _NMPP // _BLK

    def body(s_r, c_r, e_r, wr_r, b_r, *rest):
        if with_next:
            wn_r, e_out, y_out = rest
        else:
            (e_out,) = rest
        cnt = jnp.maximum(c_r[...], 1.0)
        agg = s_r[...] / cnt[:, None]
        enew = jax.nn.relu(agg + jnp.dot(e_r[...], wr_r[0],
                                         preferred_element_type=_F32) + b_r[0])
        e_out[...] = enew
        if with_next:
            y_out[...] = jnp.dot(enew, wn_r[0], preferred_element_type=_F32)

    n = e.shape[0]
    wg_spec = pl.BlockSpec((1, _D, _D), lambda i: (i // gblk, 0, 0))
    bg_spec = pl.BlockSpec((1, 1, _D), lambda i: (i // gblk, 0, 0))
    c_spec = pl.BlockSpec((_BLK,), lambda i: (i,))
    in_specs = [_row_spec(), c_spec, _row_spec(), wg_spec, bg_spec]
    args = [s, c, e, wroot, b]
    out_specs = [_row_spec()]
    out_shape = [jax.ShapeDtypeStruct((n, _D), _F32)]
    if with_next:
        in_specs.append(wg_spec)
        args.append(wrel_next)
        out_specs.append(_row_spec())
        out_shape.append(jax.ShapeDtypeStruct((n, _D), _F32))
    res = pl.pallas_call(
        body, grid=(n // _BLK,), in_specs=in_specs, out_specs=out_specs,
        out_shape=out_shape,
    )(*args)
    return res if with_next else res[0]


def _tc_final(sem0, sem1, e5k, mp, pw1, pb1, pw2, predw, predb, erw, erb):

    def body(s0_r, s1_r, e_r, mp_r, pw1_r, pb1_r, pw2_r, prw_r, prb_r, erw_r,
             erb_r, out):
        t = jnp.tanh(jnp.dot(mp_r[...], pw1_r[...],
                             preferred_element_type=_F32) + pb1_r[...])
        w = jnp.dot(t, pw2_r[...], preferred_element_type=_F32)
        m = jnp.max(w, axis=0, keepdims=True)
        ew = jnp.exp(w - m)
        wn = ew / jnp.sum(ew, axis=0, keepdims=True)
        h = s0_r[...] * wn[0:1, :] + s1_r[...] * wn[1:2, :]
        ereg = jnp.dot(h, prw_r[...], preferred_element_type=_F32) + prb_r[...]
        ereg = ereg + e_r[...]
        pred = jnp.dot(ereg, erw_r[...], preferred_element_type=_F32) + erb_r[...]
        out[...] = jnp.broadcast_to(pred, (pred.shape[0], _D))

    full = lambda shape: pl.BlockSpec(shape, lambda: tuple(0 for _ in shape))
    mpd = mp.shape[1]
    return pl.pallas_call(
        body,
        in_specs=[full((_NREG, _D)), full((_NREG, _D)), full((_NREG, _D)),
                  full((2, mpd)), full((mpd, _D)), full((1, _D)),
                  full((_D, 1)), full((_D, _D)), full((1, _D)),
                  full((_D, 1)), full((1, 1))],
        out_specs=full((_NREG, _D)),
        out_shape=jax.ShapeDtypeStruct((_NREG, _D), _F32),
    )(sem0, sem1, e5k, mp, pw1, pb1, pw2, predw, predb, erw, erb)


def _pad1(x, n, val):
    return jnp.concatenate([x, jnp.full((n - x.shape[0],), val, x.dtype)])


def _pad_spread(x, n, base, room):
    m = n - x.shape[0]
    fill = base + (jnp.arange(m, dtype=x.dtype) % room)
    return jnp.concatenate([x, fill])


def kernel(edge_index, gs0_edge_index, gs0_eids, gs1_edge_index, gs1_eids,
           metapath_emb, task_desc_emb, E_pretrain, Wm, bm,
           rgcn_Wroot, rgcn_Wrel, rgcn_b, han_Wroot, han_Wrel, han_b,
           projW1, projb1, projW2, predW, predb, erW, erb):
    ep = jnp.concatenate(
        [E_pretrain, jnp.zeros((_NEP - _NE, _D), _F32)], axis=0)
    nef = _NW * _CF * 128
    srcf = _pad1(edge_index[0], nef, 0).reshape(_NW, _CF, 128)
    dstf = _pad_spread(edge_index[1], nef, _NE, _NEP - _NE).reshape(
        _NW, _CF, 128)

    neh = _NS * _CH * 128
    srch = jnp.concatenate([
        _pad1(gs0_edge_index[0], neh, 0),
        _pad1(gs1_edge_index[0] + _NMPP, neh, _NMPP),
    ]).reshape(_NW, _CH, 128)
    dsth = jnp.concatenate([
        _pad_spread(gs0_edge_index[1], neh, _NMP, _NMPP - _NMP),
        _pad_spread(gs1_edge_index[1], neh, _NMP, _NMPP - _NMP),
    ]).reshape(_NW, _CH, 128)

    eids = jnp.concatenate([
        _pad1(gs0_eids, _NMPP, 0), _pad1(gs1_eids, _NMPP, 0),
    ]).reshape(_NW, (2 * _NMPP) // _NW // 128, 128)

    bm2 = bm.reshape(1, _D)
    rb = rgcn_b.reshape(2, 1, _D)
    hb = han_b.reshape(4, 1, _D)

    agg_full_c = _make_sc_agg(_NEP, _CF, True)
    agg_full_n = _make_sc_agg(_NEP, _CF, False)
    agg_han_c = _make_sc_agg(_NMPP, _CH, True)
    agg_han_n = _make_sc_agg(_NMPP, _CH, False)
    gather = _make_sc_gather(2 * _NMPP, _NEP)

    e0, y0 = _tc_head(ep, Wm, bm2, rgcn_Wrel[0])
    p, c = agg_full_c(srcf, dstf, y0)
    e1, y1 = _tc_combine_full(p[:_NEP], p[_NEP:], c[:_NEP], c[_NEP:],
                              e0, rgcn_Wroot[0], rb[0], rgcn_Wrel[1])
    p = agg_full_n(srcf, dstf, y1)
    e2 = _tc_combine_full(p[:_NEP], p[_NEP:], c[:_NEP], c[_NEP:],
                          e1, rgcn_Wroot[1], rb[1], None)

    ef = gather(e2, eids)
    wrel_j0 = jnp.stack([han_Wrel[0], han_Wrel[2]])
    wrel_j1 = jnp.stack([han_Wrel[1], han_Wrel[3]])
    wroot_j0 = jnp.stack([han_Wroot[0], han_Wroot[2]])
    wroot_j1 = jnp.stack([han_Wroot[1], han_Wroot[3]])
    b_j0 = jnp.stack([hb[0], hb[2]])
    b_j1 = jnp.stack([hb[1], hb[3]])

    yh = _tc_mm_per_graph(ef, wrel_j0)
    s, c = agg_han_c(srch, dsth, yh)
    ef1, yh2 = _tc_combine_han(s, c, ef, wroot_j0, b_j0, wrel_j1)
    s = agg_han_n(srch, dsth, yh2)
    ef2 = _tc_combine_han(s, c, ef1, wroot_j1, b_j1, None)

    out = _tc_final(ef2[:_NREG], ef2[_NMPP:_NMPP + _NREG], e2[:_NREG],
                    metapath_emb, projW1, projb1.reshape(1, _D), projW2,
                    predW, predb.reshape(1, _D), erW, erb.reshape(1, 1))
    return out[:, :1]

# --- scband reference (transcript-rebuilt; emitter-appended) ---
"""Pipeline reference for scband-han-5188320494365 (READ-ONLY COPY).

The authoritative reference and input builder live on the scoring server;
editing this copy changes nothing except your own understanding.
"""

import jax, jax.numpy as jnp
import numpy as np

NE = 10000
EDIM = 128
HID = 128
NREG = 5000
NMP = 8000
EF = 320000
EMP = 160000
MPD = 768


def _rgcn(x, ei, Wroot, Wrel, b):
    # RGCNConv with a single relation (edge_type absent in original call):
    # mean-aggregated relational messages + root transform + bias
    src = ei[0]
    dst = ei[1]
    msg = x[src] @ Wrel
    n = x.shape[0]
    agg = jax.ops.segment_sum(msg, dst, num_segments=n)
    cnt = jax.ops.segment_sum(jnp.ones((msg.shape[0],), msg.dtype), dst, num_segments=n)
    agg = agg / jnp.maximum(cnt, 1.0)[:, None]
    return agg + x @ Wroot + b


def setup_inputs(seed: int = 0) -> dict:
    key = jax.random.key(seed)
    ks = jax.random.split(key, 24)
    s = 0.05
    inp = {}
    # forward args
    inp['edge_index'] = jax.random.randint(ks[0], (2, EF), 0, NE, dtype=jnp.int32)
    inp['gs0_edge_index'] = jax.random.randint(ks[1], (2, EMP), 0, NMP, dtype=jnp.int32)
    inp['gs0_eids'] = jax.random.randint(ks[2], (NMP,), 0, NE, dtype=jnp.int32)
    inp['gs1_edge_index'] = jax.random.randint(ks[3], (2, EMP), 0, NMP, dtype=jnp.int32)
    inp['gs1_eids'] = jax.random.randint(ks[4], (NMP,), 0, NE, dtype=jnp.int32)
    inp['metapath_emb'] = jax.random.normal(ks[5], (2, MPD), dtype=jnp.float32)
    inp['task_desc_emb'] = jax.random.normal(ks[6], (1, MPD), dtype=jnp.float32)
    # learned parameters
    inp['E_pretrain'] = jax.random.normal(ks[7], (NE, EDIM), dtype=jnp.float32) * s
    inp['Wm'] = jax.random.normal(ks[8], (EDIM, EDIM), dtype=jnp.float32) * s
    inp['bm'] = jnp.zeros((EDIM,), jnp.float32)
    inp['rgcn_Wroot'] = jax.random.normal(ks[9], (2, EDIM, EDIM), dtype=jnp.float32) * s
    inp['rgcn_Wrel'] = jax.random.normal(ks[10], (2, EDIM, EDIM), dtype=jnp.float32) * s
    inp['rgcn_b'] = jnp.zeros((2, EDIM), jnp.float32)
    inp['han_Wroot'] = jax.random.normal(ks[11], (4, EDIM, EDIM), dtype=jnp.float32) * s
    inp['han_Wrel'] = jax.random.normal(ks[12], (4, EDIM, EDIM), dtype=jnp.float32) * s
    inp['han_b'] = jnp.zeros((4, EDIM), jnp.float32)
    inp['projW1'] = jax.random.normal(ks[13], (MPD, HID), dtype=jnp.float32) * s
    inp['projb1'] = jnp.zeros((HID,), jnp.float32)
    inp['projW2'] = jax.random.normal(ks[14], (HID, 1), dtype=jnp.float32) * s
    inp['predW'] = jax.random.normal(ks[15], (HID, EDIM), dtype=jnp.float32) * s
    inp['predb'] = jnp.zeros((EDIM,), jnp.float32)
    inp['erW'] = jax.random.normal(ks[16], (EDIM, 1), dtype=jnp.float32) * s
    inp['erb'] = jnp.zeros((1,), jnp.float32)
    return inp


def reference(edge_index, gs0_edge_index, gs0_eids, gs1_edge_index, gs1_eids,
              metapath_emb, task_desc_emb, E_pretrain, Wm, bm,
              rgcn_Wroot, rgcn_Wrel, rgcn_b, han_Wroot, han_Wrel, han_b,
              projW1, projb1, projW2, predW, predb, erW, erb):
    # HAN.forward (single task -> task fusion branch skipped; dropout p=0.0 -> identity)
    E = E_pretrain @ Wm + bm
    for i in range(2):
        E = jnp.tanh(_rgcn(E, edge_index, rgcn_Wroot[i], rgcn_Wrel[i], rgcn_b[i]))
    # HANLayer.forward
    gs = [(gs0_edge_index, gs0_eids), (gs1_edge_index, gs1_eids)]
    sem = []
    for i, (ei, eids) in enumerate(gs):
        Ef = E[eids]
        for j in range(2):
            k = 2 * i + j
            Ef = jax.nn.relu(_rgcn(Ef, ei, han_Wroot[k], han_Wrel[k], han_b[k]))
        sem.append(Ef[:NREG])
    emb = jnp.stack(sem, axis=1)  # [NREG, 2, HID]
    w = jnp.tanh(metapath_emb @ projW1 + projb1) @ projW2  # [2, 1]
    w = jax.nn.softmax(w, axis=0)
    h = jnp.sum(w[None, :, :] * emb, axis=1)  # [NREG, HID]
    E_reg = h @ predW + predb
    E_reg = E_reg + E[:NREG]
    pred = E_reg @ erW + erb
    return pred


if False:  # reference __main__ guard neutralized (emitter)
    out = reference(**setup_inputs())
    print(out.shape, out.dtype)

if __name__ == "__main__":
    import jax
    _d = setup_inputs()
    print(jax.jit(kernel)(*tuple(_d.values())))

</pallas_src>

<mosaic_0001>
#map = affine_map<(d0, d1) -> (0, 0, 0)>
#map1 = affine_map<(d0, d1) -> (0, 0)>
#map2 = affine_map<(d0, d1) -> (0)>
module attributes {stable_mosaic.version = 14 : i64} {
  func.func @body(%arg0: i32, %arg1: i32, %arg2: memref<32x79x128xi32, #tpu.memory_space<hbm>>, %arg3: memref<32x79x128xi32, #tpu.memory_space<hbm>>, %arg4: memref<10240x128xf32, #tpu.memory_space<hbm>>, %arg5: memref<20480x128xf32, #tpu.memory_space<hbm>>, %arg6: memref<20480xf32, #tpu.memory_space<hbm>>, %arg7: memref<79x128xi32, #tpu.memory_space<vmem>>, %arg8: memref<79x128xi32, #tpu.memory_space<vmem>>, %arg9: memref<128x128xf32, #tpu.memory_space<vmem>>, %arg10: memref<128xf32, #tpu.memory_space<vmem>>, %arg11: memref<640xf32, #tpu.memory_space<vmem>>, %arg12: memref<10240x128xf32, #tpu.memory_space<vmem_shared>>, %arg13: memref<10240xf32, #tpu.memory_space<vmem_shared>>, %arg14: memref<!tpu.dma_semaphore, #tpu.memory_space<semaphore_mem>>) attributes {dimension_semantics = [#tpu.dimension_semantics<core_parallel>, #tpu.dimension_semantics<subcore_parallel>], iteration_bounds = array<i64: 2, 16>, scalar_prefetch = 0 : i64, scratch_operands = 8 : i64, tpu.core_type = #tpu.core_type<sc_vector_subcore>, window_params = [{transform_indices = #map}, {transform_indices = #map}, {transform_indices = #map1}, {transform_indices = #map1}, {transform_indices = #map2}]} {
    %mul3A = arith.constant 16 : i32
    %mul3A_0 = arith.muli %arg0, %mul3A : i32
    %add3A = arith.addi %mul3A_0, %arg1 : i32
    %broadcast_in_dim3A = arith.constant 0.000000e+00 : f32
    %broadcast_in_dim3A_1 = vector.broadcast %broadcast_in_dim3A : f32 to vector<16xf32>
    %scan3A = arith.constant 0 : i32
    %scan3A_2 = arith.constant 0 : i32
    %scan3A_3 = arith.constant 128 : i32
    %scan3A_4 = arith.addi %scan3A_2, %scan3A_3 : i32
    %scan3A_5 = arith.constant 1 : i32
    %scan3A_6 = scf.for %scan3A_57 = %scan3A_2 to %scan3A_4 step %scan3A_5 iter_args(%scan3A_58 = %scan3A) -> (i32)  : i32 {
      %swap3A = arith.index_cast %scan3A_57 : i32 to index
      %swap3A_59 = arith.constant 0 : index
      %swap3A_60 = tpu.vector_load %arg9[%swap3A, %swap3A_59] {strides = array<i32>} : memref<128x128xf32, #tpu.memory_space<vmem>>, vector<1x16xf32>,
      %swap3A_61 = vector.shape_cast %swap3A_60 : vector<1x16xf32> to vector<16xf32>
      %swap3A_62 = vector.shape_cast %broadcast_in_dim3A_1 : vector<16xf32> to vector<1x16xf32>
      tpu.vector_store %arg9[%swap3A, %swap3A_59], %swap3A_62 {strides = array<i32>} : memref<128x128xf32, #tpu.memory_space<vmem>>, vector<1x16xf32>,
      %swap3A_63 = arith.index_cast %scan3A_57 : i32 to index
      %swap3A_64 = arith.constant 16 : index
      %swap3A_65 = tpu.vector_load %arg9[%swap3A_63, %swap3A_64] {strides = array<i32>} : memref<128x128xf32, #tpu.memory_space<vmem>>, vector<1x16xf32>,
      %swap3A_66 = vector.shape_cast %swap3A_65 : vector<1x16xf32> to vector<16xf32>
      %swap3A_67 = vector.shape_cast %broadcast_in_dim3A_1 : vector<16xf32> to vector<1x16xf32>
      tpu.vector_store %arg9[%swap3A_63, %swap3A_64], %swap3A_67 {strides = array<i32>} : memref<128x128xf32, #tpu.memory_space<vmem>>, vector<1x16xf32>,
      %swap3A_68 = arith.index_cast %scan3A_57 : i32 to index
      %swap3A_69 = arith.constant 32 : index
      %swap3A_70 = tpu.vector_load %arg9[%swap3A_68, %swap3A_69] {strides = array<i32>} : memref<128x128xf32, #tpu.memory_space<vmem>>, vector<1x16xf32>,
      %swap3A_71 = vector.shape_cast %swap3A_70 : vector<1x16xf32> to vector<16xf32>
      %swap3A_72 = vector.shape_cast %broadcast_in_dim3A_1 : vector<16xf32> to vector<1x16xf32>
      tpu.vector_store %arg9[%swap3A_68, %swap3A_69], %swap3A_72 {strides = array<i32>} : memref<128x128xf32, #tpu.memory_space<vmem>>, vector<1x16xf32>,
      %swap3A_73 = arith.index_cast %scan3A_57 : i32 to index
      %swap3A_74 = arith.constant 48 : index
      %swap3A_75 = tpu.vector_load %arg9[%swap3A_73, %swap3A_74] {strides = array<i32>} : memref<128x128xf32, #tpu.memory_space<vmem>>, vector<1x16xf32>,
      %swap3A_76 = vector.shape_cast %swap3A_75 : vector<1x16xf32> to vector<16xf32>
      %swap3A_77 = vector.shape_cast %broadcast_in_dim3A_1 : vector<16xf32> to vector<1x16xf32>
      tpu.vector_store %arg9[%swap3A_73, %swap3A_74], %swap3A_77 {strides = array<i32>} : memref<128x128xf32, #tpu.memory_space<vmem>>, vector<1x16xf32>,
      %swap3A_78 = arith.index_cast %scan3A_57 : i32 to index
      %swap3A_79 = arith.constant 64 : index
      %swap3A_80 = tpu.vector_load %arg9[%swap3A_78, %swap3A_79] {strides = array<i32>} : memref<128x128xf32, #tpu.memory_space<vmem>>, vector<1x16xf32>,
      %swap3A_81 = vector.shape_cast %swap3A_80 : vector<1x16xf32> to vector<16xf32>
      %swap3A_82 = vector.shape_cast %broadcast_in_dim3A_1 : vector<16xf32> to vector<1x16xf32>
      tpu.vector_store %arg9[%swap3A_78, %swap3A_79], %swap3A_82 {strides = array<i32>} : memref<128x128xf32, #tpu.memory_space<vmem>>, vector<1x16xf32>,
      %swap3A_83 = arith.index_cast %scan3A_57 : i32 to index
      %swap3A_84 = arith.constant 80 : index
      %swap3A_85 = tpu.vector_load %arg9[%swap3A_83, %swap3A_84] {strides = array<i32>} : memref<128x128xf32, #tpu.memory_space<vmem>>, vector<1x16xf32>,
      %swap3A_86 = vector.shape_cast %swap3A_85 : vector<1x16xf32> to vector<16xf32>
      %swap3A_87 = vector.shape_cast %broadcast_in_dim3A_1 : vector<16xf32> to vector<1x16xf32>
      tpu.vector_store %arg9[%swap3A_83, %swap3A_84], %swap3A_87 {strides = array<i32>} : memref<128x128xf32, #tpu.memory_space<vmem>>, vector<1x16xf32>,
      %swap3A_88 = arith.index_cast %scan3A_57 : i32 to index
      %swap3A_89 = arith.constant 96 : index
      %swap3A_90 = tpu.vector_load %arg9[%swap3A_88, %swap3A_89] {strides = array<i32>} : memref<128x128xf32, #tpu.memory_space<vmem>>, vector<1x16xf32>,
      %swap3A_91 = vector.shape_cast %swap3A_90 : vector<1x16xf32> to vector<16xf32>
      %swap3A_92 = vector.shape_cast %broadcast_in_dim3A_1 : vector<16xf32> to vector<1x16xf32>
      tpu.vector_store %arg9[%swap3A_88, %swap3A_89], %swap3A_92 {strides = array<i32>} : memref<128x128xf32, #tpu.memory_space<vmem>>, vector<1x16xf32>,
      %swap3A_93 = arith.index_cast %scan3A_57 : i32 to index
      %swap3A_94 = arith.constant 112 : index
      %swap3A_95 = tpu.vector_load %arg9[%swap3A_93, %swap3A_94] {strides = array<i32>} : memref<128x128xf32, #tpu.memory_space<vmem>>, vector<1x16xf32>,
      %swap3A_96 = vector.shape_cast %swap3A_95 : vector<1x16xf32> to vector<16xf32>
      %swap3A_97 = vector.shape_cast %broadcast_in_dim3A_1 : vector<16xf32> to vector<1x16xf32>
      tpu.vector_store %arg9[%swap3A_93, %swap3A_94], %swap3A_97 {strides = array<i32>} : memref<128x128xf32, #tpu.memory_space<vmem>>, vector<1x16xf32>,
      %scan3A_98 = arith.constant 0 : i32
      scf.yield %scan3A_98 : i32
    }
    %scan3A_7 = arith.constant 128 : i32
    %broadcast_in_dim3A_8 = arith.constant 1.000000e+00 : f32
    %broadcast_in_dim3A_9 = vector.broadcast %broadcast_in_dim3A_8 : f32 to vector<16xf32>
    %scan3A_10 = arith.constant 0 : i32
    %scan3A_11 = arith.constant 0 : i32
    %scan3A_12 = arith.constant 8 : i32
    %scan3A_13 = arith.addi %scan3A_11, %scan3A_12 : i32
    %scan3A_14 = arith.constant 1 : i32
    %scan3A_15 = scf.for %scan3A_57 = %scan3A_11 to %scan3A_13 step %scan3A_14 iter_args(%scan3A_58 = %scan3A_10) -> (i32)  : i32 {
      %mul3A_59 = arith.constant 16 : i32
      %mul3A_60 = arith.muli %scan3A_57, %mul3A_59 : i32
      %swap3A = arith.index_cast %mul3A_60 : i32 to index
      %swap3A_61 = tpu.vector_load %arg10[%swap3A] {strides = array<i32>} : memref<128xf32, #tpu.memory_space<vmem>>, vector<16xf32>,
      %swap3A_62 = vector.shape_cast %swap3A_61 : vector<16xf32> to vector<16xf32>
      %swap3A_63 = vector.shape_cast %broadcast_in_dim3A_9 : vector<16xf32> to vector<16xf32>
      tpu.vector_store %arg10[%swap3A], %swap3A_63 {strides = array<i32>} : memref<128xf32, #tpu.memory_space<vmem>>, vector<16xf32>,
      %scan3A_64 = arith.constant 0 : i32
      scf.yield %scan3A_64 : i32
    }
    %scan3A_16 = arith.constant 8 : i32
    %broadcast_in_dim3A_17 = arith.constant 0.000000e+00 : f32
    %broadcast_in_dim3A_18 = vector.broadcast %broadcast_in_dim3A_17 : f32 to vector<16xf32>
    %scan3A_19 = arith.constant 0 : i32
    %scan3A_20 = arith.constant 0 : i32
    %scan3A_21 = arith.constant 40 : i32
    %scan3A_22 = arith.addi %scan3A_20, %scan3A_21 : i32
    %scan3A_23 = arith.constant 1 : i32
    %scan3A_24 = scf.for %scan3A_57 = %scan3A_20 to %scan3A_22 step %scan3A_23 iter_args(%scan3A_58 = %scan3A_19) -> (i32)  : i32 {
      %mul3A_59 = arith.constant 16 : i32
      %mul3A_60 = arith.muli %scan3A_57, %mul3A_59 : i32
      %swap3A = arith.index_cast %mul3A_60 : i32 to index
      %swap3A_61 = tpu.vector_load %arg11[%swap3A] {strides = array<i32>} : memref<640xf32, #tpu.memory_space<vmem>>, vector<16xf32>,
      %swap3A_62 = vector.shape_cast %swap3A_61 : vector<16xf32> to vector<16xf32>
      %swap3A_63 = vector.shape_cast %broadcast_in_dim3A_18 : vector<16xf32> to vector<16xf32>
      tpu.vector_store %arg11[%swap3A], %swap3A_63 {strides = array<i32>} : memref<640xf32, #tpu.memory_space<vmem>>, vector<16xf32>,
      %scan3A_64 = arith.constant 0 : i32
      scf.yield %scan3A_64 : i32
    }
    %scan3A_25 = arith.constant 40 : i32
    %scan3A_26 = arith.constant 0 : i32
    %scan3A_27 = arith.constant 0 : i32
    %scan3A_28 = arith.constant 5 : i32
    %scan3A_29 = arith.addi %scan3A_27, %scan3A_28 : i32
    %scan3A_30 = arith.constant 1 : i32
    %scan3A_31 = scf.for %scan3A_57 = %scan3A_27 to %scan3A_29 step %scan3A_30 iter_args(%scan3A_58 = %scan3A_26) -> (i32)  : i32 {
      %mul3A_59 = arith.constant 640 : i32
      %mul3A_60 = arith.muli %arg1, %mul3A_59 : i32
      %mul3A_61 = arith.constant 128 : i32
      %mul3A_62 = arith.muli %scan3A_57, %mul3A_61 : i32
      %add3A_63 = arith.addi %mul3A_60, %mul3A_62 : i32
      "tpu.region"() ({
        %run_scoped3A = tpu.sem_alloc : memref<!tpu.dma_semaphore, #tpu.memory_space<semaphore_mem>>
        %dma_start3A = arith.constant 0 : i32
        %dma_start3A_65 = tpu.memref_slice %arg12[%add3A_63, %dma_start3A] : memref<10240x128xf32, #tpu.memory_space<vmem_shared>> -> memref<128x128xf32, #tpu.memory_space<vmem_shared>>
        %dma_start3A_66 = arith.constant 0 : i32
        %dma_start3A_67 = tpu.memref_slice %arg12[%add3A_63, %dma_start3A_66] : memref<10240x128xf32, #tpu.memory_space<vmem_shared>> -> memref<128x128xf32, #tpu.memory_space<vmem_shared>>
        tpu.enqueue_dma source(%arg9 : memref<128x128xf32, #tpu.memory_space<vmem>>) target(%dma_start3A_67 : memref<128x128xf32, #tpu.memory_space<vmem_shared>>) target_semaphore(%run_scoped3A : memref<!tpu.dma_semaphore, #tpu.memory_space<semaphore_mem>>)
        %dma_wait3A = arith.constant 0 : i32
        %dma_wait3A_68 = tpu.memref_slice %arg12[%add3A_63, %dma_wait3A] : memref<10240x128xf32, #tpu.memory_space<vmem_shared>> -> memref<128x128xf32, #tpu.memory_space<vmem_shared>>
        %dma_wait3A_69 = arith.constant 0 : i32
        %dma_wait3A_70 = tpu.memref_slice %arg12[%add3A_63, %dma_wait3A_69] : memref<10240x128xf32, #tpu.memory_space<vmem_shared>> -> memref<128x128xf32, #tpu.memory_space<vmem_shared>>
        tpu.wait_dma2 semaphore(%run_scoped3A : memref<!tpu.dma_semaphore, #tpu.memory_space<semaphore_mem>>) src(%arg9 : memref<128x128xf32, #tpu.memory_space<vmem>>) dst(%dma_wait3A_70 : memref<128x128xf32, #tpu.memory_space<vmem_shared>>)
        tpu.yield
      }) : () -> ()
      %scan3A_64 = arith.constant 0 : i32
      scf.yield %scan3A_64 : i32
    }
    %scan3A_32 = arith.constant 5 : i32
    %mul3A_33 = arith.constant 640 : i32
    %mul3A_34 = arith.muli %arg1, %mul3A_33 : i32
    "tpu.region"() ({
      %run_scoped3A = tpu.sem_alloc : memref<!tpu.dma_semaphore, #tpu.memory_space<semaphore_mem>>
      %dma_start3A = tpu.memref_slice %arg13[%mul3A_34] : memref<10240xf32, #tpu.memory_space<vmem_shared>> -> memref<640xf32, #tpu.memory_space<vmem_shared>>
      %dma_start3A_57 = tpu.memref_slice %arg13[%mul3A_34] : memref<10240xf32, #tpu.memory_space<vmem_shared>> -> memref<640xf32, #tpu.memory_space<vmem_shared>>
      tpu.enqueue_dma source(%arg11 : memref<640xf32, #tpu.memory_space<vmem>>) target(%dma_start3A_57 : memref<640xf32, #tpu.memory_space<vmem_shared>>) target_semaphore(%run_scoped3A : memref<!tpu.dma_semaphore, #tpu.memory_space<semaphore_mem>>)
      %dma_wait3A = tpu.memref_slice %arg13[%mul3A_34] : memref<10240xf32, #tpu.memory_space<vmem_shared>> -> memref<640xf32, #tpu.memory_space<vmem_shared>>
      %dma_wait3A_58 = tpu.memref_slice %arg13[%mul3A_34] : memref<10240xf32, #tpu.memory_space<vmem_shared>> -> memref<640xf32, #tpu.memory_space<vmem_shared>>
      tpu.wait_dma2 semaphore(%run_scoped3A : memref<!tpu.dma_semaphore, #tpu.memory_space<semaphore_mem>>) src(%arg11 : memref<640xf32, #tpu.memory_space<vmem>>) dst(%dma_wait3A_58 : memref<640xf32, #tpu.memory_space<vmem_shared>>)
      tpu.yield
    }) : () -> ()
    %barrier3A = arith.constant 0 : index
    tpu.barrier barrier_id(%barrier3A)
    "tpu.region"() ({
      %run_scoped3A = tpu.sem_alloc : memref<!tpu.dma_semaphore, #tpu.memory_space<semaphore_mem>>
      %dma_start3A = arith.constant 0 : i32
      %dma_start3A_57 = arith.constant 0 : i32
      %dma_start3A_58 = tpu.memref_slice %arg2[%add3A, %dma_start3A, %dma_start3A_57] : memref<32x79x128xi32, #tpu.memory_space<hbm>> -> memref<1x79x128xi32, #tpu.memory_space<hbm>>
      %dma_start3A_59 = tpu.memref_squeeze %dma_start3A_58 : memref<1x79x128xi32, #tpu.memory_space<hbm>> -> memref<79x128xi32, #tpu.memory_space<hbm>>
      %dma_start3A_60 = arith.constant 0 : i32
      %dma_start3A_61 = arith.constant 0 : i32
      %dma_start3A_62 = tpu.memref_slice %arg2[%add3A, %dma_start3A_60, %dma_start3A_61] : memref<32x79x128xi32, #tpu.memory_space<hbm>> -> memref<1x79x128xi32, #tpu.memory_space<hbm>>
      %dma_start3A_63 = tpu.memref_squeeze %dma_start3A_62 : memref<1x79x128xi32, #tpu.memory_space<hbm>> -> memref<79x128xi32, #tpu.memory_space<hbm>>
      tpu.enqueue_dma source(%dma_start3A_63 : memref<79x128xi32, #tpu.memory_space<hbm>>) target(%arg7 : memref<79x128xi32, #tpu.memory_space<vmem>>) target_semaphore(%run_scoped3A : memref<!tpu.dma_semaphore, #tpu.memory_space<semaphore_mem>>)
      %dma_wait3A = arith.constant 0 : i32
      %dma_wait3A_64 = arith.constant 0 : i32
      %dma_wait3A_65 = tpu.memref_slice %arg2[%add3A, %dma_wait3A, %dma_wait3A_64] : memref<32x79x128xi32, #tpu.memory_space<hbm>> -> memref<1x79x128xi32, #tpu.memory_space<hbm>>
      %dma_wait3A_66 = tpu.memref_squeeze %dma_wait3A_65 : memref<1x79x128xi32, #tpu.memory_space<hbm>> -> memref<79x128xi32, #tpu.memory_space<hbm>>
      %dma_wait3A_67 = arith.constant 0 : i32
      %dma_wait3A_68 = arith.constant 0 : i32
      %dma_wait3A_69 = tpu.memref_slice %arg2[%add3A, %dma_wait3A_67, %dma_wait3A_68] : memref<32x79x128xi32, #tpu.memory_space<hbm>> -> memref<1x79x128xi32, #tpu.memory_space<hbm>>
      %dma_wait3A_70 = tpu.memref_squeeze %dma_wait3A_69 : memref<1x79x128xi32, #tpu.memory_space<hbm>> -> memref<79x128xi32, #tpu.memory_space<hbm>>
      tpu.wait_dma2 semaphore(%run_scoped3A : memref<!tpu.dma_semaphore, #tpu.memory_space<semaphore_mem>>) src(%dma_wait3A_70 : memref<79x128xi32, #tpu.memory_space<hbm>>) dst(%arg7 : memref<79x128xi32, #tpu.memory_space<vmem>>)
      tpu.yield
    }) : () -> ()
    "tpu.region"() ({
      %run_scoped3A = tpu.sem_alloc : memref<!tpu.dma_semaphore, #tpu.memory_space<semaphore_mem>>
      %dma_start3A = arith.constant 0 : i32
      %dma_start3A_57 = arith.constant 0 : i32
      %dma_start3A_58 = tpu.memref_slice %arg3[%add3A, %dma_start3A, %dma_start3A_57] : memref<32x79x128xi32, #tpu.memory_space<hbm>> -> memref<1x79x128xi32, #tpu.memory_space<hbm>>
      %dma_start3A_59 = tpu.memref_squeeze %dma_start3A_58 : memref<1x79x128xi32, #tpu.memory_space<hbm>> -> memref<79x128xi32, #tpu.memory_space<hbm>>
      %dma_start3A_60 = arith.constant 0 : i32
      %dma_start3A_61 = arith.constant 0 : i32
      %dma_start3A_62 = tpu.memref_slice %arg3[%add3A, %dma_start3A_60, %dma_start3A_61] : memref<32x79x128xi32, #tpu.memory_space<hbm>> -> memref<1x79x128xi32, #tpu.memory_space<hbm>>
      %dma_start3A_63 = tpu.memref_squeeze %dma_start3A_62 : memref<1x79x128xi32, #tpu.memory_space<hbm>> -> memref<79x128xi32, #tpu.memory_space<hbm>>
      tpu.enqueue_dma source(%dma_start3A_63 : memref<79x128xi32, #tpu.memory_space<hbm>>) target(%arg8 : memref<79x128xi32, #tpu.memory_space<vmem>>) target_semaphore(%run_scoped3A : memref<!tpu.dma_semaphore, #tpu.memory_space<semaphore_mem>>)
      %dma_wait3A = arith.constant 0 : i32
      %dma_wait3A_64 = arith.constant 0 : i32
      %dma_wait3A_65 = tpu.memref_slice %arg3[%add3A, %dma_wait3A, %dma_wait3A_64] : memref<32x79x128xi32, #tpu.memory_space<hbm>> -> memref<1x79x128xi32, #tpu.memory_space<hbm>>
      %dma_wait3A_66 = tpu.memref_squeeze %dma_wait3A_65 : memref<1x79x128xi32, #tpu.memory_space<hbm>> -> memref<79x128xi32, #tpu.memory_space<hbm>>
      %dma_wait3A_67 = arith.constant 0 : i32
      %dma_wait3A_68 = arith.constant 0 : i32
      %dma_wait3A_69 = tpu.memref_slice %arg3[%add3A, %dma_wait3A_67, %dma_wait3A_68] : memref<32x79x128xi32, #tpu.memory_space<hbm>> -> memref<1x79x128xi32, #tpu.memory_space<hbm>>
      %dma_wait3A_70 = tpu.memref_squeeze %dma_wait3A_69 : memref<1x79x128xi32, #tpu.memory_space<hbm>> -> memref<79x128xi32, #tpu.memory_space<hbm>>
      tpu.wait_dma2 semaphore(%run_scoped3A : memref<!tpu.dma_semaphore, #tpu.memory_space<semaphore_mem>>) src(%dma_wait3A_70 : memref<79x128xi32, #tpu.memory_space<hbm>>) dst(%arg8 : memref<79x128xi32, #tpu.memory_space<vmem>>)
      tpu.yield
    }) : () -> ()
    %scan3A_35 = arith.constant 0 : i32
    %scan3A_36 = arith.constant 0 : i32
    %scan3A_37 = arith.constant 79 : i32
    %scan3A_38 = arith.addi %scan3A_36, %scan3A_37 : i32
    %scan3A_39 = arith.constant 1 : i32
    %scan3A_40 = scf.for %scan3A_57 = %scan3A_36 to %scan3A_38 step %scan3A_39 iter_args(%scan3A_58 = %scan3A_35) -> (i32)  : i32 {
      %dma_start3A = arith.constant 0 : i32
      %dma_start3A_59 = tpu.memref_slice %arg7[%scan3A_57, %dma_start3A] : memref<79x128xi32, #tpu.memory_space<vmem>> -> memref<1x128xi32, #tpu.memory_space<vmem>>
      %dma_start3A_60 = tpu.memref_squeeze %dma_start3A_59 : memref<1x128xi32, #tpu.memory_space<vmem>> -> memref<128xi32, #tpu.memory_space<vmem>>
      %dma_start3A_61 = arith.constant 0 : i32
      %dma_start3A_62 = arith.constant 0 : i32
      %dma_start3A_63 = tpu.memref_slice %arg4[%dma_start3A_61, %dma_start3A_62] : memref<10240x128xf32, #tpu.memory_space<hbm>> -> memref<10240x128xf32, #tpu.memory_space<hbm>>
      tpu.enqueue_indirect_dma source(%dma_start3A_63 : memref<10240x128xf32, #tpu.memory_space<hbm>>) target(%arg9 : memref<128x128xf32, #tpu.memory_space<vmem>>) offsets(%dma_start3A_60 : memref<128xi32, #tpu.memory_space<vmem>>) semaphore(%arg14 : memref<!tpu.dma_semaphore, #tpu.memory_space<semaphore_mem>>)
      %dma_wait3A = arith.constant 0 : i32
      %dma_wait3A_64 = tpu.memref_slice %arg7[%scan3A_57, %dma_wait3A] : memref<79x128xi32, #tpu.memory_space<vmem>> -> memref<1x128xi32, #tpu.memory_space<vmem>>
      %dma_wait3A_65 = tpu.memref_squeeze %dma_wait3A_64 : memref<1x128xi32, #tpu.memory_space<vmem>> -> memref<128xi32, #tpu.memory_space<vmem>>
      %dma_wait3A_66 = arith.constant 0 : i32
      %dma_wait3A_67 = arith.constant 0 : i32
      %dma_wait3A_68 = tpu.memref_slice %arg4[%dma_wait3A_66, %dma_wait3A_67] : memref<10240x128xf32, #tpu.memory_space<hbm>> -> memref<10240x128xf32, #tpu.memory_space<hbm>>
      tpu.wait_indirect_dma semaphore(%arg14 : memref<!tpu.dma_semaphore, #tpu.memory_space<semaphore_mem>>) src(%dma_wait3A_68 : memref<10240x128xf32, #tpu.memory_space<hbm>>) dst(%arg9 : memref<128x128xf32, #tpu.memory_space<vmem>>)
      "tpu.region"() ({
        %run_scoped3A = tpu.sem_alloc : memref<!tpu.dma_semaphore, #tpu.memory_space<semaphore_mem>>
        %dma_start3A_70 = arith.constant 0 : i32
        %dma_start3A_71 = tpu.memref_slice %arg8[%scan3A_57, %dma_start3A_70] : memref<79x128xi32, #tpu.memory_space<vmem>> -> memref<1x128xi32, #tpu.memory_space<vmem>>
        %dma_start3A_72 = tpu.memref_squeeze %dma_start3A_71 : memref<1x128xi32, #tpu.memory_space<vmem>> -> memref<128xi32, #tpu.memory_space<vmem>>
        %dma_start3A_73 = arith.constant 0 : i32
        %dma_start3A_74 = arith.constant 0 : i32
        %dma_start3A_75 = tpu.memref_slice %arg12[%dma_start3A_73, %dma_start3A_74] : memref<10240x128xf32, #tpu.memory_space<vmem_shared>> -> memref<10240x128xf32, #tpu.memory_space<vmem_shared>>
        tpu.enqueue_indirect_dma source(%arg9 : memref<128x128xf32, #tpu.memory_space<vmem>>) target(%dma_start3A_75 : memref<10240x128xf32, #tpu.memory_space<vmem_shared>>) offsets(%dma_start3A_72 : memref<128xi32, #tpu.memory_space<vmem>>) semaphore(%run_scoped3A : memref<!tpu.dma_semaphore, #tpu.memory_space<semaphore_mem>>) {add = true}
        %dma_wait3A_76 = arith.constant 0 : i32
        %dma_wait3A_77 = tpu.memref_slice %arg8[%scan3A_57, %dma_wait3A_76] : memref<79x128xi32, #tpu.memory_space<vmem>> -> memref<1x128xi32, #tpu.memory_space<vmem>>
        %dma_wait3A_78 = tpu.memref_squeeze %dma_wait3A_77 : memref<1x128xi32, #tpu.memory_space<vmem>> -> memref<128xi32, #tpu.memory_space<vmem>>
        %dma_wait3A_79 = arith.constant 0 : i32
        %dma_wait3A_80 = arith.constant 0 : i32
        %dma_wait3A_81 = tpu.memref_slice %arg12[%dma_wait3A_79, %dma_wait3A_80] : memref<10240x128xf32, #tpu.memory_space<vmem_shared>> -> memref<10240x128xf32, #tpu.memory_space<vmem_shared>>
        tpu.wait_indirect_dma semaphore(%run_scoped3A : memref<!tpu.dma_semaphore, #tpu.memory_space<semaphore_mem>>) src(%arg9 : memref<128x128xf32, #tpu.memory_space<vmem>>) dst(%dma_wait3A_81 : memref<10240x128xf32, #tpu.memory_space<vmem_shared>>)
        tpu.yield
      }) : () -> ()
      "tpu.region"() ({
        %run_scoped3A = tpu.sem_alloc : memref<!tpu.dma_semaphore, #tpu.memory_space<semaphore_mem>>
        %dma_start3A_70 = arith.constant 0 : i32
        %dma_start3A_71 = tpu.memref_slice %arg8[%scan3A_57, %dma_start3A_70] : memref<79x128xi32, #tpu.memory_space<vmem>> -> memref<1x128xi32, #tpu.memory_space<vmem>>
        %dma_start3A_72 = tpu.memref_squeeze %dma_start3A_71 : memref<1x128xi32, #tpu.memory_space<vmem>> -> memref<128xi32, #tpu.memory_space<vmem>>
        %dma_start3A_73 = arith.constant 0 : i32
        %dma_start3A_74 = tpu.memref_slice %arg13[%dma_start3A_73] : memref<10240xf32, #tpu.memory_space<vmem_shared>> -> memref<10240xf32, #tpu.memory_space<vmem_shared>>
        tpu.enqueue_indirect_dma source(%arg10 : memref<128xf32, #tpu.memory_space<vmem>>) target(%dma_start3A_74 : memref<10240xf32, #tpu.memory_space<vmem_shared>>) offsets(%dma_start3A_72 : memref<128xi32, #tpu.memory_space<vmem>>) semaphore(%run_scoped3A : memref<!tpu.dma_semaphore, #tpu.memory_space<semaphore_mem>>) {add = true}
        %dma_wait3A_75 = arith.constant 0 : i32
        %dma_wait3A_76 = tpu.memref_slice %arg8[%scan3A_57, %dma_wait3A_75] : memref<79x128xi32, #tpu.memory_space<vmem>> -> memref<1x128xi32, #tpu.memory_space<vmem>>
        %dma_wait3A_77 = tpu.memref_squeeze %dma_wait3A_76 : memref<1x128xi32, #tpu.memory_space<vmem>> -> memref<128xi32, #tpu.memory_space<vmem>>
        %dma_wait3A_78 = arith.constant 0 : i32
        %dma_wait3A_79 = tpu.memref_slice %arg13[%dma_wait3A_78] : memref<10240xf32, #tpu.memory_space<vmem_shared>> -> memref<10240xf32, #tpu.memory_space<vmem_shared>>
        tpu.wait_indirect_dma semaphore(%run_scoped3A : memref<!tpu.dma_semaphore, #tpu.memory_space<semaphore_mem>>) src(%arg10 : memref<128xf32, #tpu.memory_space<vmem>>) dst(%dma_wait3A_79 : memref<10240xf32, #tpu.memory_space<vmem_shared>>)
        tpu.yield
      }) : () -> ()
      %scan3A_69 = arith.constant 0 : i32
      scf.yield %scan3A_69 : i32
    }
    %scan3A_41 = arith.constant 79 : i32
    %barrier3A_42 = arith.constant 0 : index
    tpu.barrier barrier_id(%barrier3A_42)
    %scan3A_43 = arith.constant 0 : i32
    %scan3A_44 = arith.constant 0 : i32
    %scan3A_45 = arith.constant 5 : i32
    %scan3A_46 = arith.addi %scan3A_44, %scan3A_45 : i32
    %scan3A_47 = arith.constant 1 : i32
    %scan3A_48 = scf.for %scan3A_57 = %scan3A_44 to %scan3A_46 step %scan3A_47 iter_args(%scan3A_58 = %scan3A_43) -> (i32)  : i32 {
      %mul3A_59 = arith.constant 640 : i32
      %mul3A_60 = arith.muli %arg1, %mul3A_59 : i32
      %mul3A_61 = arith.constant 128 : i32
      %mul3A_62 = arith.muli %scan3A_57, %mul3A_61 : i32
      %add3A_63 = arith.addi %mul3A_60, %mul3A_62 : i32
      %mul3A_64 = arith.constant 10240 : i32
      %mul3A_65 = arith.muli %arg0, %mul3A_64 : i32
      %add3A_66 = arith.addi %mul3A_65, %add3A_63 : i32
      "tpu.region"() ({
        %run_scoped3A = tpu.sem_alloc : memref<!tpu.dma_semaphore, #tpu.memory_space<semaphore_mem>>
        %dma_start3A = arith.constant 0 : i32
        %dma_start3A_68 = tpu.memref_slice %arg5[%add3A_66, %dma_start3A] : memref<20480x128xf32, #tpu.memory_space<hbm>> -> memref<128x128xf32, #tpu.memory_space<hbm>>
        %dma_start3A_69 = arith.constant 0 : i32
        %dma_start3A_70 = tpu.memref_slice %arg12[%add3A_63, %dma_start3A_69] : memref<10240x128xf32, #tpu.memory_space<vmem_shared>> -> memref<128x128xf32, #tpu.memory_space<vmem_shared>>
        tpu.enqueue_dma source(%dma_start3A_70 : memref<128x128xf32, #tpu.memory_space<vmem_shared>>) target(%dma_start3A_68 : memref<128x128xf32, #tpu.memory_space<hbm>>) target_semaphore(%run_scoped3A : memref<!tpu.dma_semaphore, #tpu.memory_space<semaphore_mem>>)
        %dma_wait3A = arith.constant 0 : i32
        %dma_wait3A_71 = tpu.memref_slice %arg5[%add3A_66, %dma_wait3A] : memref<20480x128xf32, #tpu.memory_space<hbm>> -> memref<128x128xf32, #tpu.memory_space<hbm>>
        %dma_wait3A_72 = arith.constant 0 : i32
        %dma_wait3A_73 = tpu.memref_slice %arg12[%add3A_63, %dma_wait3A_72] : memref<10240x128xf32, #tpu.memory_space<vmem_shared>> -> memref<128x128xf32, #tpu.memory_space<vmem_shared>>
        tpu.wait_dma2 semaphore(%run_scoped3A : memref<!tpu.dma_semaphore, #tpu.memory_space<semaphore_mem>>) src(%dma_wait3A_73 : memref<128x128xf32, #tpu.memory_space<vmem_shared>>) dst(%dma_wait3A_71 : memref<128x128xf32, #tpu.memory_space<hbm>>)
        tpu.yield
      }) : () -> ()
      %scan3A_67 = arith.constant 0 : i32
      scf.yield %scan3A_67 : i32
    }
    %scan3A_49 = arith.constant 5 : i32
    %mul3A_50 = arith.constant 640 : i32
    %mul3A_51 = arith.muli %arg1, %mul3A_50 : i32
    %mul3A_52 = arith.constant 10240 : i32
    %mul3A_53 = arith.muli %arg0, %mul3A_52 : i32
    %mul3A_54 = arith.constant 640 : i32
    %mul3A_55 = arith.muli %arg1, %mul3A_54 : i32
    %add3A_56 = arith.addi %mul3A_53, %mul3A_55 : i32
    "tpu.region"() ({
      %run_scoped3A = tpu.sem_alloc : memref<!tpu.dma_semaphore, #tpu.memory_space<semaphore_mem>>
      %dma_start3A = tpu.memref_slice %arg6[%add3A_56] : memref<20480xf32, #tpu.memory_space<hbm>> -> memref<640xf32, #tpu.memory_space<hbm>>
      %dma_start3A_57 = tpu.memref_slice %arg13[%mul3A_51] : memref<10240xf32, #tpu.memory_space<vmem_shared>> -> memref<640xf32, #tpu.memory_space<vmem_shared>>
      tpu.enqueue_dma source(%dma_start3A_57 : memref<640xf32, #tpu.memory_space<vmem_shared>>) target(%dma_start3A : memref<640xf32, #tpu.memory_space<hbm>>) target_semaphore(%run_scoped3A : memref<!tpu.dma_semaphore, #tpu.memory_space<semaphore_mem>>)
      %dma_wait3A = tpu.memref_slice %arg6[%add3A_56] : memref<20480xf32, #tpu.memory_space<hbm>> -> memref<640xf32, #tpu.memory_space<hbm>>
      %dma_wait3A_58 = tpu.memref_slice %arg13[%mul3A_51] : memref<10240xf32, #tpu.memory_space<vmem_shared>> -> memref<640xf32, #tpu.memory_space<vmem_shared>>
      tpu.wait_dma2 semaphore(%run_scoped3A : memref<!tpu.dma_semaphore, #tpu.memory_space<semaphore_mem>>) src(%dma_wait3A_58 : memref<640xf32, #tpu.memory_space<vmem_shared>>) dst(%dma_wait3A : memref<640xf32, #tpu.memory_space<hbm>>)
      tpu.yield
    }) : () -> ()
    return
  }
}

#map = affine_map<(d0, d1) -> (0, 0, 0)>
#map1 = affine_map<(d0, d1) -> (0, 0)>
#map2 = affine_map<(d0, d1) -> (0)>
module attributes {stable_mosaic.version = 14 : i64} {
  func.func @body(%arg0: i32, %arg1: i32, %arg2: memref<32x79x128xi32, #tpu.memory_space<hbm>>, %arg3: memref<32x79x128xi32, #tpu.memory_space<hbm>>, %arg4: memref<16384x128xf32, #tpu.memory_space<hbm>>, %arg5: memref<16384x128xf32, #tpu.memory_space<hbm>>, %arg6: memref<16384xf32, #tpu.memory_space<hbm>>, %arg7: memref<79x128xi32, #tpu.memory_space<vmem>>, %arg8: memref<79x128xi32, #tpu.memory_space<vmem>>, %arg9: memref<128x128xf32, #tpu.memory_space<vmem>>, %arg10: memref<128xf32, #tpu.memory_space<vmem>>, %arg11: memref<512xf32, #tpu.memory_space<vmem>>, %arg12: memref<8192x128xf32, #tpu.memory_space<vmem_shared>>, %arg13: memref<8192xf32, #tpu.memory_space<vmem_shared>>, %arg14: memref<!tpu.dma_semaphore, #tpu.memory_space<semaphore_mem>>) attributes {dimension_semantics = [#tpu.dimension_semantics<core_parallel>, #tpu.dimension_semantics<subcore_parallel>], iteration_bounds = array<i64: 2, 16>, scalar_prefetch = 0 : i64, scratch_operands = 8 : i64, tpu.core_type = #tpu.core_type<sc_vector_subcore>, window_params = [{transform_indices = #map}, {transform_indices = #map}, {transform_indices = #map1}, {transform_indices = #map1}, {transform_indices = #map2}]} {
    %mul3A = arith.constant 16 : i32
    %mul3A_0 = arith.muli %arg0, %mul3A : i32
    %add3A = arith.addi %mul3A_0, %arg1 : i32
    %broadcast_in_dim3A = arith.constant 0.000000e+00 : f32
    %broadcast_in_dim3A_1 = vector.broadcast %broadcast_in_dim3A : f32 to vector<16xf32>
    %scan3A = arith.constant 0 : i32
    %scan3A_2 = arith.constant 0 : i32
    %scan3A_3 = arith.constant 128 : i32
    %scan3A_4 = arith.addi %scan3A_2, %scan3A_3 : i32
    %scan3A_5 = arith.constant 1 : i32
    %scan3A_6 = scf.for %scan3A_57 = %scan3A_2 to %scan3A_4 step %scan3A_5 iter_args(%scan3A_58 = %scan3A) -> (i32)  : i32 {
      %swap3A = arith.index_cast %scan3A_57 : i32 to index
      %swap3A_59 = arith.constant 0 : index
      %swap3A_60 = tpu.vector_load %arg9[%swap3A, %swap3A_59] {strides = array<i32>} : memref<128x128xf32, #tpu.memory_space<vmem>>, vector<1x16xf32>,
      %swap3A_61 = vector.shape_cast %swap3A_60 : vector<1x16xf32> to vector<16xf32>
      %swap3A_62 = vector.shape_cast %broadcast_in_dim3A_1 : vector<16xf32> to vector<1x16xf32>
      tpu.vector_store %arg9[%swap3A, %swap3A_59], %swap3A_62 {strides = array<i32>} : memref<128x128xf32, #tpu.memory_space<vmem>>, vector<1x16xf32>,
      %swap3A_63 = arith.index_cast %scan3A_57 : i32 to index
      %swap3A_64 = arith.constant 16 : index
      %swap3A_65 = tpu.vector_load %arg9[%swap3A_63, %swap3A_64] {strides = array<i32>} : memref<128x128xf32, #tpu.memory_space<vmem>>, vector<1x16xf32>,
      %swap3A_66 = vector.shape_cast %swap3A_65 : vector<1x16xf32> to vector<16xf32>
      %swap3A_67 = vector.shape_cast %broadcast_in_dim3A_1 : vector<16xf32> to vector<1x16xf32>
      tpu.vector_store %arg9[%swap3A_63, %swap3A_64], %swap3A_67 {strides = array<i32>} : memref<128x128xf32, #tpu.memory_space<vmem>>, vector<1x16xf32>,
      %swap3A_68 = arith.index_cast %scan3A_57 : i32 to index
      %swap3A_69 = arith.constant 32 : index
      %swap3A_70 = tpu.vector_load %arg9[%swap3A_68, %swap3A_69] {strides = array<i32>} : memref<128x128xf32, #tpu.memory_space<vmem>>, vector<1x16xf32>,
      %swap3A_71 = vector.shape_cast %swap3A_70 : vector<1x16xf32> to vector<16xf32>
      %swap3A_72 = vector.shape_cast %broadcast_in_dim3A_1 : vector<16xf32> to vector<1x16xf32>
      tpu.vector_store %arg9[%swap3A_68, %swap3A_69], %swap3A_72 {strides = array<i32>} : memref<128x128xf32, #tpu.memory_space<vmem>>, vector<1x16xf32>,
      %swap3A_73 = arith.index_cast %scan3A_57 : i32 to index
      %swap3A_74 = arith.constant 48 : index
      %swap3A_75 = tpu.vector_load %arg9[%swap3A_73, %swap3A_74] {strides = array<i32>} : memref<128x128xf32, #tpu.memory_space<vmem>>, vector<1x16xf32>,
      %swap3A_76 = vector.shape_cast %swap3A_75 : vector<1x16xf32> to vector<16xf32>
      %swap3A_77 = vector.shape_cast %broadcast_in_dim3A_1 : vector<16xf32> to vector<1x16xf32>
      tpu.vector_store %arg9[%swap3A_73, %swap3A_74], %swap3A_77 {strides = array<i32>} : memref<128x128xf32, #tpu.memory_space<vmem>>, vector<1x16xf32>,
      %swap3A_78 = arith.index_cast %scan3A_57 : i32 to index
      %swap3A_79 = arith.constant 64 : index
      %swap3A_80 = tpu.vector_load %arg9[%swap3A_78, %swap3A_79] {strides = array<i32>} : memref<128x128xf32, #tpu.memory_space<vmem>>, vector<1x16xf32>,
      %swap3A_81 = vector.shape_cast %swap3A_80 : vector<1x16xf32> to vector<16xf32>
      %swap3A_82 = vector.shape_cast %broadcast_in_dim3A_1 : vector<16xf32> to vector<1x16xf32>
      tpu.vector_store %arg9[%swap3A_78, %swap3A_79], %swap3A_82 {strides = array<i32>} : memref<128x128xf32, #tpu.memory_space<vmem>>, vector<1x16xf32>,
      %swap3A_83 = arith.index_cast %scan3A_57 : i32 to index
      %swap3A_84 = arith.constant 80 : index
      %swap3A_85 = tpu.vector_load %arg9[%swap3A_83, %swap3A_84] {strides = array<i32>} : memref<128x128xf32, #tpu.memory_space<vmem>>, vector<1x16xf32>,
      %swap3A_86 = vector.shape_cast %swap3A_85 : vector<1x16xf32> to vector<16xf32>
      %swap3A_87 = vector.shape_cast %broadcast_in_dim3A_1 : vector<16xf32> to vector<1x16xf32>
      tpu.vector_store %arg9[%swap3A_83, %swap3A_84], %swap3A_87 {strides = array<i32>} : memref<128x128xf32, #tpu.memory_space<vmem>>, vector<1x16xf32>,
      %swap3A_88 = arith.index_cast %scan3A_57 : i32 to index
      %swap3A_89 = arith.constant 96 : index
      %swap3A_90 = tpu.vector_load %arg9[%swap3A_88, %swap3A_89] {strides = array<i32>} : memref<128x128xf32, #tpu.memory_space<vmem>>, vector<1x16xf32>,
      %swap3A_91 = vector.shape_cast %swap3A_90 : vector<1x16xf32> to vector<16xf32>
      %swap3A_92 = vector.shape_cast %broadcast_in_dim3A_1 : vector<16xf32> to vector<1x16xf32>
      tpu.vector_store %arg9[%swap3A_88, %swap3A_89], %swap3A_92 {strides = array<i32>} : memref<128x128xf32, #tpu.memory_space<vmem>>, vector<1x16xf32>,
      %swap3A_93 = arith.index_cast %scan3A_57 : i32 to index
      %swap3A_94 = arith.constant 112 : index
      %swap3A_95 = tpu.vector_load %arg9[%swap3A_93, %swap3A_94] {strides = array<i32>} : memref<128x128xf32, #tpu.memory_space<vmem>>, vector<1x16xf32>,
      %swap3A_96 = vector.shape_cast %swap3A_95 : vector<1x16xf32> to vector<16xf32>
      %swap3A_97 = vector.shape_cast %broadcast_in_dim3A_1 : vector<16xf32> to vector<1x16xf32>
      tpu.vector_store %arg9[%swap3A_93, %swap3A_94], %swap3A_97 {strides = array<i32>} : memref<128x128xf32, #tpu.memory_space<vmem>>, vector<1x16xf32>,
      %scan3A_98 = arith.constant 0 : i32
      scf.yield %scan3A_98 : i32
    }
    %scan3A_7 = arith.constant 128 : i32
    %broadcast_in_dim3A_8 = arith.constant 1.000000e+00 : f32
    %broadcast_in_dim3A_9 = vector.broadcast %broadcast_in_dim3A_8 : f32 to vector<16xf32>
    %scan3A_10 = arith.constant 0 : i32
    %scan3A_11 = arith.constant 0 : i32
    %scan3A_12 = arith.constant 8 : i32
    %scan3A_13 = arith.addi %scan3A_11, %scan3A_12 : i32
    %scan3A_14 = arith.constant 1 : i32
    %scan3A_15 = scf.for %scan3A_57 = %scan3A_11 to %scan3A_13 step %scan3A_14 iter_args(%scan3A_58 = %scan3A_10) -> (i32)  : i32 {
      %mul3A_59 = arith.constant 16 : i32
      %mul3A_60 = arith.muli %scan3A_57, %mul3A_59 : i32
      %swap3A = arith.index_cast %mul3A_60 : i32 to index
      %swap3A_61 = tpu.vector_load %arg10[%swap3A] {strides = array<i32>} : memref<128xf32, #tpu.memory_space<vmem>>, vector<16xf32>,
      %swap3A_62 = vector.shape_cast %swap3A_61 : vector<16xf32> to vector<16xf32>
      %swap3A_63 = vector.shape_cast %broadcast_in_dim3A_9 : vector<16xf32> to vector<16xf32>
      tpu.vector_store %arg10[%swap3A], %swap3A_63 {strides = array<i32>} : memref<128xf32, #tpu.memory_space<vmem>>, vector<16xf32>,
      %scan3A_64 = arith.constant 0 : i32
      scf.yield %scan3A_64 : i32
    }
    %scan3A_16 = arith.constant 8 : i32
    %broadcast_in_dim3A_17 = arith.constant 0.000000e+00 : f32
    %broadcast_in_dim3A_18 = vector.broadcast %broadcast_in_dim3A_17 : f32 to vector<16xf32>
    %scan3A_19 = arith.constant 0 : i32
    %scan3A_20 = arith.constant 0 : i32
    %scan3A_21 = arith.constant 32 : i32
    %scan3A_22 = arith.addi %scan3A_20, %scan3A_21 : i32
    %scan3A_23 = arith.constant 1 : i32
    %scan3A_24 = scf.for %scan3A_57 = %scan3A_20 to %scan3A_22 step %scan3A_23 iter_args(%scan3A_58 = %scan3A_19) -> (i32)  : i32 {
      %mul3A_59 = arith.constant 16 : i32
      %mul3A_60 = arith.muli %scan3A_57, %mul3A_59 : i32
      %swap3A = arith.index_cast %mul3A_60 : i32 to index
      %swap3A_61 = tpu.vector_load %arg11[%swap3A] {strides = array<i32>} : memref<512xf32, #tpu.memory_space<vmem>>, vector<16xf32>,
      %swap3A_62 = vector.shape_cast %swap3A_61 : vector<16xf32> to vector<16xf32>
      %swap3A_63 = vector.shape_cast %broadcast_in_dim3A_18 : vector<16xf32> to vector<16xf32>
      tpu.vector_store %arg11[%swap3A], %swap3A_63 {strides = array<i32>} : memref<512xf32, #tpu.memory_space<vmem>>, vector<16xf32>,
      %scan3A_64 = arith.constant 0 : i32
      scf.yield %scan3A_64 : i32
    }
    %scan3A_25 = arith.constant 32 : i32
    %scan3A_26 = arith.constant 0 : i32
    %scan3A_27 = arith.constant 0 : i32
    %scan3A_28 = arith.constant 4 : i32
    %scan3A_29 = arith.addi %scan3A_27, %scan3A_28 : i32
    %scan3A_30 = arith.constant 1 : i32
    %scan3A_31 = scf.for %scan3A_57 = %scan3A_27 to %scan3A_29 step %scan3A_30 iter_args(%scan3A_58 = %scan3A_26) -> (i32)  : i32 {
      %mul3A_59 = arith.constant 512 : i32
      %mul3A_60 = arith.muli %arg1, %mul3A_59 : i32
      %mul3A_61 = arith.constant 128 : i32
      %mul3A_62 = arith.muli %scan3A_57, %mul3A_61 : i32
      %add3A_63 = arith.addi %mul3A_60, %mul3A_62 : i32
      "tpu.region"() ({
        %run_scoped3A = tpu.sem_alloc : memref<!tpu.dma_semaphore, #tpu.memory_space<semaphore_mem>>
        %dma_start3A = arith.constant 0 : i32
        %dma_start3A_65 = tpu.memref_slice %arg12[%add3A_63, %dma_start3A] : memref<8192x128xf32, #tpu.memory_space<vmem_shared>> -> memref<128x128xf32, #tpu.memory_space<vmem_shared>>
        %dma_start3A_66 = arith.constant 0 : i32
        %dma_start3A_67 = tpu.memref_slice %arg12[%add3A_63, %dma_start3A_66] : memref<8192x128xf32, #tpu.memory_space<vmem_shared>> -> memref<128x128xf32, #tpu.memory_space<vmem_shared>>
        tpu.enqueue_dma source(%arg9 : memref<128x128xf32, #tpu.memory_space<vmem>>) target(%dma_start3A_67 : memref<128x128xf32, #tpu.memory_space<vmem_shared>>) target_semaphore(%run_scoped3A : memref<!tpu.dma_semaphore, #tpu.memory_space<semaphore_mem>>)
        %dma_wait3A = arith.constant 0 : i32
        %dma_wait3A_68 = tpu.memref_slice %arg12[%add3A_63, %dma_wait3A] : memref<8192x128xf32, #tpu.memory_space<vmem_shared>> -> memref<128x128xf32, #tpu.memory_space<vmem_shared>>
        %dma_wait3A_69 = arith.constant 0 : i32
        %dma_wait3A_70 = tpu.memref_slice %arg12[%add3A_63, %dma_wait3A_69] : memref<8192x128xf32, #tpu.memory_space<vmem_shared>> -> memref<128x128xf32, #tpu.memory_space<vmem_shared>>
        tpu.wait_dma2 semaphore(%run_scoped3A : memref<!tpu.dma_semaphore, #tpu.memory_space<semaphore_mem>>) src(%arg9 : memref<128x128xf32, #tpu.memory_space<vmem>>) dst(%dma_wait3A_70 : memref<128x128xf32, #tpu.memory_space<vmem_shared>>)
        tpu.yield
      }) : () -> ()
      %scan3A_64 = arith.constant 0 : i32
      scf.yield %scan3A_64 : i32
    }
    %scan3A_32 = arith.constant 4 : i32
    %mul3A_33 = arith.constant 512 : i32
    %mul3A_34 = arith.muli %arg1, %mul3A_33 : i32
    "tpu.region"() ({
      %run_scoped3A = tpu.sem_alloc : memref<!tpu.dma_semaphore, #tpu.memory_space<semaphore_mem>>
      %dma_start3A = tpu.memref_slice %arg13[%mul3A_34] : memref<8192xf32, #tpu.memory_space<vmem_shared>> -> memref<512xf32, #tpu.memory_space<vmem_shared>>
      %dma_start3A_57 = tpu.memref_slice %arg13[%mul3A_34] : memref<8192xf32, #tpu.memory_space<vmem_shared>> -> memref<512xf32, #tpu.memory_space<vmem_shared>>
      tpu.enqueue_dma source(%arg11 : memref<512xf32, #tpu.memory_space<vmem>>) target(%dma_start3A_57 : memref<512xf32, #tpu.memory_space<vmem_shared>>) target_semaphore(%run_scoped3A : memref<!tpu.dma_semaphore, #tpu.memory_space<semaphore_mem>>)
      %dma_wait3A = tpu.memref_slice %arg13[%mul3A_34] : memref<8192xf32, #tpu.memory_space<vmem_shared>> -> memref<512xf32, #tpu.memory_space<vmem_shared>>
      %dma_wait3A_58 = tpu.memref_slice %arg13[%mul3A_34] : memref<8192xf32, #tpu.memory_space<vmem_shared>> -> memref<512xf32, #tpu.memory_space<vmem_shared>>
      tpu.wait_dma2 semaphore(%run_scoped3A : memref<!tpu.dma_semaphore, #tpu.memory_space<semaphore_mem>>) src(%arg11 : memref<512xf32, #tpu.memory_space<vmem>>) dst(%dma_wait3A_58 : memref<512xf32, #tpu.memory_space<vmem_shared>>)
      tpu.yield
    }) : () -> ()
    %barrier3A = arith.constant 0 : index
    tpu.barrier barrier_id(%barrier3A)
    "tpu.region"() ({
      %run_scoped3A = tpu.sem_alloc : memref<!tpu.dma_semaphore, #tpu.memory_space<semaphore_mem>>
      %dma_start3A = arith.constant 0 : i32
      %dma_start3A_57 = arith.constant 0 : i32
      %dma_start3A_58 = tpu.memref_slice %arg2[%add3A, %dma_start3A, %dma_start3A_57] : memref<32x79x128xi32, #tpu.memory_space<hbm>> -> memref<1x79x128xi32, #tpu.memory_space<hbm>>
      %dma_start3A_59 = tpu.memref_squeeze %dma_start3A_58 : memref<1x79x128xi32, #tpu.memory_space<hbm>> -> memref<79x128xi32, #tpu.memory_space<hbm>>
      %dma_start3A_60 = arith.constant 0 : i32
      %dma_start3A_61 = arith.constant 0 : i32
      %dma_start3A_62 = tpu.memref_slice %arg2[%add3A, %dma_start3A_60, %dma_start3A_61] : memref<32x79x128xi32, #tpu.memory_space<hbm>> -> memref<1x79x128xi32, #tpu.memory_space<hbm>>
      %dma_start3A_63 = tpu.memref_squeeze %dma_start3A_62 : memref<1x79x128xi32, #tpu.memory_space<hbm>> -> memref<79x128xi32, #tpu.memory_space<hbm>>
      tpu.enqueue_dma source(%dma_start3A_63 : memref<79x128xi32, #tpu.memory_space<hbm>>) target(%arg7 : memref<79x128xi32, #tpu.memory_space<vmem>>) target_semaphore(%run_scoped3A : memref<!tpu.dma_semaphore, #tpu.memory_space<semaphore_mem>>)
      %dma_wait3A = arith.constant 0 : i32
      %dma_wait3A_64 = arith.constant 0 : i32
      %dma_wait3A_65 = tpu.memref_slice %arg2[%add3A, %dma_wait3A, %dma_wait3A_64] : memref<32x79x128xi32, #tpu.memory_space<hbm>> -> memref<1x79x128xi32, #tpu.memory_space<hbm>>
      %dma_wait3A_66 = tpu.memref_squeeze %dma_wait3A_65 : memref<1x79x128xi32, #tpu.memory_space<hbm>> -> memref<79x128xi32, #tpu.memory_space<hbm>>
      %dma_wait3A_67 = arith.constant 0 : i32
      %dma_wait3A_68 = arith.constant 0 : i32
      %dma_wait3A_69 = tpu.memref_slice %arg2[%add3A, %dma_wait3A_67, %dma_wait3A_68] : memref<32x79x128xi32, #tpu.memory_space<hbm>> -> memref<1x79x128xi32, #tpu.memory_space<hbm>>
      %dma_wait3A_70 = tpu.memref_squeeze %dma_wait3A_69 : memref<1x79x128xi32, #tpu.memory_space<hbm>> -> memref<79x128xi32, #tpu.memory_space<hbm>>
      tpu.wait_dma2 semaphore(%run_scoped3A : memref<!tpu.dma_semaphore, #tpu.memory_space<semaphore_mem>>) src(%dma_wait3A_70 : memref<79x128xi32, #tpu.memory_space<hbm>>) dst(%arg7 : memref<79x128xi32, #tpu.memory_space<vmem>>)
      tpu.yield
    }) : () -> ()
    "tpu.region"() ({
      %run_scoped3A = tpu.sem_alloc : memref<!tpu.dma_semaphore, #tpu.memory_space<semaphore_mem>>
      %dma_start3A = arith.constant 0 : i32
      %dma_start3A_57 = arith.constant 0 : i32
      %dma_start3A_58 = tpu.memref_slice %arg3[%add3A, %dma_start3A, %dma_start3A_57] : memref<32x79x128xi32, #tpu.memory_space<hbm>> -> memref<1x79x128xi32, #tpu.memory_space<hbm>>
      %dma_start3A_59 = tpu.memref_squeeze %dma_start3A_58 : memref<1x79x128xi32, #tpu.memory_space<hbm>> -> memref<79x128xi32, #tpu.memory_space<hbm>>
      %dma_start3A_60 = arith.constant 0 : i32
      %dma_start3A_61 = arith.constant 0 : i32
      %dma_start3A_62 = tpu.memref_slice %arg3[%add3A, %dma_start3A_60, %dma_start3A_61] : memref<32x79x128xi32, #tpu.memory_space<hbm>> -> memref<1x79x128xi32, #tpu.memory_space<hbm>>
      %dma_start3A_63 = tpu.memref_squeeze %dma_start3A_62 : memref<1x79x128xi32, #tpu.memory_space<hbm>> -> memref<79x128xi32, #tpu.memory_space<hbm>>
      tpu.enqueue_dma source(%dma_start3A_63 : memref<79x128xi32, #tpu.memory_space<hbm>>) target(%arg8 : memref<79x128xi32, #tpu.memory_space<vmem>>) target_semaphore(%run_scoped3A : memref<!tpu.dma_semaphore, #tpu.memory_space<semaphore_mem>>)
      %dma_wait3A = arith.constant 0 : i32
      %dma_wait3A_64 = arith.constant 0 : i32
      %dma_wait3A_65 = tpu.memref_slice %arg3[%add3A, %dma_wait3A, %dma_wait3A_64] : memref<32x79x128xi32, #tpu.memory_space<hbm>> -> memref<1x79x128xi32, #tpu.memory_space<hbm>>
      %dma_wait3A_66 = tpu.memref_squeeze %dma_wait3A_65 : memref<1x79x128xi32, #tpu.memory_space<hbm>> -> memref<79x128xi32, #tpu.memory_space<hbm>>
      %dma_wait3A_67 = arith.constant 0 : i32
      %dma_wait3A_68 = arith.constant 0 : i32
      %dma_wait3A_69 = tpu.memref_slice %arg3[%add3A, %dma_wait3A_67, %dma_wait3A_68] : memref<32x79x128xi32, #tpu.memory_space<hbm>> -> memref<1x79x128xi32, #tpu.memory_space<hbm>>
      %dma_wait3A_70 = tpu.memref_squeeze %dma_wait3A_69 : memref<1x79x128xi32, #tpu.memory_space<hbm>> -> memref<79x128xi32, #tpu.memory_space<hbm>>
      tpu.wait_dma2 semaphore(%run_scoped3A : memref<!tpu.dma_semaphore, #tpu.memory_space<semaphore_mem>>) src(%dma_wait3A_70 : memref<79x128xi32, #tpu.memory_space<hbm>>) dst(%arg8 : memref<79x128xi32, #tpu.memory_space<vmem>>)
      tpu.yield
    }) : () -> ()
    %scan3A_35 = arith.constant 0 : i32
    %scan3A_36 = arith.constant 0 : i32
    %scan3A_37 = arith.constant 79 : i32
    %scan3A_38 = arith.addi %scan3A_36, %scan3A_37 : i32
    %scan3A_39 = arith.constant 1 : i32
    %scan3A_40 = scf.for %scan3A_57 = %scan3A_36 to %scan3A_38 step %scan3A_39 iter_args(%scan3A_58 = %scan3A_35) -> (i32)  : i32 {
      %dma_start3A = arith.constant 0 : i32
      %dma_start3A_59 = tpu.memref_slice %arg7[%scan3A_57, %dma_start3A] : memref<79x128xi32, #tpu.memory_space<vmem>> -> memref<1x128xi32, #tpu.memory_space<vmem>>
      %dma_start3A_60 = tpu.memref_squeeze %dma_start3A_59 : memref<1x128xi32, #tpu.memory_space<vmem>> -> memref<128xi32, #tpu.memory_space<vmem>>
      %dma_start3A_61 = arith.constant 0 : i32
      %dma_start3A_62 = arith.constant 0 : i32
      %dma_start3A_63 = tpu.memref_slice %arg4[%dma_start3A_61, %dma_start3A_62] : memref<16384x128xf32, #tpu.memory_space<hbm>> -> memref<16384x128xf32, #tpu.memory_space<hbm>>
      tpu.enqueue_indirect_dma source(%dma_start3A_63 : memref<16384x128xf32, #tpu.memory_space<hbm>>) target(%arg9 : memref<128x128xf32, #tpu.memory_space<vmem>>) offsets(%dma_start3A_60 : memref<128xi32, #tpu.memory_space<vmem>>) semaphore(%arg14 : memref<!tpu.dma_semaphore, #tpu.memory_space<semaphore_mem>>)
      %dma_wait3A = arith.constant 0 : i32
      %dma_wait3A_64 = tpu.memref_slice %arg7[%scan3A_57, %dma_wait3A] : memref<79x128xi32, #tpu.memory_space<vmem>> -> memref<1x128xi32, #tpu.memory_space<vmem>>
      %dma_wait3A_65 = tpu.memref_squeeze %dma_wait3A_64 : memref<1x128xi32, #tpu.memory_space<vmem>> -> memref<128xi32, #tpu.memory_space<vmem>>
      %dma_wait3A_66 = arith.constant 0 : i32
      %dma_wait3A_67 = arith.constant 0 : i32
      %dma_wait3A_68 = tpu.memref_slice %arg4[%dma_wait3A_66, %dma_wait3A_67] : memref<16384x128xf32, #tpu.memory_space<hbm>> -> memref<16384x128xf32, #tpu.memory_space<hbm>>
      tpu.wait_indirect_dma semaphore(%arg14 : memref<!tpu.dma_semaphore, #tpu.memory_space<semaphore_mem>>) src(%dma_wait3A_68 : memref<16384x128xf32, #tpu.memory_space<hbm>>) dst(%arg9 : memref<128x128xf32, #tpu.memory_space<vmem>>)
      "tpu.region"() ({
        %run_scoped3A = tpu.sem_alloc : memref<!tpu.dma_semaphore, #tpu.memory_space<semaphore_mem>>
        %dma_start3A_70 = arith.constant 0 : i32
        %dma_start3A_71 = tpu.memref_slice %arg8[%scan3A_57, %dma_start3A_70] : memref<79x128xi32, #tpu.memory_space<vmem>> -> memref<1x128xi32, #tpu.memory_space<vmem>>
        %dma_start3A_72 = tpu.memref_squeeze %dma_start3A_71 : memref<1x128xi32, #tpu.memory_space<vmem>> -> memref<128xi32, #tpu.memory_space<vmem>>
        %dma_start3A_73 = arith.constant 0 : i32
        %dma_start3A_74 = arith.constant 0 : i32
        %dma_start3A_75 = tpu.memref_slice %arg12[%dma_start3A_73, %dma_start3A_74] : memref<8192x128xf32, #tpu.memory_space<vmem_shared>> -> memref<8192x128xf32, #tpu.memory_space<vmem_shared>>
        tpu.enqueue_indirect_dma source(%arg9 : memref<128x128xf32, #tpu.memory_space<vmem>>) target(%dma_start3A_75 : memref<8192x128xf32, #tpu.memory_space<vmem_shared>>) offsets(%dma_start3A_72 : memref<128xi32, #tpu.memory_space<vmem>>) semaphore(%run_scoped3A : memref<!tpu.dma_semaphore, #tpu.memory_space<semaphore_mem>>) {add = true}
        %dma_wait3A_76 = arith.constant 0 : i32
        %dma_wait3A_77 = tpu.memref_slice %arg8[%scan3A_57, %dma_wait3A_76] : memref<79x128xi32, #tpu.memory_space<vmem>> -> memref<1x128xi32, #tpu.memory_space<vmem>>
        %dma_wait3A_78 = tpu.memref_squeeze %dma_wait3A_77 : memref<1x128xi32, #tpu.memory_space<vmem>> -> memref<128xi32, #tpu.memory_space<vmem>>
        %dma_wait3A_79 = arith.constant 0 : i32
        %dma_wait3A_80 = arith.constant 0 : i32
        %dma_wait3A_81 = tpu.memref_slice %arg12[%dma_wait3A_79, %dma_wait3A_80] : memref<8192x128xf32, #tpu.memory_space<vmem_shared>> -> memref<8192x128xf32, #tpu.memory_space<vmem_shared>>
        tpu.wait_indirect_dma semaphore(%run_scoped3A : memref<!tpu.dma_semaphore, #tpu.memory_space<semaphore_mem>>) src(%arg9 : memref<128x128xf32, #tpu.memory_space<vmem>>) dst(%dma_wait3A_81 : memref<8192x128xf32, #tpu.memory_space<vmem_shared>>)
        tpu.yield
      }) : () -> ()
      "tpu.region"() ({
        %run_scoped3A = tpu.sem_alloc : memref<!tpu.dma_semaphore, #tpu.memory_space<semaphore_mem>>
        %dma_start3A_70 = arith.constant 0 : i32
        %dma_start3A_71 = tpu.memref_slice %arg8[%scan3A_57, %dma_start3A_70] : memref<79x128xi32, #tpu.memory_space<vmem>> -> memref<1x128xi32, #tpu.memory_space<vmem>>
        %dma_start3A_72 = tpu.memref_squeeze %dma_start3A_71 : memref<1x128xi32, #tpu.memory_space<vmem>> -> memref<128xi32, #tpu.memory_space<vmem>>
        %dma_start3A_73 = arith.constant 0 : i32
        %dma_start3A_74 = tpu.memref_slice %arg13[%dma_start3A_73] : memref<8192xf32, #tpu.memory_space<vmem_shared>> -> memref<8192xf32, #tpu.memory_space<vmem_shared>>
        tpu.enqueue_indirect_dma source(%arg10 : memref<128xf32, #tpu.memory_space<vmem>>) target(%dma_start3A_74 : memref<8192xf32, #tpu.memory_space<vmem_shared>>) offsets(%dma_start3A_72 : memref<128xi32, #tpu.memory_space<vmem>>) semaphore(%run_scoped3A : memref<!tpu.dma_semaphore, #tpu.memory_space<semaphore_mem>>) {add = true}
        %dma_wait3A_75 = arith.constant 0 : i32
        %dma_wait3A_76 = tpu.memref_slice %arg8[%scan3A_57, %dma_wait3A_75] : memref<79x128xi32, #tpu.memory_space<vmem>> -> memref<1x128xi32, #tpu.memory_space<vmem>>
        %dma_wait3A_77 = tpu.memref_squeeze %dma_wait3A_76 : memref<1x128xi32, #tpu.memory_space<vmem>> -> memref<128xi32, #tpu.memory_space<vmem>>
        %dma_wait3A_78 = arith.constant 0 : i32
        %dma_wait3A_79 = tpu.memref_slice %arg13[%dma_wait3A_78] : memref<8192xf32, #tpu.memory_space<vmem_shared>> -> memref<8192xf32, #tpu.memory_space<vmem_shared>>
        tpu.wait_indirect_dma semaphore(%run_scoped3A : memref<!tpu.dma_semaphore, #tpu.memory_space<semaphore_mem>>) src(%arg10 : memref<128xf32, #tpu.memory_space<vmem>>) dst(%dma_wait3A_79 : memref<8192xf32, #tpu.memory_space<vmem_shared>>)
        tpu.yield
      }) : () -> ()
      %scan3A_69 = arith.constant 0 : i32
      scf.yield %scan3A_69 : i32
    }
    %scan3A_41 = arith.constant 79 : i32
    %barrier3A_42 = arith.constant 0 : index
    tpu.barrier barrier_id(%barrier3A_42)
    %scan3A_43 = arith.constant 0 : i32
    %scan3A_44 = arith.constant 0 : i32
    %scan3A_45 = arith.constant 4 : i32
    %scan3A_46 = arith.addi %scan3A_44, %scan3A_45 : i32
    %scan3A_47 = arith.constant 1 : i32
    %scan3A_48 = scf.for %scan3A_57 = %scan3A_44 to %scan3A_46 step %scan3A_47 iter_args(%scan3A_58 = %scan3A_43) -> (i32)  : i32 {
      %mul3A_59 = arith.constant 512 : i32
      %mul3A_60 = arith.muli %arg1, %mul3A_59 : i32
      %mul3A_61 = arith.constant 128 : i32
      %mul3A_62 = arith.muli %scan3A_57, %mul3A_61 : i32
      %add3A_63 = arith.addi %mul3A_60, %mul3A_62 : i32
      %mul3A_64 = arith.constant 8192 : i32
      %mul3A_65 = arith.muli %arg0, %mul3A_64 : i32
      %add3A_66 = arith.addi %mul3A_65, %add3A_63 : i32
      "tpu.region"() ({
        %run_scoped3A = tpu.sem_alloc : memref<!tpu.dma_semaphore, #tpu.memory_space<semaphore_mem>>
        %dma_start3A = arith.constant 0 : i32
        %dma_start3A_68 = tpu.memref_slice %arg5[%add3A_66, %dma_start3A] : memref<16384x128xf32, #tpu.memory_space<hbm>> -> memref<128x128xf32, #tpu.memory_space<hbm>>
        %dma_start3A_69 = arith.constant 0 : i32
        %dma_start3A_70 = tpu.memref_slice %arg12[%add3A_63, %dma_start3A_69] : memref<8192x128xf32, #tpu.memory_space<vmem_shared>> -> memref<128x128xf32, #tpu.memory_space<vmem_shared>>
        tpu.enqueue_dma source(%dma_start3A_70 : memref<128x128xf32, #tpu.memory_space<vmem_shared>>) target(%dma_start3A_68 : memref<128x128xf32, #tpu.memory_space<hbm>>) target_semaphore(%run_scoped3A : memref<!tpu.dma_semaphore, #tpu.memory_space<semaphore_mem>>)
        %dma_wait3A = arith.constant 0 : i32
        %dma_wait3A_71 = tpu.memref_slice %arg5[%add3A_66, %dma_wait3A] : memref<16384x128xf32, #tpu.memory_space<hbm>> -> memref<128x128xf32, #tpu.memory_space<hbm>>
        %dma_wait3A_72 = arith.constant 0 : i32
        %dma_wait3A_73 = tpu.memref_slice %arg12[%add3A_63, %dma_wait3A_72] : memref<8192x128xf32, #tpu.memory_space<vmem_shared>> -> memref<128x128xf32, #tpu.memory_space<vmem_shared>>
        tpu.wait_dma2 semaphore(%run_scoped3A : memref<!tpu.dma_semaphore, #tpu.memory_space<semaphore_mem>>) src(%dma_wait3A_73 : memref<128x128xf32, #tpu.memory_space<vmem_shared>>) dst(%dma_wait3A_71 : memref<128x128xf32, #tpu.memory_space<hbm>>)
        tpu.yield
      }) : () -> ()
      %scan3A_67 = arith.constant 0 : i32
      scf.yield %scan3A_67 : i32
    }
    %scan3A_49 = arith.constant 4 : i32
    %mul3A_50 = arith.constant 512 : i32
    %mul3A_51 = arith.muli %arg1, %mul3A_50 : i32
    %mul3A_52 = arith.constant 8192 : i32
    %mul3A_53 = arith.muli %arg0, %mul3A_52 : i32
    %mul3A_54 = arith.constant 512 : i32
    %mul3A_55 = arith.muli %arg1, %mul3A_54 : i32
    %add3A_56 = arith.addi %mul3A_53, %mul3A_55 : i32
    "tpu.region"() ({
      %run_scoped3A = tpu.sem_alloc : memref<!tpu.dma_semaphore, #tpu.memory_space<semaphore_mem>>
      %dma_start3A = tpu.memref_slice %arg6[%add3A_56] : memref<16384xf32, #tpu.memory_space<hbm>> -> memref<512xf32, #tpu.memory_space<hbm>>
      %dma_start3A_57 = tpu.memref_slice %arg13[%mul3A_51] : memref<8192xf32, #tpu.memory_space<vmem_shared>> -> memref<512xf32, #tpu.memory_space<vmem_shared>>
      tpu.enqueue_dma source(%dma_start3A_57 : memref<512xf32, #tpu.memory_space<vmem_shared>>) target(%dma_start3A : memref<512xf32, #tpu.memory_space<hbm>>) target_semaphore(%run_scoped3A : memref<!tpu.dma_semaphore, #tpu.memory_space<semaphore_mem>>)
      %dma_wait3A = tpu.memref_slice %arg6[%add3A_56] : memref<16384xf32, #tpu.memory_space<hbm>> -> memref<512xf32, #tpu.memory_space<hbm>>
      %dma_wait3A_58 = tpu.memref_slice %arg13[%mul3A_51] : memref<8192xf32, #tpu.memory_space<vmem_shared>> -> memref<512xf32, #tpu.memory_space<vmem_shared>>
      tpu.wait_dma2 semaphore(%run_scoped3A : memref<!tpu.dma_semaphore, #tpu.memory_space<semaphore_mem>>) src(%dma_wait3A_58 : memref<512xf32, #tpu.memory_space<vmem_shared>>) dst(%dma_wait3A : memref<512xf32, #tpu.memory_space<hbm>>)
      tpu.yield
    }) : () -> ()
    return
  }
}

#map = affine_map<(d0, d1) -> (0, 0, 0)>
#map1 = affine_map<(d0, d1) -> (0, 0)>
module attributes {stable_mosaic.version = 14 : i64} {
  func.func @body(%arg0: i32, %arg1: i32, %arg2: memref<32x79x128xi32, #tpu.memory_space<hbm>>, %arg3: memref<32x79x128xi32, #tpu.memory_space<hbm>>, %arg4: memref<10240x128xf32, #tpu.memory_space<hbm>>, %arg5: memref<20480x128xf32, #tpu.memory_space<hbm>>, %arg6: memref<79x128xi32, #tpu.memory_space<vmem>>, %arg7: memref<79x128xi32, #tpu.memory_space<vmem>>, %arg8: memref<128x128xf32, #tpu.memory_space<vmem>>, %arg9: memref<128xf32, #tpu.memory_space<vmem>>, %arg10: memref<640xf32, #tpu.memory_space<vmem>>, %arg11: memref<10240x128xf32, #tpu.memory_space<vmem_shared>>, %arg12: memref<10240xf32, #tpu.memory_space<vmem_shared>>, %arg13: memref<!tpu.dma_semaphore, #tpu.memory_space<semaphore_mem>>) attributes {dimension_semantics = [#tpu.dimension_semantics<core_parallel>, #tpu.dimension_semantics<subcore_parallel>], iteration_bounds = array<i64: 2, 16>, scalar_prefetch = 0 : i64, scratch_operands = 8 : i64, tpu.core_type = #tpu.core_type<sc_vector_subcore>, window_params = [{transform_indices = #map}, {transform_indices = #map}, {transform_indices = #map1}, {transform_indices = #map1}]} {
    %mul3A = arith.constant 16 : i32
    %mul3A_0 = arith.muli %arg0, %mul3A : i32
    %add3A = arith.addi %mul3A_0, %arg1 : i32
    %broadcast_in_dim3A = arith.constant 0.000000e+00 : f32
    %broadcast_in_dim3A_1 = vector.broadcast %broadcast_in_dim3A : f32 to vector<16xf32>
    %scan3A = arith.constant 0 : i32
    %scan3A_2 = arith.constant 0 : i32
    %scan3A_3 = arith.constant 128 : i32
    %scan3A_4 = arith.addi %scan3A_2, %scan3A_3 : i32
    %scan3A_5 = arith.constant 1 : i32
    %scan3A_6 = scf.for %scan3A_50 = %scan3A_2 to %scan3A_4 step %scan3A_5 iter_args(%scan3A_51 = %scan3A) -> (i32)  : i32 {
      %swap3A = arith.index_cast %scan3A_50 : i32 to index
      %swap3A_52 = arith.constant 0 : index
      %swap3A_53 = tpu.vector_load %arg8[%swap3A, %swap3A_52] {strides = array<i32>} : memref<128x128xf32, #tpu.memory_space<vmem>>, vector<1x16xf32>,
      %swap3A_54 = vector.shape_cast %swap3A_53 : vector<1x16xf32> to vector<16xf32>
      %swap3A_55 = vector.shape_cast %broadcast_in_dim3A_1 : vector<16xf32> to vector<1x16xf32>
      tpu.vector_store %arg8[%swap3A, %swap3A_52], %swap3A_55 {strides = array<i32>} : memref<128x128xf32, #tpu.memory_space<vmem>>, vector<1x16xf32>,
      %swap3A_56 = arith.index_cast %scan3A_50 : i32 to index
      %swap3A_57 = arith.constant 16 : index
      %swap3A_58 = tpu.vector_load %arg8[%swap3A_56, %swap3A_57] {strides = array<i32>} : memref<128x128xf32, #tpu.memory_space<vmem>>, vector<1x16xf32>,
      %swap3A_59 = vector.shape_cast %swap3A_58 : vector<1x16xf32> to vector<16xf32>
      %swap3A_60 = vector.shape_cast %broadcast_in_dim3A_1 : vector<16xf32> to vector<1x16xf32>
      tpu.vector_store %arg8[%swap3A_56, %swap3A_57], %swap3A_60 {strides = array<i32>} : memref<128x128xf32, #tpu.memory_space<vmem>>, vector<1x16xf32>,
      %swap3A_61 = arith.index_cast %scan3A_50 : i32 to index
      %swap3A_62 = arith.constant 32 : index
      %swap3A_63 = tpu.vector_load %arg8[%swap3A_61, %swap3A_62] {strides = array<i32>} : memref<128x128xf32, #tpu.memory_space<vmem>>, vector<1x16xf32>,
      %swap3A_64 = vector.shape_cast %swap3A_63 : vector<1x16xf32> to vector<16xf32>
      %swap3A_65 = vector.shape_cast %broadcast_in_dim3A_1 : vector<16xf32> to vector<1x16xf32>
      tpu.vector_store %arg8[%swap3A_61, %swap3A_62], %swap3A_65 {strides = array<i32>} : memref<128x128xf32, #tpu.memory_space<vmem>>, vector<1x16xf32>,
      %swap3A_66 = arith.index_cast %scan3A_50 : i32 to index
      %swap3A_67 = arith.constant 48 : index
      %swap3A_68 = tpu.vector_load %arg8[%swap3A_66, %swap3A_67] {strides = array<i32>} : memref<128x128xf32, #tpu.memory_space<vmem>>, vector<1x16xf32>,
      %swap3A_69 = vector.shape_cast %swap3A_68 : vector<1x16xf32> to vector<16xf32>
      %swap3A_70 = vector.shape_cast %broadcast_in_dim3A_1 : vector<16xf32> to vector<1x16xf32>
      tpu.vector_store %arg8[%swap3A_66, %swap3A_67], %swap3A_70 {strides = array<i32>} : memref<128x128xf32, #tpu.memory_space<vmem>>, vector<1x16xf32>,
      %swap3A_71 = arith.index_cast %scan3A_50 : i32 to index
      %swap3A_72 = arith.constant 64 : index
      %swap3A_73 = tpu.vector_load %arg8[%swap3A_71, %swap3A_72] {strides = array<i32>} : memref<128x128xf32, #tpu.memory_space<vmem>>, vector<1x16xf32>,
      %swap3A_74 = vector.shape_cast %swap3A_73 : vector<1x16xf32> to vector<16xf32>
      %swap3A_75 = vector.shape_cast %broadcast_in_dim3A_1 : vector<16xf32> to vector<1x16xf32>
      tpu.vector_store %arg8[%swap3A_71, %swap3A_72], %swap3A_75 {strides = array<i32>} : memref<128x128xf32, #tpu.memory_space<vmem>>, vector<1x16xf32>,
      %swap3A_76 = arith.index_cast %scan3A_50 : i32 to index
      %swap3A_77 = arith.constant 80 : index
      %swap3A_78 = tpu.vector_load %arg8[%swap3A_76, %swap3A_77] {strides = array<i32>} : memref<128x128xf32, #tpu.memory_space<vmem>>, vector<1x16xf32>,
      %swap3A_79 = vector.shape_cast %swap3A_78 : vector<1x16xf32> to vector<16xf32>
      %swap3A_80 = vector.shape_cast %broadcast_in_dim3A_1 : vector<16xf32> to vector<1x16xf32>
      tpu.vector_store %arg8[%swap3A_76, %swap3A_77], %swap3A_80 {strides = array<i32>} : memref<128x128xf32, #tpu.memory_space<vmem>>, vector<1x16xf32>,
      %swap3A_81 = arith.index_cast %scan3A_50 : i32 to index
      %swap3A_82 = arith.constant 96 : index
      %swap3A_83 = tpu.vector_load %arg8[%swap3A_81, %swap3A_82] {strides = array<i32>} : memref<128x128xf32, #tpu.memory_space<vmem>>, vector<1x16xf32>,
      %swap3A_84 = vector.shape_cast %swap3A_83 : vector<1x16xf32> to vector<16xf32>
      %swap3A_85 = vector.shape_cast %broadcast_in_dim3A_1 : vector<16xf32> to vector<1x16xf32>
      tpu.vector_store %arg8[%swap3A_81, %swap3A_82], %swap3A_85 {strides = array<i32>} : memref<128x128xf32, #tpu.memory_space<vmem>>, vector<1x16xf32>,
      %swap3A_86 = arith.index_cast %scan3A_50 : i32 to index
      %swap3A_87 = arith.constant 112 : index
      %swap3A_88 = tpu.vector_load %arg8[%swap3A_86, %swap3A_87] {strides = array<i32>} : memref<128x128xf32, #tpu.memory_space<vmem>>, vector<1x16xf32>,
      %swap3A_89 = vector.shape_cast %swap3A_88 : vector<1x16xf32> to vector<16xf32>
      %swap3A_90 = vector.shape_cast %broadcast_in_dim3A_1 : vector<16xf32> to vector<1x16xf32>
      tpu.vector_store %arg8[%swap3A_86, %swap3A_87], %swap3A_90 {strides = array<i32>} : memref<128x128xf32, #tpu.memory_space<vmem>>, vector<1x16xf32>,
      %scan3A_91 = arith.constant 0 : i32
      scf.yield %scan3A_91 : i32
    }
    %scan3A_7 = arith.constant 128 : i32
    %broadcast_in_dim3A_8 = arith.constant 1.000000e+00 : f32
    %broadcast_in_dim3A_9 = vector.broadcast %broadcast_in_dim3A_8 : f32 to vector<16xf32>
    %scan3A_10 = arith.constant 0 : i32
    %scan3A_11 = arith.constant 0 : i32
    %scan3A_12 = arith.constant 8 : i32
    %scan3A_13 = arith.addi %scan3A_11, %scan3A_12 : i32
    %scan3A_14 = arith.constant 1 : i32
    %scan3A_15 = scf.for %scan3A_50 = %scan3A_11 to %scan3A_13 step %scan3A_14 iter_args(%scan3A_51 = %scan3A_10) -> (i32)  : i32 {
      %mul3A_52 = arith.constant 16 : i32
      %mul3A_53 = arith.muli %scan3A_50, %mul3A_52 : i32
      %swap3A = arith.index_cast %mul3A_53 : i32 to index
      %swap3A_54 = tpu.vector_load %arg9[%swap3A] {strides = array<i32>} : memref<128xf32, #tpu.memory_space<vmem>>, vector<16xf32>,
      %swap3A_55 = vector.shape_cast %swap3A_54 : vector<16xf32> to vector<16xf32>
      %swap3A_56 = vector.shape_cast %broadcast_in_dim3A_9 : vector<16xf32> to vector<16xf32>
      tpu.vector_store %arg9[%swap3A], %swap3A_56 {strides = array<i32>} : memref<128xf32, #tpu.memory_space<vmem>>, vector<16xf32>,
      %scan3A_57 = arith.constant 0 : i32
      scf.yield %scan3A_57 : i32
    }
    %scan3A_16 = arith.constant 8 : i32
    %broadcast_in_dim3A_17 = arith.constant 0.000000e+00 : f32
    %broadcast_in_dim3A_18 = vector.broadcast %broadcast_in_dim3A_17 : f32 to vector<16xf32>
    %scan3A_19 = arith.constant 0 : i32
    %scan3A_20 = arith.constant 0 : i32
    %scan3A_21 = arith.constant 40 : i32
    %scan3A_22 = arith.addi %scan3A_20, %scan3A_21 : i32
    %scan3A_23 = arith.constant 1 : i32
    %scan3A_24 = scf.for %scan3A_50 = %scan3A_20 to %scan3A_22 step %scan3A_23 iter_args(%scan3A_51 = %scan3A_19) -> (i32)  : i32 {
      %mul3A_52 = arith.constant 16 : i32
      %mul3A_53 = arith.muli %scan3A_50, %mul3A_52 : i32
      %swap3A = arith.index_cast %mul3A_53 : i32 to index
      %swap3A_54 = tpu.vector_load %arg10[%swap3A] {strides = array<i32>} : memref<640xf32, #tpu.memory_space<vmem>>, vector<16xf32>,
      %swap3A_55 = vector.shape_cast %swap3A_54 : vector<16xf32> to vector<16xf32>
      %swap3A_56 = vector.shape_cast %broadcast_in_dim3A_18 : vector<16xf32> to vector<16xf32>
      tpu.vector_store %arg10[%swap3A], %swap3A_56 {strides = array<i32>} : memref<640xf32, #tpu.memory_space<vmem>>, vector<16xf32>,
      %scan3A_57 = arith.constant 0 : i32
      scf.yield %scan3A_57 : i32
    }
    %scan3A_25 = arith.constant 40 : i32
    %scan3A_26 = arith.constant 0 : i32
    %scan3A_27 = arith.constant 0 : i32
    %scan3A_28 = arith.constant 5 : i32
    %scan3A_29 = arith.addi %scan3A_27, %scan3A_28 : i32
    %scan3A_30 = arith.constant 1 : i32
    %scan3A_31 = scf.for %scan3A_50 = %scan3A_27 to %scan3A_29 step %scan3A_30 iter_args(%scan3A_51 = %scan3A_26) -> (i32)  : i32 {
      %mul3A_52 = arith.constant 640 : i32
      %mul3A_53 = arith.muli %arg1, %mul3A_52 : i32
      %mul3A_54 = arith.constant 128 : i32
      %mul3A_55 = arith.muli %scan3A_50, %mul3A_54 : i32
      %add3A_56 = arith.addi %mul3A_53, %mul3A_55 : i32
      "tpu.region"() ({
        %run_scoped3A = tpu.sem_alloc : memref<!tpu.dma_semaphore, #tpu.memory_space<semaphore_mem>>
        %dma_start3A = arith.constant 0 : i32
        %dma_start3A_58 = tpu.memref_slice %arg11[%add3A_56, %dma_start3A] : memref<10240x128xf32, #tpu.memory_space<vmem_shared>> -> memref<128x128xf32, #tpu.memory_space<vmem_shared>>
        %dma_start3A_59 = arith.constant 0 : i32
        %dma_start3A_60 = tpu.memref_slice %arg11[%add3A_56, %dma_start3A_59] : memref<10240x128xf32, #tpu.memory_space<vmem_shared>> -> memref<128x128xf32, #tpu.memory_space<vmem_shared>>
        tpu.enqueue_dma source(%arg8 : memref<128x128xf32, #tpu.memory_space<vmem>>) target(%dma_start3A_60 : memref<128x128xf32, #tpu.memory_space<vmem_shared>>) target_semaphore(%run_scoped3A : memref<!tpu.dma_semaphore, #tpu.memory_space<semaphore_mem>>)
        %dma_wait3A = arith.constant 0 : i32
        %dma_wait3A_61 = tpu.memref_slice %arg11[%add3A_56, %dma_wait3A] : memref<10240x128xf32, #tpu.memory_space<vmem_shared>> -> memref<128x128xf32, #tpu.memory_space<vmem_shared>>
        %dma_wait3A_62 = arith.constant 0 : i32
        %dma_wait3A_63 = tpu.memref_slice %arg11[%add3A_56, %dma_wait3A_62] : memref<10240x128xf32, #tpu.memory_space<vmem_shared>> -> memref<128x128xf32, #tpu.memory_space<vmem_shared>>
        tpu.wait_dma2 semaphore(%run_scoped3A : memref<!tpu.dma_semaphore, #tpu.memory_space<semaphore_mem>>) src(%arg8 : memref<128x128xf32, #tpu.memory_space<vmem>>) dst(%dma_wait3A_63 : memref<128x128xf32, #tpu.memory_space<vmem_shared>>)
        tpu.yield
      }) : () -> ()
      %scan3A_57 = arith.constant 0 : i32
      scf.yield %scan3A_57 : i32
    }
    %scan3A_32 = arith.constant 5 : i32
    %mul3A_33 = arith.constant 640 : i32
    %mul3A_34 = arith.muli %arg1, %mul3A_33 : i32
    "tpu.region"() ({
      %run_scoped3A = tpu.sem_alloc : memref<!tpu.dma_semaphore, #tpu.memory_space<semaphore_mem>>
      %dma_start3A = tpu.memref_slice %arg12[%mul3A_34] : memref<10240xf32, #tpu.memory_space<vmem_shared>> -> memref<640xf32, #tpu.memory_space<vmem_shared>>
      %dma_start3A_50 = tpu.memref_slice %arg12[%mul3A_34] : memref<10240xf32, #tpu.memory_space<vmem_shared>> -> memref<640xf32, #tpu.memory_space<vmem_shared>>
      tpu.enqueue_dma source(%arg10 : memref<640xf32, #tpu.memory_space<vmem>>) target(%dma_start3A_50 : memref<640xf32, #tpu.memory_space<vmem_shared>>) target_semaphore(%run_scoped3A : memref<!tpu.dma_semaphore, #tpu.memory_space<semaphore_mem>>)
      %dma_wait3A = tpu.memref_slice %arg12[%mul3A_34] : memref<10240xf32, #tpu.memory_space<vmem_shared>> -> memref<640xf32, #tpu.memory_space<vmem_shared>>
      %dma_wait3A_51 = tpu.memref_slice %arg12[%mul3A_34] : memref<10240xf32, #tpu.memory_space<vmem_shared>> -> memref<640xf32, #tpu.memory_space<vmem_shared>>
      tpu.wait_dma2 semaphore(%run_scoped3A : memref<!tpu.dma_semaphore, #tpu.memory_space<semaphore_mem>>) src(%arg10 : memref<640xf32, #tpu.memory_space<vmem>>) dst(%dma_wait3A_51 : memref<640xf32, #tpu.memory_space<vmem_shared>>)
      tpu.yield
    }) : () -> ()
    %barrier3A = arith.constant 0 : index
    tpu.barrier barrier_id(%barrier3A)
    "tpu.region"() ({
      %run_scoped3A = tpu.sem_alloc : memref<!tpu.dma_semaphore, #tpu.memory_space<semaphore_mem>>
      %dma_start3A = arith.constant 0 : i32
      %dma_start3A_50 = arith.constant 0 : i32
      %dma_start3A_51 = tpu.memref_slice %arg2[%add3A, %dma_start3A, %dma_start3A_50] : memref<32x79x128xi32, #tpu.memory_space<hbm>> -> memref<1x79x128xi32, #tpu.memory_space<hbm>>
      %dma_start3A_52 = tpu.memref_squeeze %dma_start3A_51 : memref<1x79x128xi32, #tpu.memory_space<hbm>> -> memref<79x128xi32, #tpu.memory_space<hbm>>
      %dma_start3A_53 = arith.constant 0 : i32
      %dma_start3A_54 = arith.constant 0 : i32
      %dma_start3A_55 = tpu.memref_slice %arg2[%add3A, %dma_start3A_53, %dma_start3A_54] : memref<32x79x128xi32, #tpu.memory_space<hbm>> -> memref<1x79x128xi32, #tpu.memory_space<hbm>>
      %dma_start3A_56 = tpu.memref_squeeze %dma_start3A_55 : memref<1x79x128xi32, #tpu.memory_space<hbm>> -> memref<79x128xi32, #tpu.memory_space<hbm>>
      tpu.enqueue_dma source(%dma_start3A_56 : memref<79x128xi32, #tpu.memory_space<hbm>>) target(%arg6 : memref<79x128xi32, #tpu.memory_space<vmem>>) target_semaphore(%run_scoped3A : memref<!tpu.dma_semaphore, #tpu.memory_space<semaphore_mem>>)
      %dma_wait3A = arith.constant 0 : i32
      %dma_wait3A_57 = arith.constant 0 : i32
      %dma_wait3A_58 = tpu.memref_slice %arg2[%add3A, %dma_wait3A, %dma_wait3A_57] : memref<32x79x128xi32, #tpu.memory_space<hbm>> -> memref<1x79x128xi32, #tpu.memory_space<hbm>>
      %dma_wait3A_59 = tpu.memref_squeeze %dma_wait3A_58 : memref<1x79x128xi32, #tpu.memory_space<hbm>> -> memref<79x128xi32, #tpu.memory_space<hbm>>
      %dma_wait3A_60 = arith.constant 0 : i32
      %dma_wait3A_61 = arith.constant 0 : i32
      %dma_wait3A_62 = tpu.memref_slice %arg2[%add3A, %dma_wait3A_60, %dma_wait3A_61] : memref<32x79x128xi32, #tpu.memory_space<hbm>> -> memref<1x79x128xi32, #tpu.memory_space<hbm>>
      %dma_wait3A_63 = tpu.memref_squeeze %dma_wait3A_62 : memref<1x79x128xi32, #tpu.memory_space<hbm>> -> memref<79x128xi32, #tpu.memory_space<hbm>>
      tpu.wait_dma2 semaphore(%run_scoped3A : memref<!tpu.dma_semaphore, #tpu.memory_space<semaphore_mem>>) src(%dma_wait3A_63 : memref<79x128xi32, #tpu.memory_space<hbm>>) dst(%arg6 : memref<79x128xi32, #tpu.memory_space<vmem>>)
      tpu.yield
    }) : () -> ()
    "tpu.region"() ({
      %run_scoped3A = tpu.sem_alloc : memref<!tpu.dma_semaphore, #tpu.memory_space<semaphore_mem>>
      %dma_start3A = arith.constant 0 : i32
      %dma_start3A_50 = arith.constant 0 : i32
      %dma_start3A_51 = tpu.memref_slice %arg3[%add3A, %dma_start3A, %dma_start3A_50] : memref<32x79x128xi32, #tpu.memory_space<hbm>> -> memref<1x79x128xi32, #tpu.memory_space<hbm>>
      %dma_start3A_52 = tpu.memref_squeeze %dma_start3A_51 : memref<1x79x128xi32, #tpu.memory_space<hbm>> -> memref<79x128xi32, #tpu.memory_space<hbm>>
      %dma_start3A_53 = arith.constant 0 : i32
      %dma_start3A_54 = arith.constant 0 : i32
      %dma_start3A_55 = tpu.memref_slice %arg3[%add3A, %dma_start3A_53, %dma_start3A_54] : memref<32x79x128xi32, #tpu.memory_space<hbm>> -> memref<1x79x128xi32, #tpu.memory_space<hbm>>
      %dma_start3A_56 = tpu.memref_squeeze %dma_start3A_55 : memref<1x79x128xi32, #tpu.memory_space<hbm>> -> memref<79x128xi32, #tpu.memory_space<hbm>>
      tpu.enqueue_dma source(%dma_start3A_56 : memref<79x128xi32, #tpu.memory_space<hbm>>) target(%arg7 : memref<79x128xi32, #tpu.memory_space<vmem>>) target_semaphore(%run_scoped3A : memref<!tpu.dma_semaphore, #tpu.memory_space<semaphore_mem>>)
      %dma_wait3A = arith.constant 0 : i32
      %dma_wait3A_57 = arith.constant 0 : i32
      %dma_wait3A_58 = tpu.memref_slice %arg3[%add3A, %dma_wait3A, %dma_wait3A_57] : memref<32x79x128xi32, #tpu.memory_space<hbm>> -> memref<1x79x128xi32, #tpu.memory_space<hbm>>
      %dma_wait3A_59 = tpu.memref_squeeze %dma_wait3A_58 : memref<1x79x128xi32, #tpu.memory_space<hbm>> -> memref<79x128xi32, #tpu.memory_space<hbm>>
      %dma_wait3A_60 = arith.constant 0 : i32
      %dma_wait3A_61 = arith.constant 0 : i32
      %dma_wait3A_62 = tpu.memref_slice %arg3[%add3A, %dma_wait3A_60, %dma_wait3A_61] : memref<32x79x128xi32, #tpu.memory_space<hbm>> -> memref<1x79x128xi32, #tpu.memory_space<hbm>>
      %dma_wait3A_63 = tpu.memref_squeeze %dma_wait3A_62 : memref<1x79x128xi32, #tpu.memory_space<hbm>> -> memref<79x128xi32, #tpu.memory_space<hbm>>
      tpu.wait_dma2 semaphore(%run_scoped3A : memref<!tpu.dma_semaphore, #tpu.memory_space<semaphore_mem>>) src(%dma_wait3A_63 : memref<79x128xi32, #tpu.memory_space<hbm>>) dst(%arg7 : memref<79x128xi32, #tpu.memory_space<vmem>>)
      tpu.yield
    }) : () -> ()
    %scan3A_35 = arith.constant 0 : i32
    %scan3A_36 = arith.constant 0 : i32
    %scan3A_37 = arith.constant 79 : i32
    %scan3A_38 = arith.addi %scan3A_36, %scan3A_37 : i32
    %scan3A_39 = arith.constant 1 : i32
    %scan3A_40 = scf.for %scan3A_50 = %scan3A_36 to %scan3A_38 step %scan3A_39 iter_args(%scan3A_51 = %scan3A_35) -> (i32)  : i32 {
      %dma_start3A = arith.constant 0 : i32
      %dma_start3A_52 = tpu.memref_slice %arg6[%scan3A_50, %dma_start3A] : memref<79x128xi32, #tpu.memory_space<vmem>> -> memref<1x128xi32, #tpu.memory_space<vmem>>
      %dma_start3A_53 = tpu.memref_squeeze %dma_start3A_52 : memref<1x128xi32, #tpu.memory_space<vmem>> -> memref<128xi32, #tpu.memory_space<vmem>>
      %dma_start3A_54 = arith.constant 0 : i32
      %dma_start3A_55 = arith.constant 0 : i32
      %dma_start3A_56 = tpu.memref_slice %arg4[%dma_start3A_54, %dma_start3A_55] : memref<10240x128xf32, #tpu.memory_space<hbm>> -> memref<10240x128xf32, #tpu.memory_space<hbm>>
      tpu.enqueue_indirect_dma source(%dma_start3A_56 : memref<10240x128xf32, #tpu.memory_space<hbm>>) target(%arg8 : memref<128x128xf32, #tpu.memory_space<vmem>>) offsets(%dma_start3A_53 : memref<128xi32, #tpu.memory_space<vmem>>) semaphore(%arg13 : memref<!tpu.dma_semaphore, #tpu.memory_space<semaphore_mem>>)
      %dma_wait3A = arith.constant 0 : i32
      %dma_wait3A_57 = tpu.memref_slice %arg6[%scan3A_50, %dma_wait3A] : memref<79x128xi32, #tpu.memory_space<vmem>> -> memref<1x128xi32, #tpu.memory_space<vmem>>
      %dma_wait3A_58 = tpu.memref_squeeze %dma_wait3A_57 : memref<1x128xi32, #tpu.memory_space<vmem>> -> memref<128xi32, #tpu.memory_space<vmem>>
      %dma_wait3A_59 = arith.constant 0 : i32
      %dma_wait3A_60 = arith.constant 0 : i32
      %dma_wait3A_61 = tpu.memref_slice %arg4[%dma_wait3A_59, %dma_wait3A_60] : memref<10240x128xf32, #tpu.memory_space<hbm>> -> memref<10240x128xf32, #tpu.memory_space<hbm>>
      tpu.wait_indirect_dma semaphore(%arg13 : memref<!tpu.dma_semaphore, #tpu.memory_space<semaphore_mem>>) src(%dma_wait3A_61 : memref<10240x128xf32, #tpu.memory_space<hbm>>) dst(%arg8 : memref<128x128xf32, #tpu.memory_space<vmem>>)
      "tpu.region"() ({
        %run_scoped3A = tpu.sem_alloc : memref<!tpu.dma_semaphore, #tpu.memory_space<semaphore_mem>>
        %dma_start3A_63 = arith.constant 0 : i32
        %dma_start3A_64 = tpu.memref_slice %arg7[%scan3A_50, %dma_start3A_63] : memref<79x128xi32, #tpu.memory_space<vmem>> -> memref<1x128xi32, #tpu.memory_space<vmem>>
        %dma_start3A_65 = tpu.memref_squeeze %dma_start3A_64 : memref<1x128xi32, #tpu.memory_space<vmem>> -> memref<128xi32, #tpu.memory_space<vmem>>
        %dma_start3A_66 = arith.constant 0 : i32
        %dma_start3A_67 = arith.constant 0 : i32
        %dma_start3A_68 = tpu.memref_slice %arg11[%dma_start3A_66, %dma_start3A_67] : memref<10240x128xf32, #tpu.memory_space<vmem_shared>> -> memref<10240x128xf32, #tpu.memory_space<vmem_shared>>
        tpu.enqueue_indirect_dma source(%arg8 : memref<128x128xf32, #tpu.memory_space<vmem>>) target(%dma_start3A_68 : memref<10240x128xf32, #tpu.memory_space<vmem_shared>>) offsets(%dma_start3A_65 : memref<128xi32, #tpu.memory_space<vmem>>) semaphore(%run_scoped3A : memref<!tpu.dma_semaphore, #tpu.memory_space<semaphore_mem>>) {add = true}
        %dma_wait3A_69 = arith.constant 0 : i32
        %dma_wait3A_70 = tpu.memref_slice %arg7[%scan3A_50, %dma_wait3A_69] : memref<79x128xi32, #tpu.memory_space<vmem>> -> memref<1x128xi32, #tpu.memory_space<vmem>>
        %dma_wait3A_71 = tpu.memref_squeeze %dma_wait3A_70 : memref<1x128xi32, #tpu.memory_space<vmem>> -> memref<128xi32, #tpu.memory_space<vmem>>
        %dma_wait3A_72 = arith.constant 0 : i32
        %dma_wait3A_73 = arith.constant 0 : i32
        %dma_wait3A_74 = tpu.memref_slice %arg11[%dma_wait3A_72, %dma_wait3A_73] : memref<10240x128xf32, #tpu.memory_space<vmem_shared>> -> memref<10240x128xf32, #tpu.memory_space<vmem_shared>>
        tpu.wait_indirect_dma semaphore(%run_scoped3A : memref<!tpu.dma_semaphore, #tpu.memory_space<semaphore_mem>>) src(%arg8 : memref<128x128xf32, #tpu.memory_space<vmem>>) dst(%dma_wait3A_74 : memref<10240x128xf32, #tpu.memory_space<vmem_shared>>)
        tpu.yield
      }) : () -> ()
      %scan3A_62 = arith.constant 0 : i32
      scf.yield %scan3A_62 : i32
    }
    %scan3A_41 = arith.constant 79 : i32
    %barrier3A_42 = arith.constant 0 : index
    tpu.barrier barrier_id(%barrier3A_42)
    %scan3A_43 = arith.constant 0 : i32
    %scan3A_44 = arith.constant 0 : i32
    %scan3A_45 = arith.constant 5 : i32
    %scan3A_46 = arith.addi %scan3A_44, %scan3A_45 : i32
    %scan3A_47 = arith.constant 1 : i32
    %scan3A_48 = scf.for %scan3A_50 = %scan3A_44 to %scan3A_46 step %scan3A_47 iter_args(%scan3A_51 = %scan3A_43) -> (i32)  : i32 {
      %mul3A_52 = arith.constant 640 : i32
      %mul3A_53 = arith.muli %arg1, %mul3A_52 : i32
      %mul3A_54 = arith.constant 128 : i32
      %mul3A_55 = arith.muli %scan3A_50, %mul3A_54 : i32
      %add3A_56 = arith.addi %mul3A_53, %mul3A_55 : i32
      %mul3A_57 = arith.constant 10240 : i32
      %mul3A_58 = arith.muli %arg0, %mul3A_57 : i32
      %add3A_59 = arith.addi %mul3A_58, %add3A_56 : i32
      "tpu.region"() ({
        %run_scoped3A = tpu.sem_alloc : memref<!tpu.dma_semaphore, #tpu.memory_space<semaphore_mem>>
        %dma_start3A = arith.constant 0 : i32
        %dma_start3A_61 = tpu.memref_slice %arg5[%add3A_59, %dma_start3A] : memref<20480x128xf32, #tpu.memory_space<hbm>> -> memref<128x128xf32, #tpu.memory_space<hbm>>
        %dma_start3A_62 = arith.constant 0 : i32
        %dma_start3A_63 = tpu.memref_slice %arg11[%add3A_56, %dma_start3A_62] : memref<10240x128xf32, #tpu.memory_space<vmem_shared>> -> memref<128x128xf32, #tpu.memory_space<vmem_shared>>
        tpu.enqueue_dma source(%dma_start3A_63 : memref<128x128xf32, #tpu.memory_space<vmem_shared>>) target(%dma_start3A_61 : memref<128x128xf32, #tpu.memory_space<hbm>>) target_semaphore(%run_scoped3A : memref<!tpu.dma_semaphore, #tpu.memory_space<semaphore_mem>>)
        %dma_wait3A = arith.constant 0 : i32
        %dma_wait3A_64 = tpu.memref_slice %arg5[%add3A_59, %dma_wait3A] : memref<20480x128xf32, #tpu.memory_space<hbm>> -> memref<128x128xf32, #tpu.memory_space<hbm>>
        %dma_wait3A_65 = arith.constant 0 : i32
        %dma_wait3A_66 = tpu.memref_slice %arg11[%add3A_56, %dma_wait3A_65] : memref<10240x128xf32, #tpu.memory_space<vmem_shared>> -> memref<128x128xf32, #tpu.memory_space<vmem_shared>>
        tpu.wait_dma2 semaphore(%run_scoped3A : memref<!tpu.dma_semaphore, #tpu.memory_space<semaphore_mem>>) src(%dma_wait3A_66 : memref<128x128xf32, #tpu.memory_space<vmem_shared>>) dst(%dma_wait3A_64 : memref<128x128xf32, #tpu.memory_space<hbm>>)
        tpu.yield
      }) : () -> ()
      %scan3A_60 = arith.constant 0 : i32
      scf.yield %scan3A_60 : i32
    }
    %scan3A_49 = arith.constant 5 : i32
    return
  }
}

#map = affine_map<(d0, d1) -> (0, 0)>
#map1 = affine_map<(d0, d1) -> (0, 0, 0)>
module attributes {stable_mosaic.version = 14 : i64} {
  func.func @body(%arg0: i32, %arg1: i32, %arg2: memref<10240x128xf32, #tpu.memory_space<hbm>>, %arg3: memref<32x4x128xi32, #tpu.memory_space<hbm>>, %arg4: memref<16384x128xf32, #tpu.memory_space<hbm>>, %arg5: memref<4x128xi32, #tpu.memory_space<vmem>>, %arg6: memref<128x128xf32, #tpu.memory_space<vmem>>, %arg7: memref<!tpu.dma_semaphore, #tpu.memory_space<semaphore_mem>>) attributes {dimension_semantics = [#tpu.dimension_semantics<core_parallel>, #tpu.dimension_semantics<subcore_parallel>], iteration_bounds = array<i64: 2, 16>, scalar_prefetch = 0 : i64, scratch_operands = 3 : i64, tpu.core_type = #tpu.core_type<sc_vector_subcore>, window_params = [{transform_indices = #map}, {transform_indices = #map1}, {transform_indices = #map}]} {
    %mul3A = arith.constant 16 : i32
    %mul3A_0 = arith.muli %arg0, %mul3A : i32
    %add3A = arith.addi %mul3A_0, %arg1 : i32
    "tpu.region"() ({
      %run_scoped3A = tpu.sem_alloc : memref<!tpu.dma_semaphore, #tpu.memory_space<semaphore_mem>>
      %dma_start3A_79 = arith.constant 0 : i32
      %dma_start3A_80 = arith.constant 0 : i32
      %dma_start3A_81 = tpu.memref_slice %arg3[%add3A, %dma_start3A_79, %dma_start3A_80] : memref<32x4x128xi32, #tpu.memory_space<hbm>> -> memref<1x4x128xi32, #tpu.memory_space<hbm>>
      %dma_start3A_82 = tpu.memref_squeeze %dma_start3A_81 : memref<1x4x128xi32, #tpu.memory_space<hbm>> -> memref<4x128xi32, #tpu.memory_space<hbm>>
      %dma_start3A_83 = arith.constant 0 : i32
      %dma_start3A_84 = arith.constant 0 : i32
      %dma_start3A_85 = tpu.memref_slice %arg3[%add3A, %dma_start3A_83, %dma_start3A_84] : memref<32x4x128xi32, #tpu.memory_space<hbm>> -> memref<1x4x128xi32, #tpu.memory_space<hbm>>
      %dma_start3A_86 = tpu.memref_squeeze %dma_start3A_85 : memref<1x4x128xi32, #tpu.memory_space<hbm>> -> memref<4x128xi32, #tpu.memory_space<hbm>>
      tpu.enqueue_dma source(%dma_start3A_86 : memref<4x128xi32, #tpu.memory_space<hbm>>) target(%arg5 : memref<4x128xi32, #tpu.memory_space<vmem>>) target_semaphore(%run_scoped3A : memref<!tpu.dma_semaphore, #tpu.memory_space<semaphore_mem>>)
      %dma_wait3A_87 = arith.constant 0 : i32
      %dma_wait3A_88 = arith.constant 0 : i32
      %dma_wait3A_89 = tpu.memref_slice %arg3[%add3A, %dma_wait3A_87, %dma_wait3A_88] : memref<32x4x128xi32, #tpu.memory_space<hbm>> -> memref<1x4x128xi32, #tpu.memory_space<hbm>>
      %dma_wait3A_90 = tpu.memref_squeeze %dma_wait3A_89 : memref<1x4x128xi32, #tpu.memory_space<hbm>> -> memref<4x128xi32, #tpu.memory_space<hbm>>
      %dma_wait3A_91 = arith.constant 0 : i32
      %dma_wait3A_92 = arith.constant 0 : i32
      %dma_wait3A_93 = tpu.memref_slice %arg3[%add3A, %dma_wait3A_91, %dma_wait3A_92] : memref<32x4x128xi32, #tpu.memory_space<hbm>> -> memref<1x4x128xi32, #tpu.memory_space<hbm>>
      %dma_wait3A_94 = tpu.memref_squeeze %dma_wait3A_93 : memref<1x4x128xi32, #tpu.memory_space<hbm>> -> memref<4x128xi32, #tpu.memory_space<hbm>>
      tpu.wait_dma2 semaphore(%run_scoped3A : memref<!tpu.dma_semaphore, #tpu.memory_space<semaphore_mem>>) src(%dma_wait3A_94 : memref<4x128xi32, #tpu.memory_space<hbm>>) dst(%arg5 : memref<4x128xi32, #tpu.memory_space<vmem>>)
      tpu.yield
    }) : () -> ()
    %dma_start3A = arith.constant 0 : i32
    %dma_start3A_1 = arith.constant 0 : i32
    %dma_start3A_2 = tpu.memref_slice %arg5[%dma_start3A, %dma_start3A_1] : memref<4x128xi32, #tpu.memory_space<vmem>> -> memref<1x128xi32, #tpu.memory_space<vmem>>
    %dma_start3A_3 = tpu.memref_squeeze %dma_start3A_2 : memref<1x128xi32, #tpu.memory_space<vmem>> -> memref<128xi32, #tpu.memory_space<vmem>>
    %dma_start3A_4 = arith.constant 0 : i32
    %dma_start3A_5 = arith.constant 0 : i32
    %dma_start3A_6 = tpu.memref_slice %arg2[%dma_start3A_4, %dma_start3A_5] : memref<10240x128xf32, #tpu.memory_space<hbm>> -> memref<10240x128xf32, #tpu.memory_space<hbm>>
    tpu.enqueue_indirect_dma source(%dma_start3A_6 : memref<10240x128xf32, #tpu.memory_space<hbm>>) target(%arg6 : memref<128x128xf32, #tpu.memory_space<vmem>>) offsets(%dma_start3A_3 : memref<128xi32, #tpu.memory_space<vmem>>) semaphore(%arg7 : memref<!tpu.dma_semaphore, #tpu.memory_space<semaphore_mem>>)
    %dma_wait3A = arith.constant 0 : i32
    %dma_wait3A_7 = arith.constant 0 : i32
    %dma_wait3A_8 = tpu.memref_slice %arg5[%dma_wait3A, %dma_wait3A_7] : memref<4x128xi32, #tpu.memory_space<vmem>> -> memref<1x128xi32, #tpu.memory_space<vmem>>
    %dma_wait3A_9 = tpu.memref_squeeze %dma_wait3A_8 : memref<1x128xi32, #tpu.memory_space<vmem>> -> memref<128xi32, #tpu.memory_space<vmem>>
    %dma_wait3A_10 = arith.constant 0 : i32
    %dma_wait3A_11 = arith.constant 0 : i32
    %dma_wait3A_12 = tpu.memref_slice %arg2[%dma_wait3A_10, %dma_wait3A_11] : memref<10240x128xf32, #tpu.memory_space<hbm>> -> memref<10240x128xf32, #tpu.memory_space<hbm>>
    tpu.wait_indirect_dma semaphore(%arg7 : memref<!tpu.dma_semaphore, #tpu.memory_space<semaphore_mem>>) src(%dma_wait3A_12 : memref<10240x128xf32, #tpu.memory_space<hbm>>) dst(%arg6 : memref<128x128xf32, #tpu.memory_space<vmem>>)
    %mul3A_13 = arith.constant 4 : i32
    %mul3A_14 = arith.muli %add3A, %mul3A_13 : i32
    %mul3A_15 = arith.constant 128 : i32
    %mul3A_16 = arith.muli %mul3A_14, %mul3A_15 : i32
    %add3A_17 = arith.constant 0 : i32
    %add3A_18 = arith.addi %mul3A_16, %add3A_17 : i32
    "tpu.region"() ({
      %run_scoped3A = tpu.sem_alloc : memref<!tpu.dma_semaphore, #tpu.memory_space<semaphore_mem>>
      %dma_start3A_79 = arith.constant 0 : i32
      %dma_start3A_80 = tpu.memref_slice %arg4[%add3A_18, %dma_start3A_79] : memref<16384x128xf32, #tpu.memory_space<hbm>> -> memref<128x128xf32, #tpu.memory_space<hbm>>
      %dma_start3A_81 = arith.constant 0 : i32
      %dma_start3A_82 = tpu.memref_slice %arg4[%add3A_18, %dma_start3A_81] : memref<16384x128xf32, #tpu.memory_space<hbm>> -> memref<128x128xf32, #tpu.memory_space<hbm>>
      tpu.enqueue_dma source(%arg6 : memref<128x128xf32, #tpu.memory_space<vmem>>) target(%dma_start3A_82 : memref<128x128xf32, #tpu.memory_space<hbm>>) target_semaphore(%run_scoped3A : memref<!tpu.dma_semaphore, #tpu.memory_space<semaphore_mem>>)
      %dma_wait3A_83 = arith.constant 0 : i32
      %dma_wait3A_84 = tpu.memref_slice %arg4[%add3A_18, %dma_wait3A_83] : memref<16384x128xf32, #tpu.memory_space<hbm>> -> memref<128x128xf32, #tpu.memory_space<hbm>>
      %dma_wait3A_85 = arith.constant 0 : i32
      %dma_wait3A_86 = tpu.memref_slice %arg4[%add3A_18, %dma_wait3A_85] : memref<16384x128xf32, #tpu.memory_space<hbm>> -> memref<128x128xf32, #tpu.memory_space<hbm>>
      tpu.wait_dma2 semaphore(%run_scoped3A : memref<!tpu.dma_semaphore, #tpu.memory_space<semaphore_mem>>) src(%arg6 : memref<128x128xf32, #tpu.memory_space<vmem>>) dst(%dma_wait3A_86 : memref<128x128xf32, #tpu.memory_space<hbm>>)
      tpu.yield
    }) : () -> ()
    %dma_start3A_19 = arith.constant 1 : i32
    %dma_start3A_20 = arith.constant 0 : i32
    %dma_start3A_21 = tpu.memref_slice %arg5[%dma_start3A_19, %dma_start3A_20] : memref<4x128xi32, #tpu.memory_space<vmem>> -> memref<1x128xi32, #tpu.memory_space<vmem>>
    %dma_start3A_22 = tpu.memref_squeeze %dma_start3A_21 : memref<1x128xi32, #tpu.memory_space<vmem>> -> memref<128xi32, #tpu.memory_space<vmem>>
    %dma_start3A_23 = arith.constant 0 : i32
    %dma_start3A_24 = arith.constant 0 : i32
    %dma_start3A_25 = tpu.memref_slice %arg2[%dma_start3A_23, %dma_start3A_24] : memref<10240x128xf32, #tpu.memory_space<hbm>> -> memref<10240x128xf32, #tpu.memory_space<hbm>>
    tpu.enqueue_indirect_dma source(%dma_start3A_25 : memref<10240x128xf32, #tpu.memory_space<hbm>>) target(%arg6 : memref<128x128xf32, #tpu.memory_space<vmem>>) offsets(%dma_start3A_22 : memref<128xi32, #tpu.memory_space<vmem>>) semaphore(%arg7 : memref<!tpu.dma_semaphore, #tpu.memory_space<semaphore_mem>>)
    %dma_wait3A_26 = arith.constant 1 : i32
    %dma_wait3A_27 = arith.constant 0 : i32
    %dma_wait3A_28 = tpu.memref_slice %arg5[%dma_wait3A_26, %dma_wait3A_27] : memref<4x128xi32, #tpu.memory_space<vmem>> -> memref<1x128xi32, #tpu.memory_space<vmem>>
    %dma_wait3A_29 = tpu.memref_squeeze %dma_wait3A_28 : memref<1x128xi32, #tpu.memory_space<vmem>> -> memref<128xi32, #tpu.memory_space<vmem>>
    %dma_wait3A_30 = arith.constant 0 : i32
    %dma_wait3A_31 = arith.constant 0 : i32
    %dma_wait3A_32 = tpu.memref_slice %arg2[%dma_wait3A_30, %dma_wait3A_31] : memref<10240x128xf32, #tpu.memory_space<hbm>> -> memref<10240x128xf32, #tpu.memory_space<hbm>>
    tpu.wait_indirect_dma semaphore(%arg7 : memref<!tpu.dma_semaphore, #tpu.memory_space<semaphore_mem>>) src(%dma_wait3A_32 : memref<10240x128xf32, #tpu.memory_space<hbm>>) dst(%arg6 : memref<128x128xf32, #tpu.memory_space<vmem>>)
    %mul3A_33 = arith.constant 4 : i32
    %mul3A_34 = arith.muli %add3A, %mul3A_33 : i32
    %mul3A_35 = arith.constant 128 : i32
    %mul3A_36 = arith.muli %mul3A_34, %mul3A_35 : i32
    %add3A_37 = arith.constant 128 : i32
    %add3A_38 = arith.addi %mul3A_36, %add3A_37 : i32
    "tpu.region"() ({
      %run_scoped3A = tpu.sem_alloc : memref<!tpu.dma_semaphore, #tpu.memory_space<semaphore_mem>>
      %dma_start3A_79 = arith.constant 0 : i32
      %dma_start3A_80 = tpu.memref_slice %arg4[%add3A_38, %dma_start3A_79] : memref<16384x128xf32, #tpu.memory_space<hbm>> -> memref<128x128xf32, #tpu.memory_space<hbm>>
      %dma_start3A_81 = arith.constant 0 : i32
      %dma_start3A_82 = tpu.memref_slice %arg4[%add3A_38, %dma_start3A_81] : memref<16384x128xf32, #tpu.memory_space<hbm>> -> memref<128x128xf32, #tpu.memory_space<hbm>>
      tpu.enqueue_dma source(%arg6 : memref<128x128xf32, #tpu.memory_space<vmem>>) target(%dma_start3A_82 : memref<128x128xf32, #tpu.memory_space<hbm>>) target_semaphore(%run_scoped3A : memref<!tpu.dma_semaphore, #tpu.memory_space<semaphore_mem>>)
      %dma_wait3A_83 = arith.constant 0 : i32
      %dma_wait3A_84 = tpu.memref_slice %arg4[%add3A_38, %dma_wait3A_83] : memref<16384x128xf32, #tpu.memory_space<hbm>> -> memref<128x128xf32, #tpu.memory_space<hbm>>
      %dma_wait3A_85 = arith.constant 0 : i32
      %dma_wait3A_86 = tpu.memref_slice %arg4[%add3A_38, %dma_wait3A_85] : memref<16384x128xf32, #tpu.memory_space<hbm>> -> memref<128x128xf32, #tpu.memory_space<hbm>>
      tpu.wait_dma2 semaphore(%run_scoped3A : memref<!tpu.dma_semaphore, #tpu.memory_space<semaphore_mem>>) src(%arg6 : memref<128x128xf32, #tpu.memory_space<vmem>>) dst(%dma_wait3A_86 : memref<128x128xf32, #tpu.memory_space<hbm>>)
      tpu.yield
    }) : () -> ()
    %dma_start3A_39 = arith.constant 2 : i32
    %dma_start3A_40 = arith.constant 0 : i32
    %dma_start3A_41 = tpu.memref_slice %arg5[%dma_start3A_39, %dma_start3A_40] : memref<4x128xi32, #tpu.memory_space<vmem>> -> memref<1x128xi32, #tpu.memory_space<vmem>>
    %dma_start3A_42 = tpu.memref_squeeze %dma_start3A_41 : memref<1x128xi32, #tpu.memory_space<vmem>> -> memref<128xi32, #tpu.memory_space<vmem>>
    %dma_start3A_43 = arith.constant 0 : i32
    %dma_start3A_44 = arith.constant 0 : i32
    %dma_start3A_45 = tpu.memref_slice %arg2[%dma_start3A_43, %dma_start3A_44] : memref<10240x128xf32, #tpu.memory_space<hbm>> -> memref<10240x128xf32, #tpu.memory_space<hbm>>
    tpu.enqueue_indirect_dma source(%dma_start3A_45 : memref<10240x128xf32, #tpu.memory_space<hbm>>) target(%arg6 : memref<128x128xf32, #tpu.memory_space<vmem>>) offsets(%dma_start3A_42 : memref<128xi32, #tpu.memory_space<vmem>>) semaphore(%arg7 : memref<!tpu.dma_semaphore, #tpu.memory_space<semaphore_mem>>)
    %dma_wait3A_46 = arith.constant 2 : i32
    %dma_wait3A_47 = arith.constant 0 : i32
    %dma_wait3A_48 = tpu.memref_slice %arg5[%dma_wait3A_46, %dma_wait3A_47] : memref<4x128xi32, #tpu.memory_space<vmem>> -> memref<1x128xi32, #tpu.memory_space<vmem>>
    %dma_wait3A_49 = tpu.memref_squeeze %dma_wait3A_48 : memref<1x128xi32, #tpu.memory_space<vmem>> -> memref<128xi32, #tpu.memory_space<vmem>>
    %dma_wait3A_50 = arith.constant 0 : i32
    %dma_wait3A_51 = arith.constant 0 : i32
    %dma_wait3A_52 = tpu.memref_slice %arg2[%dma_wait3A_50, %dma_wait3A_51] : memref<10240x128xf32, #tpu.memory_space<hbm>> -> memref<10240x128xf32, #tpu.memory_space<hbm>>
    tpu.wait_indirect_dma semaphore(%arg7 : memref<!tpu.dma_semaphore, #tpu.memory_space<semaphore_mem>>) src(%dma_wait3A_52 : memref<10240x128xf32, #tpu.memory_space<hbm>>) dst(%arg6 : memref<128x128xf32, #tpu.memory_space<vmem>>)
    %mul3A_53 = arith.constant 4 : i32
    %mul3A_54 = arith.muli %add3A, %mul3A_53 : i32
    %mul3A_55 = arith.constant 128 : i32
    %mul3A_56 = arith.muli %mul3A_54, %mul3A_55 : i32
    %add3A_57 = arith.constant 256 : i32
    %add3A_58 = arith.addi %mul3A_56, %add3A_57 : i32
    "tpu.region"() ({
      %run_scoped3A = tpu.sem_alloc : memref<!tpu.dma_semaphore, #tpu.memory_space<semaphore_mem>>
      %dma_start3A_79 = arith.constant 0 : i32
      %dma_start3A_80 = tpu.memref_slice %arg4[%add3A_58, %dma_start3A_79] : memref<16384x128xf32, #tpu.memory_space<hbm>> -> memref<128x128xf32, #tpu.memory_space<hbm>>
      %dma_start3A_81 = arith.constant 0 : i32
      %dma_start3A_82 = tpu.memref_slice %arg4[%add3A_58, %dma_start3A_81] : memref<16384x128xf32, #tpu.memory_space<hbm>> -> memref<128x128xf32, #tpu.memory_space<hbm>>
      tpu.enqueue_dma source(%arg6 : memref<128x128xf32, #tpu.memory_space<vmem>>) target(%dma_start3A_82 : memref<128x128xf32, #tpu.memory_space<hbm>>) target_semaphore(%run_scoped3A : memref<!tpu.dma_semaphore, #tpu.memory_space<semaphore_mem>>)
      %dma_wait3A_83 = arith.constant 0 : i32
      %dma_wait3A_84 = tpu.memref_slice %arg4[%add3A_58, %dma_wait3A_83] : memref<16384x128xf32, #tpu.memory_space<hbm>> -> memref<128x128xf32, #tpu.memory_space<hbm>>
      %dma_wait3A_85 = arith.constant 0 : i32
      %dma_wait3A_86 = tpu.memref_slice %arg4[%add3A_58, %dma_wait3A_85] : memref<16384x128xf32, #tpu.memory_space<hbm>> -> memref<128x128xf32, #tpu.memory_space<hbm>>
      tpu.wait_dma2 semaphore(%run_scoped3A : memref<!tpu.dma_semaphore, #tpu.memory_space<semaphore_mem>>) src(%arg6 : memref<128x128xf32, #tpu.memory_space<vmem>>) dst(%dma_wait3A_86 : memref<128x128xf32, #tpu.memory_space<hbm>>)
      tpu.yield
    }) : () -> ()
    %dma_start3A_59 = arith.constant 3 : i32
    %dma_start3A_60 = arith.constant 0 : i32
    %dma_start3A_61 = tpu.memref_slice %arg5[%dma_start3A_59, %dma_start3A_60] : memref<4x128xi32, #tpu.memory_space<vmem>> -> memref<1x128xi32, #tpu.memory_space<vmem>>
    %dma_start3A_62 = tpu.memref_squeeze %dma_start3A_61 : memref<1x128xi32, #tpu.memory_space<vmem>> -> memref<128xi32, #tpu.memory_space<vmem>>
    %dma_start3A_63 = arith.constant 0 : i32
    %dma_start3A_64 = arith.constant 0 : i32
    %dma_start3A_65 = tpu.memref_slice %arg2[%dma_start3A_63, %dma_start3A_64] : memref<10240x128xf32, #tpu.memory_space<hbm>> -> memref<10240x128xf32, #tpu.memory_space<hbm>>
    tpu.enqueue_indirect_dma source(%dma_start3A_65 : memref<10240x128xf32, #tpu.memory_space<hbm>>) target(%arg6 : memref<128x128xf32, #tpu.memory_space<vmem>>) offsets(%dma_start3A_62 : memref<128xi32, #tpu.memory_space<vmem>>) semaphore(%arg7 : memref<!tpu.dma_semaphore, #tpu.memory_space<semaphore_mem>>)
    %dma_wait3A_66 = arith.constant 3 : i32
    %dma_wait3A_67 = arith.constant 0 : i32
    %dma_wait3A_68 = tpu.memref_slice %arg5[%dma_wait3A_66, %dma_wait3A_67] : memref<4x128xi32, #tpu.memory_space<vmem>> -> memref<1x128xi32, #tpu.memory_space<vmem>>
    %dma_wait3A_69 = tpu.memref_squeeze %dma_wait3A_68 : memref<1x128xi32, #tpu.memory_space<vmem>> -> memref<128xi32, #tpu.memory_space<vmem>>
    %dma_wait3A_70 = arith.constant 0 : i32
    %dma_wait3A_71 = arith.constant 0 : i32
    %dma_wait3A_72 = tpu.memref_slice %arg2[%dma_wait3A_70, %dma_wait3A_71] : memref<10240x128xf32, #tpu.memory_space<hbm>> -> memref<10240x128xf32, #tpu.memory_space<hbm>>
    tpu.wait_indirect_dma semaphore(%arg7 : memref<!tpu.dma_semaphore, #tpu.memory_space<semaphore_mem>>) src(%dma_wait3A_72 : memref<10240x128xf32, #tpu.memory_space<hbm>>) dst(%arg6 : memref<128x128xf32, #tpu.memory_space<vmem>>)
    %mul3A_73 = arith.constant 4 : i32
    %mul3A_74 = arith.muli %add3A, %mul3A_73 : i32
    %mul3A_75 = arith.constant 128 : i32
    %mul3A_76 = arith.muli %mul3A_74, %mul3A_75 : i32
    %add3A_77 = arith.constant 384 : i32
    %add3A_78 = arith.addi %mul3A_76, %add3A_77 : i32
    "tpu.region"() ({
      %run_scoped3A = tpu.sem_alloc : memref<!tpu.dma_semaphore, #tpu.memory_space<semaphore_mem>>
      %dma_start3A_79 = arith.constant 0 : i32
      %dma_start3A_80 = tpu.memref_slice %arg4[%add3A_78, %dma_start3A_79] : memref<16384x128xf32, #tpu.memory_space<hbm>> -> memref<128x128xf32, #tpu.memory_space<hbm>>
      %dma_start3A_81 = arith.constant 0 : i32
      %dma_start3A_82 = tpu.memref_slice %arg4[%add3A_78, %dma_start3A_81] : memref<16384x128xf32, #tpu.memory_space<hbm>> -> memref<128x128xf32, #tpu.memory_space<hbm>>
      tpu.enqueue_dma source(%arg6 : memref<128x128xf32, #tpu.memory_space<vmem>>) target(%dma_start3A_82 : memref<128x128xf32, #tpu.memory_space<hbm>>) target_semaphore(%run_scoped3A : memref<!tpu.dma_semaphore, #tpu.memory_space<semaphore_mem>>)
      %dma_wait3A_83 = arith.constant 0 : i32
      %dma_wait3A_84 = tpu.memref_slice %arg4[%add3A_78, %dma_wait3A_83] : memref<16384x128xf32, #tpu.memory_space<hbm>> -> memref<128x128xf32, #tpu.memory_space<hbm>>
      %dma_wait3A_85 = arith.constant 0 : i32
      %dma_wait3A_86 = tpu.memref_slice %arg4[%add3A_78, %dma_wait3A_85] : memref<16384x128xf32, #tpu.memory_space<hbm>> -> memref<128x128xf32, #tpu.memory_space<hbm>>
      tpu.wait_dma2 semaphore(%run_scoped3A : memref<!tpu.dma_semaphore, #tpu.memory_space<semaphore_mem>>) src(%arg6 : memref<128x128xf32, #tpu.memory_space<vmem>>) dst(%dma_wait3A_86 : memref<128x128xf32, #tpu.memory_space<hbm>>)
      tpu.yield
    }) : () -> ()
    return
  }
}

#map = affine_map<(d0, d1) -> (0, 0, 0)>
#map1 = affine_map<(d0, d1) -> (0, 0)>
module attributes {stable_mosaic.version = 14 : i64} {
  func.func @body(%arg0: i32, %arg1: i32, %arg2: memref<32x79x128xi32, #tpu.memory_space<hbm>>, %arg3: memref<32x79x128xi32, #tpu.memory_space<hbm>>, %arg4: memref<16384x128xf32, #tpu.memory_space<hbm>>, %arg5: memref<16384x128xf32, #tpu.memory_space<hbm>>, %arg6: memref<79x128xi32, #tpu.memory_space<vmem>>, %arg7: memref<79x128xi32, #tpu.memory_space<vmem>>, %arg8: memref<128x128xf32, #tpu.memory_space<vmem>>, %arg9: memref<128xf32, #tpu.memory_space<vmem>>, %arg10: memref<512xf32, #tpu.memory_space<vmem>>, %arg11: memref<8192x128xf32, #tpu.memory_space<vmem_shared>>, %arg12: memref<8192xf32, #tpu.memory_space<vmem_shared>>, %arg13: memref<!tpu.dma_semaphore, #tpu.memory_space<semaphore_mem>>) attributes {dimension_semantics = [#tpu.dimension_semantics<core_parallel>, #tpu.dimension_semantics<subcore_parallel>], iteration_bounds = array<i64: 2, 16>, scalar_prefetch = 0 : i64, scratch_operands = 8 : i64, tpu.core_type = #tpu.core_type<sc_vector_subcore>, window_params = [{transform_indices = #map}, {transform_indices = #map}, {transform_indices = #map1}, {transform_indices = #map1}]} {
    %mul3A = arith.constant 16 : i32
    %mul3A_0 = arith.muli %arg0, %mul3A : i32
    %add3A = arith.addi %mul3A_0, %arg1 : i32
    %broadcast_in_dim3A = arith.constant 0.000000e+00 : f32
    %broadcast_in_dim3A_1 = vector.broadcast %broadcast_in_dim3A : f32 to vector<16xf32>
    %scan3A = arith.constant 0 : i32
    %scan3A_2 = arith.constant 0 : i32
    %scan3A_3 = arith.constant 128 : i32
    %scan3A_4 = arith.addi %scan3A_2, %scan3A_3 : i32
    %scan3A_5 = arith.constant 1 : i32
    %scan3A_6 = scf.for %scan3A_50 = %scan3A_2 to %scan3A_4 step %scan3A_5 iter_args(%scan3A_51 = %scan3A) -> (i32)  : i32 {
      %swap3A = arith.index_cast %scan3A_50 : i32 to index
      %swap3A_52 = arith.constant 0 : index
      %swap3A_53 = tpu.vector_load %arg8[%swap3A, %swap3A_52] {strides = array<i32>} : memref<128x128xf32, #tpu.memory_space<vmem>>, vector<1x16xf32>,
      %swap3A_54 = vector.shape_cast %swap3A_53 : vector<1x16xf32> to vector<16xf32>
      %swap3A_55 = vector.shape_cast %broadcast_in_dim3A_1 : vector<16xf32> to vector<1x16xf32>
      tpu.vector_store %arg8[%swap3A, %swap3A_52], %swap3A_55 {strides = array<i32>} : memref<128x128xf32, #tpu.memory_space<vmem>>, vector<1x16xf32>,
      %swap3A_56 = arith.index_cast %scan3A_50 : i32 to index
      %swap3A_57 = arith.constant 16 : index
      %swap3A_58 = tpu.vector_load %arg8[%swap3A_56, %swap3A_57] {strides = array<i32>} : memref<128x128xf32, #tpu.memory_space<vmem>>, vector<1x16xf32>,
      %swap3A_59 = vector.shape_cast %swap3A_58 : vector<1x16xf32> to vector<16xf32>
      %swap3A_60 = vector.shape_cast %broadcast_in_dim3A_1 : vector<16xf32> to vector<1x16xf32>
      tpu.vector_store %arg8[%swap3A_56, %swap3A_57], %swap3A_60 {strides = array<i32>} : memref<128x128xf32, #tpu.memory_space<vmem>>, vector<1x16xf32>,
      %swap3A_61 = arith.index_cast %scan3A_50 : i32 to index
      %swap3A_62 = arith.constant 32 : index
      %swap3A_63 = tpu.vector_load %arg8[%swap3A_61, %swap3A_62] {strides = array<i32>} : memref<128x128xf32, #tpu.memory_space<vmem>>, vector<1x16xf32>,
      %swap3A_64 = vector.shape_cast %swap3A_63 : vector<1x16xf32> to vector<16xf32>
      %swap3A_65 = vector.shape_cast %broadcast_in_dim3A_1 : vector<16xf32> to vector<1x16xf32>
      tpu.vector_store %arg8[%swap3A_61, %swap3A_62], %swap3A_65 {strides = array<i32>} : memref<128x128xf32, #tpu.memory_space<vmem>>, vector<1x16xf32>,
      %swap3A_66 = arith.index_cast %scan3A_50 : i32 to index
      %swap3A_67 = arith.constant 48 : index
      %swap3A_68 = tpu.vector_load %arg8[%swap3A_66, %swap3A_67] {strides = array<i32>} : memref<128x128xf32, #tpu.memory_space<vmem>>, vector<1x16xf32>,
      %swap3A_69 = vector.shape_cast %swap3A_68 : vector<1x16xf32> to vector<16xf32>
      %swap3A_70 = vector.shape_cast %broadcast_in_dim3A_1 : vector<16xf32> to vector<1x16xf32>
      tpu.vector_store %arg8[%swap3A_66, %swap3A_67], %swap3A_70 {strides = array<i32>} : memref<128x128xf32, #tpu.memory_space<vmem>>, vector<1x16xf32>,
      %swap3A_71 = arith.index_cast %scan3A_50 : i32 to index
      %swap3A_72 = arith.constant 64 : index
      %swap3A_73 = tpu.vector_load %arg8[%swap3A_71, %swap3A_72] {strides = array<i32>} : memref<128x128xf32, #tpu.memory_space<vmem>>, vector<1x16xf32>,
      %swap3A_74 = vector.shape_cast %swap3A_73 : vector<1x16xf32> to vector<16xf32>
      %swap3A_75 = vector.shape_cast %broadcast_in_dim3A_1 : vector<16xf32> to vector<1x16xf32>
      tpu.vector_store %arg8[%swap3A_71, %swap3A_72], %swap3A_75 {strides = array<i32>} : memref<128x128xf32, #tpu.memory_space<vmem>>, vector<1x16xf32>,
      %swap3A_76 = arith.index_cast %scan3A_50 : i32 to index
      %swap3A_77 = arith.constant 80 : index
      %swap3A_78 = tpu.vector_load %arg8[%swap3A_76, %swap3A_77] {strides = array<i32>} : memref<128x128xf32, #tpu.memory_space<vmem>>, vector<1x16xf32>,
      %swap3A_79 = vector.shape_cast %swap3A_78 : vector<1x16xf32> to vector<16xf32>
      %swap3A_80 = vector.shape_cast %broadcast_in_dim3A_1 : vector<16xf32> to vector<1x16xf32>
      tpu.vector_store %arg8[%swap3A_76, %swap3A_77], %swap3A_80 {strides = array<i32>} : memref<128x128xf32, #tpu.memory_space<vmem>>, vector<1x16xf32>,
      %swap3A_81 = arith.index_cast %scan3A_50 : i32 to index
      %swap3A_82 = arith.constant 96 : index
      %swap3A_83 = tpu.vector_load %arg8[%swap3A_81, %swap3A_82] {strides = array<i32>} : memref<128x128xf32, #tpu.memory_space<vmem>>, vector<1x16xf32>,
      %swap3A_84 = vector.shape_cast %swap3A_83 : vector<1x16xf32> to vector<16xf32>
      %swap3A_85 = vector.shape_cast %broadcast_in_dim3A_1 : vector<16xf32> to vector<1x16xf32>
      tpu.vector_store %arg8[%swap3A_81, %swap3A_82], %swap3A_85 {strides = array<i32>} : memref<128x128xf32, #tpu.memory_space<vmem>>, vector<1x16xf32>,
      %swap3A_86 = arith.index_cast %scan3A_50 : i32 to index
      %swap3A_87 = arith.constant 112 : index
      %swap3A_88 = tpu.vector_load %arg8[%swap3A_86, %swap3A_87] {strides = array<i32>} : memref<128x128xf32, #tpu.memory_space<vmem>>, vector<1x16xf32>,
      %swap3A_89 = vector.shape_cast %swap3A_88 : vector<1x16xf32> to vector<16xf32>
      %swap3A_90 = vector.shape_cast %broadcast_in_dim3A_1 : vector<16xf32> to vector<1x16xf32>
      tpu.vector_store %arg8[%swap3A_86, %swap3A_87], %swap3A_90 {strides = array<i32>} : memref<128x128xf32, #tpu.memory_space<vmem>>, vector<1x16xf32>,
      %scan3A_91 = arith.constant 0 : i32
      scf.yield %scan3A_91 : i32
    }
    %scan3A_7 = arith.constant 128 : i32
    %broadcast_in_dim3A_8 = arith.constant 1.000000e+00 : f32
    %broadcast_in_dim3A_9 = vector.broadcast %broadcast_in_dim3A_8 : f32 to vector<16xf32>
    %scan3A_10 = arith.constant 0 : i32
    %scan3A_11 = arith.constant 0 : i32
    %scan3A_12 = arith.constant 8 : i32
    %scan3A_13 = arith.addi %scan3A_11, %scan3A_12 : i32
    %scan3A_14 = arith.constant 1 : i32
    %scan3A_15 = scf.for %scan3A_50 = %scan3A_11 to %scan3A_13 step %scan3A_14 iter_args(%scan3A_51 = %scan3A_10) -> (i32)  : i32 {
      %mul3A_52 = arith.constant 16 : i32
      %mul3A_53 = arith.muli %scan3A_50, %mul3A_52 : i32
      %swap3A = arith.index_cast %mul3A_53 : i32 to index
      %swap3A_54 = tpu.vector_load %arg9[%swap3A] {strides = array<i32>} : memref<128xf32, #tpu.memory_space<vmem>>, vector<16xf32>,
      %swap3A_55 = vector.shape_cast %swap3A_54 : vector<16xf32> to vector<16xf32>
      %swap3A_56 = vector.shape_cast %broadcast_in_dim3A_9 : vector<16xf32> to vector<16xf32>
      tpu.vector_store %arg9[%swap3A], %swap3A_56 {strides = array<i32>} : memref<128xf32, #tpu.memory_space<vmem>>, vector<16xf32>,
      %scan3A_57 = arith.constant 0 : i32
      scf.yield %scan3A_57 : i32
    }
    %scan3A_16 = arith.constant 8 : i32
    %broadcast_in_dim3A_17 = arith.constant 0.000000e+00 : f32
    %broadcast_in_dim3A_18 = vector.broadcast %broadcast_in_dim3A_17 : f32 to vector<16xf32>
    %scan3A_19 = arith.constant 0 : i32
    %scan3A_20 = arith.constant 0 : i32
    %scan3A_21 = arith.constant 32 : i32
    %scan3A_22 = arith.addi %scan3A_20, %scan3A_21 : i32
    %scan3A_23 = arith.constant 1 : i32
    %scan3A_24 = scf.for %scan3A_50 = %scan3A_20 to %scan3A_22 step %scan3A_23 iter_args(%scan3A_51 = %scan3A_19) -> (i32)  : i32 {
      %mul3A_52 = arith.constant 16 : i32
      %mul3A_53 = arith.muli %scan3A_50, %mul3A_52 : i32
      %swap3A = arith.index_cast %mul3A_53 : i32 to index
      %swap3A_54 = tpu.vector_load %arg10[%swap3A] {strides = array<i32>} : memref<512xf32, #tpu.memory_space<vmem>>, vector<16xf32>,
      %swap3A_55 = vector.shape_cast %swap3A_54 : vector<16xf32> to vector<16xf32>
      %swap3A_56 = vector.shape_cast %broadcast_in_dim3A_18 : vector<16xf32> to vector<16xf32>
      tpu.vector_store %arg10[%swap3A], %swap3A_56 {strides = array<i32>} : memref<512xf32, #tpu.memory_space<vmem>>, vector<16xf32>,
      %scan3A_57 = arith.constant 0 : i32
      scf.yield %scan3A_57 : i32
    }
    %scan3A_25 = arith.constant 32 : i32
    %scan3A_26 = arith.constant 0 : i32
    %scan3A_27 = arith.constant 0 : i32
    %scan3A_28 = arith.constant 4 : i32
    %scan3A_29 = arith.addi %scan3A_27, %scan3A_28 : i32
    %scan3A_30 = arith.constant 1 : i32
    %scan3A_31 = scf.for %scan3A_50 = %scan3A_27 to %scan3A_29 step %scan3A_30 iter_args(%scan3A_51 = %scan3A_26) -> (i32)  : i32 {
      %mul3A_52 = arith.constant 512 : i32
      %mul3A_53 = arith.muli %arg1, %mul3A_52 : i32
      %mul3A_54 = arith.constant 128 : i32
      %mul3A_55 = arith.muli %scan3A_50, %mul3A_54 : i32
      %add3A_56 = arith.addi %mul3A_53, %mul3A_55 : i32
      "tpu.region"() ({
        %run_scoped3A = tpu.sem_alloc : memref<!tpu.dma_semaphore, #tpu.memory_space<semaphore_mem>>
        %dma_start3A = arith.constant 0 : i32
        %dma_start3A_58 = tpu.memref_slice %arg11[%add3A_56, %dma_start3A] : memref<8192x128xf32, #tpu.memory_space<vmem_shared>> -> memref<128x128xf32, #tpu.memory_space<vmem_shared>>
        %dma_start3A_59 = arith.constant 0 : i32
        %dma_start3A_60 = tpu.memref_slice %arg11[%add3A_56, %dma_start3A_59] : memref<8192x128xf32, #tpu.memory_space<vmem_shared>> -> memref<128x128xf32, #tpu.memory_space<vmem_shared>>
        tpu.enqueue_dma source(%arg8 : memref<128x128xf32, #tpu.memory_space<vmem>>) target(%dma_start3A_60 : memref<128x128xf32, #tpu.memory_space<vmem_shared>>) target_semaphore(%run_scoped3A : memref<!tpu.dma_semaphore, #tpu.memory_space<semaphore_mem>>)
        %dma_wait3A = arith.constant 0 : i32
        %dma_wait3A_61 = tpu.memref_slice %arg11[%add3A_56, %dma_wait3A] : memref<8192x128xf32, #tpu.memory_space<vmem_shared>> -> memref<128x128xf32, #tpu.memory_space<vmem_shared>>
        %dma_wait3A_62 = arith.constant 0 : i32
        %dma_wait3A_63 = tpu.memref_slice %arg11[%add3A_56, %dma_wait3A_62] : memref<8192x128xf32, #tpu.memory_space<vmem_shared>> -> memref<128x128xf32, #tpu.memory_space<vmem_shared>>
        tpu.wait_dma2 semaphore(%run_scoped3A : memref<!tpu.dma_semaphore, #tpu.memory_space<semaphore_mem>>) src(%arg8 : memref<128x128xf32, #tpu.memory_space<vmem>>) dst(%dma_wait3A_63 : memref<128x128xf32, #tpu.memory_space<vmem_shared>>)
        tpu.yield
      }) : () -> ()
      %scan3A_57 = arith.constant 0 : i32
      scf.yield %scan3A_57 : i32
    }
    %scan3A_32 = arith.constant 4 : i32
    %mul3A_33 = arith.constant 512 : i32
    %mul3A_34 = arith.muli %arg1, %mul3A_33 : i32
    "tpu.region"() ({
      %run_scoped3A = tpu.sem_alloc : memref<!tpu.dma_semaphore, #tpu.memory_space<semaphore_mem>>
      %dma_start3A = tpu.memref_slice %arg12[%mul3A_34] : memref<8192xf32, #tpu.memory_space<vmem_shared>> -> memref<512xf32, #tpu.memory_space<vmem_shared>>
      %dma_start3A_50 = tpu.memref_slice %arg12[%mul3A_34] : memref<8192xf32, #tpu.memory_space<vmem_shared>> -> memref<512xf32, #tpu.memory_space<vmem_shared>>
      tpu.enqueue_dma source(%arg10 : memref<512xf32, #tpu.memory_space<vmem>>) target(%dma_start3A_50 : memref<512xf32, #tpu.memory_space<vmem_shared>>) target_semaphore(%run_scoped3A : memref<!tpu.dma_semaphore, #tpu.memory_space<semaphore_mem>>)
      %dma_wait3A = tpu.memref_slice %arg12[%mul3A_34] : memref<8192xf32, #tpu.memory_space<vmem_shared>> -> memref<512xf32, #tpu.memory_space<vmem_shared>>
      %dma_wait3A_51 = tpu.memref_slice %arg12[%mul3A_34] : memref<8192xf32, #tpu.memory_space<vmem_shared>> -> memref<512xf32, #tpu.memory_space<vmem_shared>>
      tpu.wait_dma2 semaphore(%run_scoped3A : memref<!tpu.dma_semaphore, #tpu.memory_space<semaphore_mem>>) src(%arg10 : memref<512xf32, #tpu.memory_space<vmem>>) dst(%dma_wait3A_51 : memref<512xf32, #tpu.memory_space<vmem_shared>>)
      tpu.yield
    }) : () -> ()
    %barrier3A = arith.constant 0 : index
    tpu.barrier barrier_id(%barrier3A)
    "tpu.region"() ({
      %run_scoped3A = tpu.sem_alloc : memref<!tpu.dma_semaphore, #tpu.memory_space<semaphore_mem>>
      %dma_start3A = arith.constant 0 : i32
      %dma_start3A_50 = arith.constant 0 : i32
      %dma_start3A_51 = tpu.memref_slice %arg2[%add3A, %dma_start3A, %dma_start3A_50] : memref<32x79x128xi32, #tpu.memory_space<hbm>> -> memref<1x79x128xi32, #tpu.memory_space<hbm>>
      %dma_start3A_52 = tpu.memref_squeeze %dma_start3A_51 : memref<1x79x128xi32, #tpu.memory_space<hbm>> -> memref<79x128xi32, #tpu.memory_space<hbm>>
      %dma_start3A_53 = arith.constant 0 : i32
      %dma_start3A_54 = arith.constant 0 : i32
      %dma_start3A_55 = tpu.memref_slice %arg2[%add3A, %dma_start3A_53, %dma_start3A_54] : memref<32x79x128xi32, #tpu.memory_space<hbm>> -> memref<1x79x128xi32, #tpu.memory_space<hbm>>
      %dma_start3A_56 = tpu.memref_squeeze %dma_start3A_55 : memref<1x79x128xi32, #tpu.memory_space<hbm>> -> memref<79x128xi32, #tpu.memory_space<hbm>>
      tpu.enqueue_dma source(%dma_start3A_56 : memref<79x128xi32, #tpu.memory_space<hbm>>) target(%arg6 : memref<79x128xi32, #tpu.memory_space<vmem>>) target_semaphore(%run_scoped3A : memref<!tpu.dma_semaphore, #tpu.memory_space<semaphore_mem>>)
      %dma_wait3A = arith.constant 0 : i32
      %dma_wait3A_57 = arith.constant 0 : i32
      %dma_wait3A_58 = tpu.memref_slice %arg2[%add3A, %dma_wait3A, %dma_wait3A_57] : memref<32x79x128xi32, #tpu.memory_space<hbm>> -> memref<1x79x128xi32, #tpu.memory_space<hbm>>
      %dma_wait3A_59 = tpu.memref_squeeze %dma_wait3A_58 : memref<1x79x128xi32, #tpu.memory_space<hbm>> -> memref<79x128xi32, #tpu.memory_space<hbm>>
      %dma_wait3A_60 = arith.constant 0 : i32
      %dma_wait3A_61 = arith.constant 0 : i32
      %dma_wait3A_62 = tpu.memref_slice %arg2[%add3A, %dma_wait3A_60, %dma_wait3A_61] : memref<32x79x128xi32, #tpu.memory_space<hbm>> -> memref<1x79x128xi32, #tpu.memory_space<hbm>>
      %dma_wait3A_63 = tpu.memref_squeeze %dma_wait3A_62 : memref<1x79x128xi32, #tpu.memory_space<hbm>> -> memref<79x128xi32, #tpu.memory_space<hbm>>
      tpu.wait_dma2 semaphore(%run_scoped3A : memref<!tpu.dma_semaphore, #tpu.memory_space<semaphore_mem>>) src(%dma_wait3A_63 : memref<79x128xi32, #tpu.memory_space<hbm>>) dst(%arg6 : memref<79x128xi32, #tpu.memory_space<vmem>>)
      tpu.yield
    }) : () -> ()
    "tpu.region"() ({
      %run_scoped3A = tpu.sem_alloc : memref<!tpu.dma_semaphore, #tpu.memory_space<semaphore_mem>>
      %dma_start3A = arith.constant 0 : i32
      %dma_start3A_50 = arith.constant 0 : i32
      %dma_start3A_51 = tpu.memref_slice %arg3[%add3A, %dma_start3A, %dma_start3A_50] : memref<32x79x128xi32, #tpu.memory_space<hbm>> -> memref<1x79x128xi32, #tpu.memory_space<hbm>>
      %dma_start3A_52 = tpu.memref_squeeze %dma_start3A_51 : memref<1x79x128xi32, #tpu.memory_space<hbm>> -> memref<79x128xi32, #tpu.memory_space<hbm>>
      %dma_start3A_53 = arith.constant 0 : i32
      %dma_start3A_54 = arith.constant 0 : i32
      %dma_start3A_55 = tpu.memref_slice %arg3[%add3A, %dma_start3A_53, %dma_start3A_54] : memref<32x79x128xi32, #tpu.memory_space<hbm>> -> memref<1x79x128xi32, #tpu.memory_space<hbm>>
      %dma_start3A_56 = tpu.memref_squeeze %dma_start3A_55 : memref<1x79x128xi32, #tpu.memory_space<hbm>> -> memref<79x128xi32, #tpu.memory_space<hbm>>
      tpu.enqueue_dma source(%dma_start3A_56 : memref<79x128xi32, #tpu.memory_space<hbm>>) target(%arg7 : memref<79x128xi32, #tpu.memory_space<vmem>>) target_semaphore(%run_scoped3A : memref<!tpu.dma_semaphore, #tpu.memory_space<semaphore_mem>>)
      %dma_wait3A = arith.constant 0 : i32
      %dma_wait3A_57 = arith.constant 0 : i32
      %dma_wait3A_58 = tpu.memref_slice %arg3[%add3A, %dma_wait3A, %dma_wait3A_57] : memref<32x79x128xi32, #tpu.memory_space<hbm>> -> memref<1x79x128xi32, #tpu.memory_space<hbm>>
      %dma_wait3A_59 = tpu.memref_squeeze %dma_wait3A_58 : memref<1x79x128xi32, #tpu.memory_space<hbm>> -> memref<79x128xi32, #tpu.memory_space<hbm>>
      %dma_wait3A_60 = arith.constant 0 : i32
      %dma_wait3A_61 = arith.constant 0 : i32
      %dma_wait3A_62 = tpu.memref_slice %arg3[%add3A, %dma_wait3A_60, %dma_wait3A_61] : memref<32x79x128xi32, #tpu.memory_space<hbm>> -> memref<1x79x128xi32, #tpu.memory_space<hbm>>
      %dma_wait3A_63 = tpu.memref_squeeze %dma_wait3A_62 : memref<1x79x128xi32, #tpu.memory_space<hbm>> -> memref<79x128xi32, #tpu.memory_space<hbm>>
      tpu.wait_dma2 semaphore(%run_scoped3A : memref<!tpu.dma_semaphore, #tpu.memory_space<semaphore_mem>>) src(%dma_wait3A_63 : memref<79x128xi32, #tpu.memory_space<hbm>>) dst(%arg7 : memref<79x128xi32, #tpu.memory_space<vmem>>)
      tpu.yield
    }) : () -> ()
    %scan3A_35 = arith.constant 0 : i32
    %scan3A_36 = arith.constant 0 : i32
    %scan3A_37 = arith.constant 79 : i32
    %scan3A_38 = arith.addi %scan3A_36, %scan3A_37 : i32
    %scan3A_39 = arith.constant 1 : i32
    %scan3A_40 = scf.for %scan3A_50 = %scan3A_36 to %scan3A_38 step %scan3A_39 iter_args(%scan3A_51 = %scan3A_35) -> (i32)  : i32 {
      %dma_start3A = arith.constant 0 : i32
      %dma_start3A_52 = tpu.memref_slice %arg6[%scan3A_50, %dma_start3A] : memref<79x128xi32, #tpu.memory_space<vmem>> -> memref<1x128xi32, #tpu.memory_space<vmem>>
      %dma_start3A_53 = tpu.memref_squeeze %dma_start3A_52 : memref<1x128xi32, #tpu.memory_space<vmem>> -> memref<128xi32, #tpu.memory_space<vmem>>
      %dma_start3A_54 = arith.constant 0 : i32
      %dma_start3A_55 = arith.constant 0 : i32
      %dma_start3A_56 = tpu.memref_slice %arg4[%dma_start3A_54, %dma_start3A_55] : memref<16384x128xf32, #tpu.memory_space<hbm>> -> memref<16384x128xf32, #tpu.memory_space<hbm>>
      tpu.enqueue_indirect_dma source(%dma_start3A_56 : memref<16384x128xf32, #tpu.memory_space<hbm>>) target(%arg8 : memref<128x128xf32, #tpu.memory_space<vmem>>) offsets(%dma_start3A_53 : memref<128xi32, #tpu.memory_space<vmem>>) semaphore(%arg13 : memref<!tpu.dma_semaphore, #tpu.memory_space<semaphore_mem>>)
      %dma_wait3A = arith.constant 0 : i32
      %dma_wait3A_57 = tpu.memref_slice %arg6[%scan3A_50, %dma_wait3A] : memref<79x128xi32, #tpu.memory_space<vmem>> -> memref<1x128xi32, #tpu.memory_space<vmem>>
      %dma_wait3A_58 = tpu.memref_squeeze %dma_wait3A_57 : memref<1x128xi32, #tpu.memory_space<vmem>> -> memref<128xi32, #tpu.memory_space<vmem>>
      %dma_wait3A_59 = arith.constant 0 : i32
      %dma_wait3A_60 = arith.constant 0 : i32
      %dma_wait3A_61 = tpu.memref_slice %arg4[%dma_wait3A_59, %dma_wait3A_60] : memref<16384x128xf32, #tpu.memory_space<hbm>> -> memref<16384x128xf32, #tpu.memory_space<hbm>>
      tpu.wait_indirect_dma semaphore(%arg13 : memref<!tpu.dma_semaphore, #tpu.memory_space<semaphore_mem>>) src(%dma_wait3A_61 : memref<16384x128xf32, #tpu.memory_space<hbm>>) dst(%arg8 : memref<128x128xf32, #tpu.memory_space<vmem>>)
      "tpu.region"() ({
        %run_scoped3A = tpu.sem_alloc : memref<!tpu.dma_semaphore, #tpu.memory_space<semaphore_mem>>
        %dma_start3A_63 = arith.constant 0 : i32
        %dma_start3A_64 = tpu.memref_slice %arg7[%scan3A_50, %dma_start3A_63] : memref<79x128xi32, #tpu.memory_space<vmem>> -> memref<1x128xi32, #tpu.memory_space<vmem>>
        %dma_start3A_65 = tpu.memref_squeeze %dma_start3A_64 : memref<1x128xi32, #tpu.memory_space<vmem>> -> memref<128xi32, #tpu.memory_space<vmem>>
        %dma_start3A_66 = arith.constant 0 : i32
        %dma_start3A_67 = arith.constant 0 : i32
        %dma_start3A_68 = tpu.memref_slice %arg11[%dma_start3A_66, %dma_start3A_67] : memref<8192x128xf32, #tpu.memory_space<vmem_shared>> -> memref<8192x128xf32, #tpu.memory_space<vmem_shared>>
        tpu.enqueue_indirect_dma source(%arg8 : memref<128x128xf32, #tpu.memory_space<vmem>>) target(%dma_start3A_68 : memref<8192x128xf32, #tpu.memory_space<vmem_shared>>) offsets(%dma_start3A_65 : memref<128xi32, #tpu.memory_space<vmem>>) semaphore(%run_scoped3A : memref<!tpu.dma_semaphore, #tpu.memory_space<semaphore_mem>>) {add = true}
        %dma_wait3A_69 = arith.constant 0 : i32
        %dma_wait3A_70 = tpu.memref_slice %arg7[%scan3A_50, %dma_wait3A_69] : memref<79x128xi32, #tpu.memory_space<vmem>> -> memref<1x128xi32, #tpu.memory_space<vmem>>
        %dma_wait3A_71 = tpu.memref_squeeze %dma_wait3A_70 : memref<1x128xi32, #tpu.memory_space<vmem>> -> memref<128xi32, #tpu.memory_space<vmem>>
        %dma_wait3A_72 = arith.constant 0 : i32
        %dma_wait3A_73 = arith.constant 0 : i32
        %dma_wait3A_74 = tpu.memref_slice %arg11[%dma_wait3A_72, %dma_wait3A_73] : memref<8192x128xf32, #tpu.memory_space<vmem_shared>> -> memref<8192x128xf32, #tpu.memory_space<vmem_shared>>
        tpu.wait_indirect_dma semaphore(%run_scoped3A : memref<!tpu.dma_semaphore, #tpu.memory_space<semaphore_mem>>) src(%arg8 : memref<128x128xf32, #tpu.memory_space<vmem>>) dst(%dma_wait3A_74 : memref<8192x128xf32, #tpu.memory_space<vmem_shared>>)
        tpu.yield
      }) : () -> ()
      %scan3A_62 = arith.constant 0 : i32
      scf.yield %scan3A_62 : i32
    }
    %scan3A_41 = arith.constant 79 : i32
    %barrier3A_42 = arith.constant 0 : index
    tpu.barrier barrier_id(%barrier3A_42)
    %scan3A_43 = arith.constant 0 : i32
    %scan3A_44 = arith.constant 0 : i32
    %scan3A_45 = arith.constant 4 : i32
    %scan3A_46 = arith.addi %scan3A_44, %scan3A_45 : i32
    %scan3A_47 = arith.constant 1 : i32
    %scan3A_48 = scf.for %scan3A_50 = %scan3A_44 to %scan3A_46 step %scan3A_47 iter_args(%scan3A_51 = %scan3A_43) -> (i32)  : i32 {
      %mul3A_52 = arith.constant 512 : i32
      %mul3A_53 = arith.muli %arg1, %mul3A_52 : i32
      %mul3A_54 = arith.constant 128 : i32
      %mul3A_55 = arith.muli %scan3A_50, %mul3A_54 : i32
      %add3A_56 = arith.addi %mul3A_53, %mul3A_55 : i32
      %mul3A_57 = arith.constant 8192 : i32
      %mul3A_58 = arith.muli %arg0, %mul3A_57 : i32
      %add3A_59 = arith.addi %mul3A_58, %add3A_56 : i32
      "tpu.region"() ({
        %run_scoped3A = tpu.sem_alloc : memref<!tpu.dma_semaphore, #tpu.memory_space<semaphore_mem>>
        %dma_start3A = arith.constant 0 : i32
        %dma_start3A_61 = tpu.memref_slice %arg5[%add3A_59, %dma_start3A] : memref<16384x128xf32, #tpu.memory_space<hbm>> -> memref<128x128xf32, #tpu.memory_space<hbm>>
        %dma_start3A_62 = arith.constant 0 : i32
        %dma_start3A_63 = tpu.memref_slice %arg11[%add3A_56, %dma_start3A_62] : memref<8192x128xf32, #tpu.memory_space<vmem_shared>> -> memref<128x128xf32, #tpu.memory_space<vmem_shared>>
        tpu.enqueue_dma source(%dma_start3A_63 : memref<128x128xf32, #tpu.memory_space<vmem_shared>>) target(%dma_start3A_61 : memref<128x128xf32, #tpu.memory_space<hbm>>) target_semaphore(%run_scoped3A : memref<!tpu.dma_semaphore, #tpu.memory_space<semaphore_mem>>)
        %dma_wait3A = arith.constant 0 : i32
        %dma_wait3A_64 = tpu.memref_slice %arg5[%add3A_59, %dma_wait3A] : memref<16384x128xf32, #tpu.memory_space<hbm>> -> memref<128x128xf32, #tpu.memory_space<hbm>>
        %dma_wait3A_65 = arith.constant 0 : i32
        %dma_wait3A_66 = tpu.memref_slice %arg11[%add3A_56, %dma_wait3A_65] : memref<8192x128xf32, #tpu.memory_space<vmem_shared>> -> memref<128x128xf32, #tpu.memory_space<vmem_shared>>
        tpu.wait_dma2 semaphore(%run_scoped3A : memref<!tpu.dma_semaphore, #tpu.memory_space<semaphore_mem>>) src(%dma_wait3A_66 : memref<128x128xf32, #tpu.memory_space<vmem_shared>>) dst(%dma_wait3A_64 : memref<128x128xf32, #tpu.memory_space<hbm>>)
        tpu.yield
      }) : () -> ()
      %scan3A_60 = arith.constant 0 : i32
      scf.yield %scan3A_60 : i32
    }
    %scan3A_49 = arith.constant 4 : i32
    return
  }
}

module attributes {stable_mosaic.version = 14 : i64} {
  func.func @body(%arg0: i32, %arg1: memref<1024x128xf32, #tpu.memory_space<vmem>>, %arg2: memref<128x128xf32, #tpu.memory_space<vmem>>, %arg3: memref<1x128xf32, #tpu.memory_space<vmem>>, %arg4: memref<128x128xf32, #tpu.memory_space<vmem>>, %arg5: memref<1024x128xf32, #tpu.memory_space<vmem>>, %arg6: memref<1024x128xf32, #tpu.memory_space<vmem>>) attributes {dimension_semantics = [#tpu.dimension_semantics<arbitrary>], iteration_bounds = array<i64: 10>, scalar_prefetch = 0 : i64, scratch_operands = 0 : i64, tpu.core_type = #tpu.core_type<tc>, window_params = [{transform_indices = @transform_0, window_bounds = array<i64: 1024, 128>}, {pipeline_mode = #tpu.pipeline_mode<synchronous>, transform_indices = @transform_1, window_bounds = array<i64: 128, 128>}, {pipeline_mode = #tpu.pipeline_mode<synchronous>, transform_indices = @transform_2, window_bounds = array<i64: 1, 128>}, {pipeline_mode = #tpu.pipeline_mode<synchronous>, transform_indices = @transform_3, window_bounds = array<i64: 128, 128>}, {transform_indices = @transform_4, window_bounds = array<i64: 1024, 128>}, {transform_indices = @transform_5, window_bounds = array<i64: 1024, 128>}]} {
    %get3A = arith.constant 0 : index
    %get3A_0 = arith.constant 0 : index
    %get3A_1 = vector.load %arg1[%get3A, %get3A_0] : memref<1024x128xf32, #tpu.memory_space<vmem>>, vector<1024x128xf32>
    %get3A_2 = arith.constant 0 : index
    %get3A_3 = arith.constant 0 : index
    %get3A_4 = vector.load %arg2[%get3A_2, %get3A_3] : memref<128x128xf32, #tpu.memory_space<vmem>>, vector<128x128xf32>
    %dot_general3A = arith.constant dense<0.000000e+00> : vector<1024x128xf32>
    %dot_general3A_5 = tpu.matmul %get3A_1, %get3A_4, %dot_general3A {dimension_numbers = #tpu.dot_dimension_numbers<[1], [0], [0], [1], [0, 0, 1, 1], [], []>, transpose_lhs_hint = false} : vector<1024x128xf32>, vector<128x128xf32>, vector<1024x128xf32> -> vector<1024x128xf32>
    %get3A_6 = arith.constant 0 : index
    %get3A_7 = arith.constant 0 : index
    %get3A_8 = vector.load %arg3[%get3A_6, %get3A_7] : memref<1x128xf32, #tpu.memory_space<vmem>>, vector<1x128xf32>
    %add3A = vector.broadcast %get3A_8 : vector<1x128xf32> to vector<1024x128xf32>
    %add3A_9 = arith.addf %dot_general3A_5, %add3A : vector<1024x128xf32>
    %swap3A = arith.constant 0 : index
    %swap3A_10 = arith.constant 0 : index
    %swap3A_11 = vector.load %arg5[%swap3A, %swap3A_10] : memref<1024x128xf32, #tpu.memory_space<vmem>>, vector<1024x128xf32>
    tpu.vector_store %arg5[%swap3A, %swap3A_10], %add3A_9 {strides = array<i32>} : memref<1024x128xf32, #tpu.memory_space<vmem>>, vector<1024x128xf32>,
    %get3A_12 = arith.constant 0 : index
    %get3A_13 = arith.constant 0 : index
    %get3A_14 = vector.load %arg4[%get3A_12, %get3A_13] : memref<128x128xf32, #tpu.memory_space<vmem>>, vector<128x128xf32>
    %dot_general3A_15 = arith.constant dense<0.000000e+00> : vector<1024x128xf32>
    %dot_general3A_16 = tpu.matmul %add3A_9, %get3A_14, %dot_general3A_15 {dimension_numbers = #tpu.dot_dimension_numbers<[1], [0], [0], [1], [0, 0, 1, 1], [], []>, transpose_lhs_hint = false} : vector<1024x128xf32>, vector<128x128xf32>, vector<1024x128xf32> -> vector<1024x128xf32>
    %swap3A_17 = arith.constant 0 : index
    %swap3A_18 = arith.constant 0 : index
    %swap3A_19 = vector.load %arg6[%swap3A_17, %swap3A_18] : memref<1024x128xf32, #tpu.memory_space<vmem>>, vector<1024x128xf32>
    tpu.vector_store %arg6[%swap3A_17, %swap3A_18], %dot_general3A_16 {strides = array<i32>} : memref<1024x128xf32, #tpu.memory_space<vmem>>, vector<1024x128xf32>,
    return
  }
  func.func @transform_0(%arg0: i32) -> (i32, i32) {
    %c0_i32 = arith.constant 0 : i32
    %c0_i32_0 = arith.constant 0 : i32
    return %arg0, %c0_i32 : i32, i32
  }
  func.func @transform_1(%arg0: i32) -> (i32, i32) {
    %c0_i32 = arith.constant 0 : i32
    %c0_i32_0 = arith.constant 0 : i32
    %c0_i32_1 = arith.constant 0 : i32
    return %c0_i32, %c0_i32_0 : i32, i32
  }
  func.func @transform_2(%arg0: i32) -> (i32, i32) {
    %c0_i32 = arith.constant 0 : i32
    %c0_i32_0 = arith.constant 0 : i32
    %c0_i32_1 = arith.constant 0 : i32
    return %c0_i32, %c0_i32_0 : i32, i32
  }
  func.func @transform_3(%arg0: i32) -> (i32, i32) {
    %c0_i32 = arith.constant 0 : i32
    %c0_i32_0 = arith.constant 0 : i32
    %c0_i32_1 = arith.constant 0 : i32
    return %c0_i32, %c0_i32_0 : i32, i32
  }
  func.func @transform_4(%arg0: i32) -> (i32, i32) {
    %c0_i32 = arith.constant 0 : i32
    %c0_i32_0 = arith.constant 0 : i32
    return %arg0, %c0_i32 : i32, i32
  }
  func.func @transform_5(%arg0: i32) -> (i32, i32) {
    %c0_i32 = arith.constant 0 : i32
    %c0_i32_0 = arith.constant 0 : i32
    return %arg0, %c0_i32 : i32, i32
  }
}

module attributes {stable_mosaic.version = 14 : i64} {
  func.func @body(%arg0: i32, %arg1: memref<1024x128xf32, #tpu.memory_space<vmem>>, %arg2: memref<1024x128xf32, #tpu.memory_space<vmem>>, %arg3: memref<1024xf32, #tpu.memory_space<vmem>>, %arg4: memref<1024xf32, #tpu.memory_space<vmem>>, %arg5: memref<1024x128xf32, #tpu.memory_space<vmem>>, %arg6: memref<128x128xf32, #tpu.memory_space<vmem>>, %arg7: memref<1x128xf32, #tpu.memory_space<vmem>>, %arg8: memref<128x128xf32, #tpu.memory_space<vmem>>, %arg9: memref<1024x128xf32, #tpu.memory_space<vmem>>, %arg10: memref<1024x128xf32, #tpu.memory_space<vmem>>) attributes {dimension_semantics = [#tpu.dimension_semantics<arbitrary>], iteration_bounds = array<i64: 10>, scalar_prefetch = 0 : i64, scratch_operands = 0 : i64, tpu.core_type = #tpu.core_type<tc>, window_params = [{transform_indices = @transform_0, window_bounds = array<i64: 1024, 128>}, {transform_indices = @transform_1, window_bounds = array<i64: 1024, 128>}, {transform_indices = @transform_2, window_bounds = array<i64: 1024>}, {transform_indices = @transform_3, window_bounds = array<i64: 1024>}, {transform_indices = @transform_4, window_bounds = array<i64: 1024, 128>}, {pipeline_mode = #tpu.pipeline_mode<synchronous>, transform_indices = @transform_5, window_bounds = array<i64: 128, 128>}, {pipeline_mode = #tpu.pipeline_mode<synchronous>, transform_indices = @transform_6, window_bounds = array<i64: 1, 128>}, {pipeline_mode = #tpu.pipeline_mode<synchronous>, transform_indices = @transform_7, window_bounds = array<i64: 128, 128>}, {transform_indices = @transform_8, window_bounds = array<i64: 1024, 128>}, {transform_indices = @transform_9, window_bounds = array<i64: 1024, 128>}]} {
    %get3A = arith.constant 0 : index
    %get3A_0 = vector.load %arg3[%get3A] : memref<1024xf32, #tpu.memory_space<vmem>>, vector<1024xf32>
    %get3A_1 = arith.constant 0 : index
    %get3A_2 = vector.load %arg4[%get3A_1] : memref<1024xf32, #tpu.memory_space<vmem>>, vector<1024xf32>
    %add3A = arith.addf %get3A_0, %get3A_2 : vector<1024xf32>
    %max3A = arith.constant 1.000000e+00 : f32
    %max3A_3 = vector.broadcast %max3A : f32 to vector<1024xf32>
    %max3A_4 = arith.maximumf %add3A, %max3A_3 : vector<1024xf32>
    %get3A_5 = arith.constant 0 : index
    %get3A_6 = arith.constant 0 : index
    %get3A_7 = vector.load %arg1[%get3A_5, %get3A_6] : memref<1024x128xf32, #tpu.memory_space<vmem>>, vector<1024x128xf32>
    %get3A_8 = arith.constant 0 : index
    %get3A_9 = arith.constant 0 : index
    %get3A_10 = vector.load %arg2[%get3A_8, %get3A_9] : memref<1024x128xf32, #tpu.memory_space<vmem>>, vector<1024x128xf32>
    %add3A_11 = arith.addf %get3A_7, %get3A_10 : vector<1024x128xf32>
    %broadcast_in_dim3A = vector.shape_cast %max3A_4 : vector<1024xf32> to vector<1024x1xf32>
    %div3A = vector.broadcast %broadcast_in_dim3A : vector<1024x1xf32> to vector<1024x128xf32>
    %div3A_12 = arith.divf %add3A_11, %div3A : vector<1024x128xf32>
    %get3A_13 = arith.constant 0 : index
    %get3A_14 = arith.constant 0 : index
    %get3A_15 = vector.load %arg5[%get3A_13, %get3A_14] : memref<1024x128xf32, #tpu.memory_space<vmem>>, vector<1024x128xf32>
    %get3A_16 = arith.constant 0 : index
    %get3A_17 = arith.constant 0 : index
    %get3A_18 = vector.load %arg6[%get3A_16, %get3A_17] : memref<128x128xf32, #tpu.memory_space<vmem>>, vector<128x128xf32>
    %dot_general3A = arith.constant dense<0.000000e+00> : vector<1024x128xf32>
    %dot_general3A_19 = tpu.matmul %get3A_15, %get3A_18, %dot_general3A {dimension_numbers = #tpu.dot_dimension_numbers<[1], [0], [0], [1], [0, 0, 1, 1], [], []>, transpose_lhs_hint = false} : vector<1024x128xf32>, vector<128x128xf32>, vector<1024x128xf32> -> vector<1024x128xf32>
    %add3A_20 = arith.addf %div3A_12, %dot_general3A_19 : vector<1024x128xf32>
    %get3A_21 = arith.constant 0 : index
    %get3A_22 = arith.constant 0 : index
    %get3A_23 = vector.load %arg7[%get3A_21, %get3A_22] : memref<1x128xf32, #tpu.memory_space<vmem>>, vector<1x128xf32>
    %add3A_24 = vector.broadcast %get3A_23 : vector<1x128xf32> to vector<1024x128xf32>
    %add3A_25 = arith.addf %add3A_20, %add3A_24 : vector<1024x128xf32>
    %tanh3A = math.tanh %add3A_25 : vector<1024x128xf32>
    %swap3A = arith.constant 0 : index
    %swap3A_26 = arith.constant 0 : index
    %swap3A_27 = vector.load %arg9[%swap3A, %swap3A_26] : memref<1024x128xf32, #tpu.memory_space<vmem>>, vector<1024x128xf32>
    tpu.vector_store %arg9[%swap3A, %swap3A_26], %tanh3A {strides = array<i32>} : memref<1024x128xf32, #tpu.memory_space<vmem>>, vector<1024x128xf32>,
    %get3A_28 = arith.constant 0 : index
    %get3A_29 = arith.constant 0 : index
    %get3A_30 = vector.load %arg8[%get3A_28, %get3A_29] : memref<128x128xf32, #tpu.memory_space<vmem>>, vector<128x128xf32>
    %dot_general3A_31 = arith.constant dense<0.000000e+00> : vector<1024x128xf32>
    %dot_general3A_32 = tpu.matmul %tanh3A, %get3A_30, %dot_general3A_31 {dimension_numbers = #tpu.dot_dimension_numbers<[1], [0], [0], [1], [0, 0, 1, 1], [], []>, transpose_lhs_hint = false} : vector<1024x128xf32>, vector<128x128xf32>, vector<1024x128xf32> -> vector<1024x128xf32>
    %swap3A_33 = arith.constant 0 : index
    %swap3A_34 = arith.constant 0 : index
    %swap3A_35 = vector.load %arg10[%swap3A_33, %swap3A_34] : memref<1024x128xf32, #tpu.memory_space<vmem>>, vector<1024x128xf32>
    tpu.vector_store %arg10[%swap3A_33, %swap3A_34], %dot_general3A_32 {strides = array<i32>} : memref<1024x128xf32, #tpu.memory_space<vmem>>, vector<1024x128xf32>,
    return
  }
  func.func @transform_0(%arg0: i32) -> (i32, i32) {
    %c0_i32 = arith.constant 0 : i32
    %c0_i32_0 = arith.constant 0 : i32
    return %arg0, %c0_i32 : i32, i32
  }
  func.func @transform_1(%arg0: i32) -> (i32, i32) {
    %c0_i32 = arith.constant 0 : i32
    %c0_i32_0 = arith.constant 0 : i32
    return %arg0, %c0_i32 : i32, i32
  }
  func.func @transform_2(%arg0: i32) -> i32 {
    %c0_i32 = arith.constant 0 : i32
    return %arg0 : i32
  }
  func.func @transform_3(%arg0: i32) -> i32 {
    %c0_i32 = arith.constant 0 : i32
    return %arg0 : i32
  }
  func.func @transform_4(%arg0: i32) -> (i32, i32) {
    %c0_i32 = arith.constant 0 : i32
    %c0_i32_0 = arith.constant 0 : i32
    return %arg0, %c0_i32 : i32, i32
  }
  func.func @transform_5(%arg0: i32) -> (i32, i32) {
    %c0_i32 = arith.constant 0 : i32
    %c0_i32_0 = arith.constant 0 : i32
    %c0_i32_1 = arith.constant 0 : i32
    return %c0_i32, %c0_i32_0 : i32, i32
  }
  func.func @transform_6(%arg0: i32) -> (i32, i32) {
    %c0_i32 = arith.constant 0 : i32
    %c0_i32_0 = arith.constant 0 : i32
    %c0_i32_1 = arith.constant 0 : i32
    return %c0_i32, %c0_i32_0 : i32, i32
  }
  func.func @transform_7(%arg0: i32) -> (i32, i32) {
    %c0_i32 = arith.constant 0 : i32
    %c0_i32_0 = arith.constant 0 : i32
    %c0_i32_1 = arith.constant 0 : i32
    return %c0_i32, %c0_i32_0 : i32, i32
  }
  func.func @transform_8(%arg0: i32) -> (i32, i32) {
    %c0_i32 = arith.constant 0 : i32
    %c0_i32_0 = arith.constant 0 : i32
    return %arg0, %c0_i32 : i32, i32
  }
  func.func @transform_9(%arg0: i32) -> (i32, i32) {
    %c0_i32 = arith.constant 0 : i32
    %c0_i32_0 = arith.constant 0 : i32
    return %arg0, %c0_i32 : i32, i32
  }
}

module attributes {stable_mosaic.version = 14 : i64} {
  func.func @body(%arg0: i32, %arg1: memref<1024x128xf32, #tpu.memory_space<vmem>>, %arg2: memref<1024x128xf32, #tpu.memory_space<vmem>>, %arg3: memref<1024xf32, #tpu.memory_space<vmem>>, %arg4: memref<1024xf32, #tpu.memory_space<vmem>>, %arg5: memref<1024x128xf32, #tpu.memory_space<vmem>>, %arg6: memref<128x128xf32, #tpu.memory_space<vmem>>, %arg7: memref<1x128xf32, #tpu.memory_space<vmem>>, %arg8: memref<1024x128xf32, #tpu.memory_space<vmem>>) attributes {dimension_semantics = [#tpu.dimension_semantics<arbitrary>], iteration_bounds = array<i64: 10>, scalar_prefetch = 0 : i64, scratch_operands = 0 : i64, tpu.core_type = #tpu.core_type<tc>, window_params = [{transform_indices = @transform_0, window_bounds = array<i64: 1024, 128>}, {transform_indices = @transform_1, window_bounds = array<i64: 1024, 128>}, {transform_indices = @transform_2, window_bounds = array<i64: 1024>}, {transform_indices = @transform_3, window_bounds = array<i64: 1024>}, {transform_indices = @transform_4, window_bounds = array<i64: 1024, 128>}, {pipeline_mode = #tpu.pipeline_mode<synchronous>, transform_indices = @transform_5, window_bounds = array<i64: 128, 128>}, {pipeline_mode = #tpu.pipeline_mode<synchronous>, transform_indices = @transform_6, window_bounds = array<i64: 1, 128>}, {transform_indices = @transform_7, window_bounds = array<i64: 1024, 128>}]} {
    %get3A = arith.constant 0 : index
    %get3A_0 = vector.load %arg3[%get3A] : memref<1024xf32, #tpu.memory_space<vmem>>, vector<1024xf32>
    %get3A_1 = arith.constant 0 : index
    %get3A_2 = vector.load %arg4[%get3A_1] : memref<1024xf32, #tpu.memory_space<vmem>>, vector<1024xf32>
    %add3A = arith.addf %get3A_0, %get3A_2 : vector<1024xf32>
    %max3A = arith.constant 1.000000e+00 : f32
    %max3A_3 = vector.broadcast %max3A : f32 to vector<1024xf32>
    %max3A_4 = arith.maximumf %add3A, %max3A_3 : vector<1024xf32>
    %get3A_5 = arith.constant 0 : index
    %get3A_6 = arith.constant 0 : index
    %get3A_7 = vector.load %arg1[%get3A_5, %get3A_6] : memref<1024x128xf32, #tpu.memory_space<vmem>>, vector<1024x128xf32>
    %get3A_8 = arith.constant 0 : index
    %get3A_9 = arith.constant 0 : index
    %get3A_10 = vector.load %arg2[%get3A_8, %get3A_9] : memref<1024x128xf32, #tpu.memory_space<vmem>>, vector<1024x128xf32>
    %add3A_11 = arith.addf %get3A_7, %get3A_10 : vector<1024x128xf32>
    %broadcast_in_dim3A = vector.shape_cast %max3A_4 : vector<1024xf32> to vector<1024x1xf32>
    %div3A = vector.broadcast %broadcast_in_dim3A : vector<1024x1xf32> to vector<1024x128xf32>
    %div3A_12 = arith.divf %add3A_11, %div3A : vector<1024x128xf32>
    %get3A_13 = arith.constant 0 : index
    %get3A_14 = arith.constant 0 : index
    %get3A_15 = vector.load %arg5[%get3A_13, %get3A_14] : memref<1024x128xf32, #tpu.memory_space<vmem>>, vector<1024x128xf32>
    %get3A_16 = arith.constant 0 : index
    %get3A_17 = arith.constant 0 : index
    %get3A_18 = vector.load %arg6[%get3A_16, %get3A_17] : memref<128x128xf32, #tpu.memory_space<vmem>>, vector<128x128xf32>
    %dot_general3A = arith.constant dense<0.000000e+00> : vector<1024x128xf32>
    %dot_general3A_19 = tpu.matmul %get3A_15, %get3A_18, %dot_general3A {dimension_numbers = #tpu.dot_dimension_numbers<[1], [0], [0], [1], [0, 0, 1, 1], [], []>, transpose_lhs_hint = false} : vector<1024x128xf32>, vector<128x128xf32>, vector<1024x128xf32> -> vector<1024x128xf32>
    %add3A_20 = arith.addf %div3A_12, %dot_general3A_19 : vector<1024x128xf32>
    %get3A_21 = arith.constant 0 : index
    %get3A_22 = arith.constant 0 : index
    %get3A_23 = vector.load %arg7[%get3A_21, %get3A_22] : memref<1x128xf32, #tpu.memory_space<vmem>>, vector<1x128xf32>
    %add3A_24 = vector.broadcast %get3A_23 : vector<1x128xf32> to vector<1024x128xf32>
    %add3A_25 = arith.addf %add3A_20, %add3A_24 : vector<1024x128xf32>
    %tanh3A = math.tanh %add3A_25 : vector<1024x128xf32>
    %swap3A = arith.constant 0 : index
    %swap3A_26 = arith.constant 0 : index
    %swap3A_27 = vector.load %arg8[%swap3A, %swap3A_26] : memref<1024x128xf32, #tpu.memory_space<vmem>>, vector<1024x128xf32>
    tpu.vector_store %arg8[%swap3A, %swap3A_26], %tanh3A {strides = array<i32>} : memref<1024x128xf32, #tpu.memory_space<vmem>>, vector<1024x128xf32>,
    return
  }
  func.func @transform_0(%arg0: i32) -> (i32, i32) {
    %c0_i32 = arith.constant 0 : i32
    %c0_i32_0 = arith.constant 0 : i32
    return %arg0, %c0_i32 : i32, i32
  }
  func.func @transform_1(%arg0: i32) -> (i32, i32) {
    %c0_i32 = arith.constant 0 : i32
    %c0_i32_0 = arith.constant 0 : i32
    return %arg0, %c0_i32 : i32, i32
  }
  func.func @transform_2(%arg0: i32) -> i32 {
    %c0_i32 = arith.constant 0 : i32
    return %arg0 : i32
  }
  func.func @transform_3(%arg0: i32) -> i32 {
    %c0_i32 = arith.constant 0 : i32
    return %arg0 : i32
  }
  func.func @transform_4(%arg0: i32) -> (i32, i32) {
    %c0_i32 = arith.constant 0 : i32
    %c0_i32_0 = arith.constant 0 : i32
    return %arg0, %c0_i32 : i32, i32
  }
  func.func @transform_5(%arg0: i32) -> (i32, i32) {
    %c0_i32 = arith.constant 0 : i32
    %c0_i32_0 = arith.constant 0 : i32
    %c0_i32_1 = arith.constant 0 : i32
    return %c0_i32, %c0_i32_0 : i32, i32
  }
  func.func @transform_6(%arg0: i32) -> (i32, i32) {
    %c0_i32 = arith.constant 0 : i32
    %c0_i32_0 = arith.constant 0 : i32
    %c0_i32_1 = arith.constant 0 : i32
    return %c0_i32, %c0_i32_0 : i32, i32
  }
  func.func @transform_7(%arg0: i32) -> (i32, i32) {
    %c0_i32 = arith.constant 0 : i32
    %c0_i32_0 = arith.constant 0 : i32
    return %arg0, %c0_i32 : i32, i32
  }
}

module attributes {stable_mosaic.version = 14 : i64} {
  func.func @body(%arg0: i32, %arg1: memref<1024x128xf32, #tpu.memory_space<vmem>>, %arg2: memref<1x128x128xf32, #tpu.memory_space<vmem>>, %arg3: memref<1024x128xf32, #tpu.memory_space<vmem>>) attributes {dimension_semantics = [#tpu.dimension_semantics<arbitrary>], iteration_bounds = array<i64: 16>, scalar_prefetch = 0 : i64, scratch_operands = 0 : i64, tpu.core_type = #tpu.core_type<tc>, window_params = [{transform_indices = @transform_0, window_bounds = array<i64: 1024, 128>}, {transform_indices = @transform_1, window_bounds = array<i64: 1, 128, 128>}, {transform_indices = @transform_2, window_bounds = array<i64: 1024, 128>}]} {
    %get3A = arith.constant 0 : index
    %get3A_0 = arith.constant 0 : index
    %get3A_1 = vector.load %arg1[%get3A, %get3A_0] : memref<1024x128xf32, #tpu.memory_space<vmem>>, vector<1024x128xf32>
    %get3A_2 = arith.constant 0 : index
    %get3A_3 = arith.constant 0 : index
    %get3A_4 = arith.constant 0 : index
    %get3A_5 = vector.load %arg2[%get3A_2, %get3A_3, %get3A_4] : memref<1x128x128xf32, #tpu.memory_space<vmem>>, vector<1x128x128xf32>
    %get3A_6 = vector.shape_cast %get3A_5 : vector<1x128x128xf32> to vector<128x128xf32>
    %dot_general3A = arith.constant dense<0.000000e+00> : vector<1024x128xf32>
    %dot_general3A_7 = tpu.matmul %get3A_1, %get3A_6, %dot_general3A {dimension_numbers = #tpu.dot_dimension_numbers<[1], [0], [0], [1], [0, 0, 1, 1], [], []>, transpose_lhs_hint = false} : vector<1024x128xf32>, vector<128x128xf32>, vector<1024x128xf32> -> vector<1024x128xf32>
    %swap3A = arith.constant 0 : index
    %swap3A_8 = arith.constant 0 : index
    %swap3A_9 = vector.load %arg3[%swap3A, %swap3A_8] : memref<1024x128xf32, #tpu.memory_space<vmem>>, vector<1024x128xf32>
    tpu.vector_store %arg3[%swap3A, %swap3A_8], %dot_general3A_7 {strides = array<i32>} : memref<1024x128xf32, #tpu.memory_space<vmem>>, vector<1024x128xf32>,
    return
  }
  func.func @transform_0(%arg0: i32) -> (i32, i32) {
    %c0_i32 = arith.constant 0 : i32
    %c0_i32_0 = arith.constant 0 : i32
    return %arg0, %c0_i32 : i32, i32
  }
  func.func @transform_1(%arg0: i32) -> (i32, i32, i32) {
    %jit3A = arith.constant 8 : i32
    %div3A = arith.divsi %arg0, %jit3A : i32
    %sign3A = arith.constant 0 : i32
    %sign3A_0 = arith.cmpi sgt, %arg0, %sign3A : i32
    %sign3A_1 = arith.extui %sign3A_0 : i1 to i32
    %sign3A_2 = arith.constant 0 : i32
    %sign3A_3 = arith.cmpi slt, %arg0, %sign3A_2 : i32
    %sign3A_4 = arith.extui %sign3A_3 : i1 to i32
    %sign3A_5 = arith.subi %sign3A_1, %sign3A_4 : i32
    %sign3A_6 = arith.constant 0 : i32
    %sign3A_7 = arith.cmpi sgt, %jit3A, %sign3A_6 : i32
    %sign3A_8 = arith.extui %sign3A_7 : i1 to i32
    %sign3A_9 = arith.constant 0 : i32
    %sign3A_10 = arith.cmpi slt, %jit3A, %sign3A_9 : i32
    %sign3A_11 = arith.extui %sign3A_10 : i1 to i32
    %sign3A_12 = arith.subi %sign3A_8, %sign3A_11 : i32
    %ne3A = arith.cmpi ne, %sign3A_5, %sign3A_12 : i32
    %rem3A = arith.remsi %arg0, %jit3A : i32
    %ne3A_13 = arith.constant 0 : i32
    %ne3A_14 = arith.cmpi ne, %rem3A, %ne3A_13 : i32
    %and3A = arith.andi %ne3A, %ne3A_14 : i1
    %sub3A = arith.constant 1 : i32
    %sub3A_15 = arith.subi %div3A, %sub3A : i32
    %select_n3A = arith.select %and3A, %sub3A_15, %div3A : i32
    %c0_i32 = arith.constant 0 : i32
    %c0_i32_16 = arith.constant 0 : i32
    %c0_i32_17 = arith.constant 0 : i32
    return %select_n3A, %c0_i32, %c0_i32_16 : i32, i32, i32
  }
  func.func @transform_2(%arg0: i32) -> (i32, i32) {
    %c0_i32 = arith.constant 0 : i32
    %c0_i32_0 = arith.constant 0 : i32
    return %arg0, %c0_i32 : i32, i32
  }
}

module attributes {stable_mosaic.version = 14 : i64} {
  func.func @body(%arg0: i32, %arg1: memref<1024x128xf32, #tpu.memory_space<vmem>>, %arg2: memref<1024xf32, #tpu.memory_space<vmem>>, %arg3: memref<1024x128xf32, #tpu.memory_space<vmem>>, %arg4: memref<1x128x128xf32, #tpu.memory_space<vmem>>, %arg5: memref<1x1x128xf32, #tpu.memory_space<vmem>>, %arg6: memref<1x128x128xf32, #tpu.memory_space<vmem>>, %arg7: memref<1024x128xf32, #tpu.memory_space<vmem>>, %arg8: memref<1024x128xf32, #tpu.memory_space<vmem>>) attributes {dimension_semantics = [#tpu.dimension_semantics<arbitrary>], iteration_bounds = array<i64: 16>, scalar_prefetch = 0 : i64, scratch_operands = 0 : i64, tpu.core_type = #tpu.core_type<tc>, window_params = [{transform_indices = @transform_0, window_bounds = array<i64: 1024, 128>}, {transform_indices = @transform_1, window_bounds = array<i64: 1024>}, {transform_indices = @transform_2, window_bounds = array<i64: 1024, 128>}, {transform_indices = @transform_3, window_bounds = array<i64: 1, 128, 128>}, {transform_indices = @transform_4, window_bounds = array<i64: 1, 1, 128>}, {transform_indices = @transform_5, window_bounds = array<i64: 1, 128, 128>}, {transform_indices = @transform_6, window_bounds = array<i64: 1024, 128>}, {transform_indices = @transform_7, window_bounds = array<i64: 1024, 128>}]} {
    %get3A = arith.constant 0 : index
    %get3A_0 = vector.load %arg2[%get3A] : memref<1024xf32, #tpu.memory_space<vmem>>, vector<1024xf32>
    %max3A = arith.constant 1.000000e+00 : f32
    %max3A_1 = vector.broadcast %max3A : f32 to vector<1024xf32>
    %max3A_2 = arith.maximumf %get3A_0, %max3A_1 : vector<1024xf32>
    %get3A_3 = arith.constant 0 : index
    %get3A_4 = arith.constant 0 : index
    %get3A_5 = vector.load %arg1[%get3A_3, %get3A_4] : memref<1024x128xf32, #tpu.memory_space<vmem>>, vector<1024x128xf32>
    %broadcast_in_dim3A = vector.shape_cast %max3A_2 : vector<1024xf32> to vector<1024x1xf32>
    %div3A = vector.broadcast %broadcast_in_dim3A : vector<1024x1xf32> to vector<1024x128xf32>
    %div3A_6 = arith.divf %get3A_5, %div3A : vector<1024x128xf32>
    %get3A_7 = arith.constant 0 : index
    %get3A_8 = arith.constant 0 : index
    %get3A_9 = vector.load %arg3[%get3A_7, %get3A_8] : memref<1024x128xf32, #tpu.memory_space<vmem>>, vector<1024x128xf32>
    %get3A_10 = arith.constant 0 : index
    %get3A_11 = arith.constant 0 : index
    %get3A_12 = arith.constant 0 : index
    %get3A_13 = vector.load %arg4[%get3A_10, %get3A_11, %get3A_12] : memref<1x128x128xf32, #tpu.memory_space<vmem>>, vector<1x128x128xf32>
    %get3A_14 = vector.shape_cast %get3A_13 : vector<1x128x128xf32> to vector<128x128xf32>
    %dot_general3A = arith.constant dense<0.000000e+00> : vector<1024x128xf32>
    %dot_general3A_15 = tpu.matmul %get3A_9, %get3A_14, %dot_general3A {dimension_numbers = #tpu.dot_dimension_numbers<[1], [0], [0], [1], [0, 0, 1, 1], [], []>, transpose_lhs_hint = false} : vector<1024x128xf32>, vector<128x128xf32>, vector<1024x128xf32> -> vector<1024x128xf32>
    %add3A = arith.addf %div3A_6, %dot_general3A_15 : vector<1024x128xf32>
    %get3A_16 = arith.constant 0 : index
    %get3A_17 = arith.constant 0 : index
    %get3A_18 = arith.constant 0 : index
    %get3A_19 = vector.load %arg5[%get3A_16, %get3A_17, %get3A_18] : memref<1x1x128xf32, #tpu.memory_space<vmem>>, vector<1x1x128xf32>
    %get3A_20 = vector.shape_cast %get3A_19 : vector<1x1x128xf32> to vector<1x128xf32>
    %add3A_21 = vector.broadcast %get3A_20 : vector<1x128xf32> to vector<1024x128xf32>
    %add3A_22 = arith.addf %add3A, %add3A_21 : vector<1024x128xf32>
    %max3A_23 = arith.constant 0.000000e+00 : f32
    %max3A_24 = vector.broadcast %max3A_23 : f32 to vector<1024x128xf32>
    %max3A_25 = arith.maximumf %add3A_22, %max3A_24 : vector<1024x128xf32>
    %swap3A = arith.constant 0 : index
    %swap3A_26 = arith.constant 0 : index
    %swap3A_27 = vector.load %arg7[%swap3A, %swap3A_26] : memref<1024x128xf32, #tpu.memory_space<vmem>>, vector<1024x128xf32>
    tpu.vector_store %arg7[%swap3A, %swap3A_26], %max3A_25 {strides = array<i32>} : memref<1024x128xf32, #tpu.memory_space<vmem>>, vector<1024x128xf32>,
    %get3A_28 = arith.constant 0 : index
    %get3A_29 = arith.constant 0 : index
    %get3A_30 = arith.constant 0 : index
    %get3A_31 = vector.load %arg6[%get3A_28, %get3A_29, %get3A_30] : memref<1x128x128xf32, #tpu.memory_space<vmem>>, vector<1x128x128xf32>
    %get3A_32 = vector.shape_cast %get3A_31 : vector<1x128x128xf32> to vector<128x128xf32>
    %dot_general3A_33 = arith.constant dense<0.000000e+00> : vector<1024x128xf32>
    %dot_general3A_34 = tpu.matmul %max3A_25, %get3A_32, %dot_general3A_33 {dimension_numbers = #tpu.dot_dimension_numbers<[1], [0], [0], [1], [0, 0, 1, 1], [], []>, transpose_lhs_hint = false} : vector<1024x128xf32>, vector<128x128xf32>, vector<1024x128xf32> -> vector<1024x128xf32>
    %swap3A_35 = arith.constant 0 : index
    %swap3A_36 = arith.constant 0 : index
    %swap3A_37 = vector.load %arg8[%swap3A_35, %swap3A_36] : memref<1024x128xf32, #tpu.memory_space<vmem>>, vector<1024x128xf32>
    tpu.vector_store %arg8[%swap3A_35, %swap3A_36], %dot_general3A_34 {strides = array<i32>} : memref<1024x128xf32, #tpu.memory_space<vmem>>, vector<1024x128xf32>,
    return
  }
  func.func @transform_0(%arg0: i32) -> (i32, i32) {
    %c0_i32 = arith.constant 0 : i32
    %c0_i32_0 = arith.constant 0 : i32
    return %arg0, %c0_i32 : i32, i32
  }
  func.func @transform_1(%arg0: i32) -> i32 {
    %c0_i32 = arith.constant 0 : i32
    return %arg0 : i32
  }
  func.func @transform_2(%arg0: i32) -> (i32, i32) {
    %c0_i32 = arith.constant 0 : i32
    %c0_i32_0 = arith.constant 0 : i32
    return %arg0, %c0_i32 : i32, i32
  }
  func.func @transform_3(%arg0: i32) -> (i32, i32, i32) {
    %jit3A = arith.constant 8 : i32
    %div3A = arith.divsi %arg0, %jit3A : i32
    %sign3A = arith.constant 0 : i32
    %sign3A_0 = arith.cmpi sgt, %arg0, %sign3A : i32
    %sign3A_1 = arith.extui %sign3A_0 : i1 to i32
    %sign3A_2 = arith.constant 0 : i32
    %sign3A_3 = arith.cmpi slt, %arg0, %sign3A_2 : i32
    %sign3A_4 = arith.extui %sign3A_3 : i1 to i32
    %sign3A_5 = arith.subi %sign3A_1, %sign3A_4 : i32
    %sign3A_6 = arith.constant 0 : i32
    %sign3A_7 = arith.cmpi sgt, %jit3A, %sign3A_6 : i32
    %sign3A_8 = arith.extui %sign3A_7 : i1 to i32
    %sign3A_9 = arith.constant 0 : i32
    %sign3A_10 = arith.cmpi slt, %jit3A, %sign3A_9 : i32
    %sign3A_11 = arith.extui %sign3A_10 : i1 to i32
    %sign3A_12 = arith.subi %sign3A_8, %sign3A_11 : i32
    %ne3A = arith.cmpi ne, %sign3A_5, %sign3A_12 : i32
    %rem3A = arith.remsi %arg0, %jit3A : i32
    %ne3A_13 = arith.constant 0 : i32
    %ne3A_14 = arith.cmpi ne, %rem3A, %ne3A_13 : i32
    %and3A = arith.andi %ne3A, %ne3A_14 : i1
    %sub3A = arith.constant 1 : i32
    %sub3A_15 = arith.subi %div3A, %sub3A : i32
    %select_n3A = arith.select %and3A, %sub3A_15, %div3A : i32
    %c0_i32 = arith.constant 0 : i32
    %c0_i32_16 = arith.constant 0 : i32
    %c0_i32_17 = arith.constant 0 : i32
    return %select_n3A, %c0_i32, %c0_i32_16 : i32, i32, i32
  }
  func.func @transform_4(%arg0: i32) -> (i32, i32, i32) {
    %jit3A = arith.constant 8 : i32
    %div3A = arith.divsi %arg0, %jit3A : i32
    %sign3A = arith.constant 0 : i32
    %sign3A_0 = arith.cmpi sgt, %arg0, %sign3A : i32
    %sign3A_1 = arith.extui %sign3A_0 : i1 to i32
    %sign3A_2 = arith.constant 0 : i32
    %sign3A_3 = arith.cmpi slt, %arg0, %sign3A_2 : i32
    %sign3A_4 = arith.extui %sign3A_3 : i1 to i32
    %sign3A_5 = arith.subi %sign3A_1, %sign3A_4 : i32
    %sign3A_6 = arith.constant 0 : i32
    %sign3A_7 = arith.cmpi sgt, %jit3A, %sign3A_6 : i32
    %sign3A_8 = arith.extui %sign3A_7 : i1 to i32
    %sign3A_9 = arith.constant 0 : i32
    %sign3A_10 = arith.cmpi slt, %jit3A, %sign3A_9 : i32
    %sign3A_11 = arith.extui %sign3A_10 : i1 to i32
    %sign3A_12 = arith.subi %sign3A_8, %sign3A_11 : i32
    %ne3A = arith.cmpi ne, %sign3A_5, %sign3A_12 : i32
    %rem3A = arith.remsi %arg0, %jit3A : i32
    %ne3A_13 = arith.constant 0 : i32
    %ne3A_14 = arith.cmpi ne, %rem3A, %ne3A_13 : i32
    %and3A = arith.andi %ne3A, %ne3A_14 : i1
    %sub3A = arith.constant 1 : i32
    %sub3A_15 = arith.subi %div3A, %sub3A : i32
    %select_n3A = arith.select %and3A, %sub3A_15, %div3A : i32
    %c0_i32 = arith.constant 0 : i32
    %c0_i32_16 = arith.constant 0 : i32
    %c0_i32_17 = arith.constant 0 : i32
    return %select_n3A, %c0_i32, %c0_i32_16 : i32, i32, i32
  }
  func.func @transform_5(%arg0: i32) -> (i32, i32, i32) {
    %jit3A = arith.constant 8 : i32
    %div3A = arith.divsi %arg0, %jit3A : i32
    %sign3A = arith.constant 0 : i32
    %sign3A_0 = arith.cmpi sgt, %arg0, %sign3A : i32
    %sign3A_1 = arith.extui %sign3A_0 : i1 to i32
    %sign3A_2 = arith.constant 0 : i32
    %sign3A_3 = arith.cmpi slt, %arg0, %sign3A_2 : i32
    %sign3A_4 = arith.extui %sign3A_3 : i1 to i32
    %sign3A_5 = arith.subi %sign3A_1, %sign3A_4 : i32
    %sign3A_6 = arith.constant 0 : i32
    %sign3A_7 = arith.cmpi sgt, %jit3A, %sign3A_6 : i32
    %sign3A_8 = arith.extui %sign3A_7 : i1 to i32
    %sign3A_9 = arith.constant 0 : i32
    %sign3A_10 = arith.cmpi slt, %jit3A, %sign3A_9 : i32
    %sign3A_11 = arith.extui %sign3A_10 : i1 to i32
    %sign3A_12 = arith.subi %sign3A_8, %sign3A_11 : i32
    %ne3A = arith.cmpi ne, %sign3A_5, %sign3A_12 : i32
    %rem3A = arith.remsi %arg0, %jit3A : i32
    %ne3A_13 = arith.constant 0 : i32
    %ne3A_14 = arith.cmpi ne, %rem3A, %ne3A_13 : i32
    %and3A = arith.andi %ne3A, %ne3A_14 : i1
    %sub3A = arith.constant 1 : i32
    %sub3A_15 = arith.subi %div3A, %sub3A : i32
    %select_n3A = arith.select %and3A, %sub3A_15, %div3A : i32
    %c0_i32 = arith.constant 0 : i32
    %c0_i32_16 = arith.constant 0 : i32
    %c0_i32_17 = arith.constant 0 : i32
    return %select_n3A, %c0_i32, %c0_i32_16 : i32, i32, i32
  }
  func.func @transform_6(%arg0: i32) -> (i32, i32) {
    %c0_i32 = arith.constant 0 : i32
    %c0_i32_0 = arith.constant 0 : i32
    return %arg0, %c0_i32 : i32, i32
  }
  func.func @transform_7(%arg0: i32) -> (i32, i32) {
    %c0_i32 = arith.constant 0 : i32
    %c0_i32_0 = arith.constant 0 : i32
    return %arg0, %c0_i32 : i32, i32
  }
}

module attributes {stable_mosaic.version = 14 : i64} {
  func.func @body(%arg0: i32, %arg1: memref<1024x128xf32, #tpu.memory_space<vmem>>, %arg2: memref<1024xf32, #tpu.memory_space<vmem>>, %arg3: memref<1024x128xf32, #tpu.memory_space<vmem>>, %arg4: memref<1x128x128xf32, #tpu.memory_space<vmem>>, %arg5: memref<1x1x128xf32, #tpu.memory_space<vmem>>, %arg6: memref<1024x128xf32, #tpu.memory_space<vmem>>) attributes {dimension_semantics = [#tpu.dimension_semantics<arbitrary>], iteration_bounds = array<i64: 16>, scalar_prefetch = 0 : i64, scratch_operands = 0 : i64, tpu.core_type = #tpu.core_type<tc>, window_params = [{transform_indices = @transform_0, window_bounds = array<i64: 1024, 128>}, {transform_indices = @transform_1, window_bounds = array<i64: 1024>}, {transform_indices = @transform_2, window_bounds = array<i64: 1024, 128>}, {transform_indices = @transform_3, window_bounds = array<i64: 1, 128, 128>}, {transform_indices = @transform_4, window_bounds = array<i64: 1, 1, 128>}, {transform_indices = @transform_5, window_bounds = array<i64: 1024, 128>}]} {
    %get3A = arith.constant 0 : index
    %get3A_0 = vector.load %arg2[%get3A] : memref<1024xf32, #tpu.memory_space<vmem>>, vector<1024xf32>
    %max3A = arith.constant 1.000000e+00 : f32
    %max3A_1 = vector.broadcast %max3A : f32 to vector<1024xf32>
    %max3A_2 = arith.maximumf %get3A_0, %max3A_1 : vector<1024xf32>
    %get3A_3 = arith.constant 0 : index
    %get3A_4 = arith.constant 0 : index
    %get3A_5 = vector.load %arg1[%get3A_3, %get3A_4] : memref<1024x128xf32, #tpu.memory_space<vmem>>, vector<1024x128xf32>
    %broadcast_in_dim3A = vector.shape_cast %max3A_2 : vector<1024xf32> to vector<1024x1xf32>
    %div3A = vector.broadcast %broadcast_in_dim3A : vector<1024x1xf32> to vector<1024x128xf32>
    %div3A_6 = arith.divf %get3A_5, %div3A : vector<1024x128xf32>
    %get3A_7 = arith.constant 0 : index
    %get3A_8 = arith.constant 0 : index
    %get3A_9 = vector.load %arg3[%get3A_7, %get3A_8] : memref<1024x128xf32, #tpu.memory_space<vmem>>, vector<1024x128xf32>
    %get3A_10 = arith.constant 0 : index
    %get3A_11 = arith.constant 0 : index
    %get3A_12 = arith.constant 0 : index
    %get3A_13 = vector.load %arg4[%get3A_10, %get3A_11, %get3A_12] : memref<1x128x128xf32, #tpu.memory_space<vmem>>, vector<1x128x128xf32>
    %get3A_14 = vector.shape_cast %get3A_13 : vector<1x128x128xf32> to vector<128x128xf32>
    %dot_general3A = arith.constant dense<0.000000e+00> : vector<1024x128xf32>
    %dot_general3A_15 = tpu.matmul %get3A_9, %get3A_14, %dot_general3A {dimension_numbers = #tpu.dot_dimension_numbers<[1], [0], [0], [1], [0, 0, 1, 1], [], []>, transpose_lhs_hint = false} : vector<1024x128xf32>, vector<128x128xf32>, vector<1024x128xf32> -> vector<1024x128xf32>
    %add3A = arith.addf %div3A_6, %dot_general3A_15 : vector<1024x128xf32>
    %get3A_16 = arith.constant 0 : index
    %get3A_17 = arith.constant 0 : index
    %get3A_18 = arith.constant 0 : index
    %get3A_19 = vector.load %arg5[%get3A_16, %get3A_17, %get3A_18] : memref<1x1x128xf32, #tpu.memory_space<vmem>>, vector<1x1x128xf32>
    %get3A_20 = vector.shape_cast %get3A_19 : vector<1x1x128xf32> to vector<1x128xf32>
    %add3A_21 = vector.broadcast %get3A_20 : vector<1x128xf32> to vector<1024x128xf32>
    %add3A_22 = arith.addf %add3A, %add3A_21 : vector<1024x128xf32>
    %max3A_23 = arith.constant 0.000000e+00 : f32
    %max3A_24 = vector.broadcast %max3A_23 : f32 to vector<1024x128xf32>
    %max3A_25 = arith.maximumf %add3A_22, %max3A_24 : vector<1024x128xf32>
    %swap3A = arith.constant 0 : index
    %swap3A_26 = arith.constant 0 : index
    %swap3A_27 = vector.load %arg6[%swap3A, %swap3A_26] : memref<1024x128xf32, #tpu.memory_space<vmem>>, vector<1024x128xf32>
    tpu.vector_store %arg6[%swap3A, %swap3A_26], %max3A_25 {strides = array<i32>} : memref<1024x128xf32, #tpu.memory_space<vmem>>, vector<1024x128xf32>,
    return
  }
  func.func @transform_0(%arg0: i32) -> (i32, i32) {
    %c0_i32 = arith.constant 0 : i32
    %c0_i32_0 = arith.constant 0 : i32
    return %arg0, %c0_i32 : i32, i32
  }
  func.func @transform_1(%arg0: i32) -> i32 {
    %c0_i32 = arith.constant 0 : i32
    return %arg0 : i32
  }
  func.func @transform_2(%arg0: i32) -> (i32, i32) {
    %c0_i32 = arith.constant 0 : i32
    %c0_i32_0 = arith.constant 0 : i32
    return %arg0, %c0_i32 : i32, i32
  }
  func.func @transform_3(%arg0: i32) -> (i32, i32, i32) {
    %jit3A = arith.constant 8 : i32
    %div3A = arith.divsi %arg0, %jit3A : i32
    %sign3A = arith.constant 0 : i32
    %sign3A_0 = arith.cmpi sgt, %arg0, %sign3A : i32
    %sign3A_1 = arith.extui %sign3A_0 : i1 to i32
    %sign3A_2 = arith.constant 0 : i32
    %sign3A_3 = arith.cmpi slt, %arg0, %sign3A_2 : i32
    %sign3A_4 = arith.extui %sign3A_3 : i1 to i32
    %sign3A_5 = arith.subi %sign3A_1, %sign3A_4 : i32
    %sign3A_6 = arith.constant 0 : i32
    %sign3A_7 = arith.cmpi sgt, %jit3A, %sign3A_6 : i32
    %sign3A_8 = arith.extui %sign3A_7 : i1 to i32
    %sign3A_9 = arith.constant 0 : i32
    %sign3A_10 = arith.cmpi slt, %jit3A, %sign3A_9 : i32
    %sign3A_11 = arith.extui %sign3A_10 : i1 to i32
    %sign3A_12 = arith.subi %sign3A_8, %sign3A_11 : i32
    %ne3A = arith.cmpi ne, %sign3A_5, %sign3A_12 : i32
    %rem3A = arith.remsi %arg0, %jit3A : i32
    %ne3A_13 = arith.constant 0 : i32
    %ne3A_14 = arith.cmpi ne, %rem3A, %ne3A_13 : i32
    %and3A = arith.andi %ne3A, %ne3A_14 : i1
    %sub3A = arith.constant 1 : i32
    %sub3A_15 = arith.subi %div3A, %sub3A : i32
    %select_n3A = arith.select %and3A, %sub3A_15, %div3A : i32
    %c0_i32 = arith.constant 0 : i32
    %c0_i32_16 = arith.constant 0 : i32
    %c0_i32_17 = arith.constant 0 : i32
    return %select_n3A, %c0_i32, %c0_i32_16 : i32, i32, i32
  }
  func.func @transform_4(%arg0: i32) -> (i32, i32, i32) {
    %jit3A = arith.constant 8 : i32
    %div3A = arith.divsi %arg0, %jit3A : i32
    %sign3A = arith.constant 0 : i32
    %sign3A_0 = arith.cmpi sgt, %arg0, %sign3A : i32
    %sign3A_1 = arith.extui %sign3A_0 : i1 to i32
    %sign3A_2 = arith.constant 0 : i32
    %sign3A_3 = arith.cmpi slt, %arg0, %sign3A_2 : i32
    %sign3A_4 = arith.extui %sign3A_3 : i1 to i32
    %sign3A_5 = arith.subi %sign3A_1, %sign3A_4 : i32
    %sign3A_6 = arith.constant 0 : i32
    %sign3A_7 = arith.cmpi sgt, %jit3A, %sign3A_6 : i32
    %sign3A_8 = arith.extui %sign3A_7 : i1 to i32
    %sign3A_9 = arith.constant 0 : i32
    %sign3A_10 = arith.cmpi slt, %jit3A, %sign3A_9 : i32
    %sign3A_11 = arith.extui %sign3A_10 : i1 to i32
    %sign3A_12 = arith.subi %sign3A_8, %sign3A_11 : i32
    %ne3A = arith.cmpi ne, %sign3A_5, %sign3A_12 : i32
    %rem3A = arith.remsi %arg0, %jit3A : i32
    %ne3A_13 = arith.constant 0 : i32
    %ne3A_14 = arith.cmpi ne, %rem3A, %ne3A_13 : i32
    %and3A = arith.andi %ne3A, %ne3A_14 : i1
    %sub3A = arith.constant 1 : i32
    %sub3A_15 = arith.subi %div3A, %sub3A : i32
    %select_n3A = arith.select %and3A, %sub3A_15, %div3A : i32
    %c0_i32 = arith.constant 0 : i32
    %c0_i32_16 = arith.constant 0 : i32
    %c0_i32_17 = arith.constant 0 : i32
    return %select_n3A, %c0_i32, %c0_i32_16 : i32, i32, i32
  }
  func.func @transform_5(%arg0: i32) -> (i32, i32) {
    %c0_i32 = arith.constant 0 : i32
    %c0_i32_0 = arith.constant 0 : i32
    return %arg0, %c0_i32 : i32, i32
  }
}

module attributes {stable_mosaic.version = 14 : i64} {
  func.func @body(%arg0: memref<5000x128xf32, #tpu.memory_space<vmem>>, %arg1: memref<5000x128xf32, #tpu.memory_space<vmem>>, %arg2: memref<5000x128xf32, #tpu.memory_space<vmem>>, %arg3: memref<2x768xf32, #tpu.memory_space<vmem>>, %arg4: memref<768x128xf32, #tpu.memory_space<vmem>>, %arg5: memref<1x128xf32, #tpu.memory_space<vmem>>, %arg6: memref<128x1xf32, #tpu.memory_space<vmem>>, %arg7: memref<128x128xf32, #tpu.memory_space<vmem>>, %arg8: memref<1x128xf32, #tpu.memory_space<vmem>>, %arg9: memref<128x1xf32, #tpu.memory_space<vmem>>, %arg10: memref<1x1xf32, #tpu.memory_space<vmem>>, %arg11: memref<5000x128xf32, #tpu.memory_space<vmem>>) attributes {dimension_semantics = [], scalar_prefetch = 0 : i64, scratch_operands = 0 : i64, tpu.core_type = #tpu.core_type<tc>} {
    %get3A = arith.constant 0 : index
    %get3A_0 = arith.constant 0 : index
    %get3A_1 = vector.load %arg3[%get3A, %get3A_0] : memref<2x768xf32, #tpu.memory_space<vmem>>, vector<2x768xf32>
    %get3A_2 = arith.constant 0 : index
    %get3A_3 = arith.constant 0 : index
    %get3A_4 = vector.load %arg4[%get3A_2, %get3A_3] : memref<768x128xf32, #tpu.memory_space<vmem>>, vector<768x128xf32>
    %dot_general3A = arith.constant dense<0.000000e+00> : vector<2x128xf32>
    %dot_general3A_5 = tpu.matmul %get3A_1, %get3A_4, %dot_general3A {dimension_numbers = #tpu.dot_dimension_numbers<[1], [0], [0], [1], [0, 0, 1, 1], [], []>, transpose_lhs_hint = false} : vector<2x768xf32>, vector<768x128xf32>, vector<2x128xf32> -> vector<2x128xf32>
    %get3A_6 = arith.constant 0 : index
    %get3A_7 = arith.constant 0 : index
    %get3A_8 = vector.load %arg5[%get3A_6, %get3A_7] : memref<1x128xf32, #tpu.memory_space<vmem>>, vector<1x128xf32>
    %add3A = vector.broadcast %get3A_8 : vector<1x128xf32> to vector<2x128xf32>
    %add3A_9 = arith.addf %dot_general3A_5, %add3A : vector<2x128xf32>
    %tanh3A = math.tanh %add3A_9 : vector<2x128xf32>
    %get3A_10 = arith.constant 0 : index
    %get3A_11 = arith.constant 0 : index
    %get3A_12 = vector.load %arg6[%get3A_10, %get3A_11] : memref<128x1xf32, #tpu.memory_space<vmem>>, vector<128x1xf32>
    %dot_general3A_13 = arith.constant dense<0.000000e+00> : vector<2x1xf32>
    %dot_general3A_14 = tpu.matmul %tanh3A, %get3A_12, %dot_general3A_13 {dimension_numbers = #tpu.dot_dimension_numbers<[1], [0], [0], [1], [0, 0, 1, 1], [], []>, transpose_lhs_hint = false} : vector<2x128xf32>, vector<128x1xf32>, vector<2x1xf32> -> vector<2x1xf32>
    %reduce_max3A = arith.constant dense<0xFF800000> : vector<1xf32>
    %reduce_max3A_15 = vector.multi_reduction <maximumf>, %dot_general3A_14, %reduce_max3A [0] : vector<2x1xf32> to vector<1xf32>
    %broadcast_in_dim3A = vector.shape_cast %reduce_max3A_15 : vector<1xf32> to vector<1x1xf32>
    %sub3A = vector.broadcast %broadcast_in_dim3A : vector<1x1xf32> to vector<2x1xf32>
    %sub3A_16 = arith.subf %dot_general3A_14, %sub3A : vector<2x1xf32>
    %exp3A = math.exp %sub3A_16 : vector<2x1xf32>
    %reduce_sum3A = arith.constant dense<0.000000e+00> : vector<1xf32>
    %reduce_sum3A_17 = vector.multi_reduction <add>, %exp3A, %reduce_sum3A [0] : vector<2x1xf32> to vector<1xf32>
    %broadcast_in_dim3A_18 = vector.shape_cast %reduce_sum3A_17 : vector<1xf32> to vector<1x1xf32>
    %div3A = vector.broadcast %broadcast_in_dim3A_18 : vector<1x1xf32> to vector<2x1xf32>
    %div3A_19 = arith.divf %exp3A, %div3A : vector<2x1xf32>
    %get3A_20 = arith.constant 0 : index
    %get3A_21 = arith.constant 0 : index
    %get3A_22 = vector.load %arg0[%get3A_20, %get3A_21] : memref<5000x128xf32, #tpu.memory_space<vmem>>, vector<5000x128xf32>
    %slice3A = vector.extract_strided_slice %div3A_19 {offsets = [0, 0], sizes = [1, 1], strides = [1, 1]} : vector<2x1xf32> to vector<1x1xf32>
    %mul3A = vector.broadcast %slice3A : vector<1x1xf32> to vector<5000x128xf32>
    %mul3A_23 = arith.mulf %get3A_22, %mul3A : vector<5000x128xf32>
    %get3A_24 = arith.constant 0 : index
    %get3A_25 = arith.constant 0 : index
    %get3A_26 = vector.load %arg1[%get3A_24, %get3A_25] : memref<5000x128xf32, #tpu.memory_space<vmem>>, vector<5000x128xf32>
    %slice3A_27 = vector.extract_strided_slice %div3A_19 {offsets = [1, 0], sizes = [1, 1], strides = [1, 1]} : vector<2x1xf32> to vector<1x1xf32>
    %mul3A_28 = vector.broadcast %slice3A_27 : vector<1x1xf32> to vector<5000x128xf32>
    %mul3A_29 = arith.mulf %get3A_26, %mul3A_28 : vector<5000x128xf32>
    %add3A_30 = arith.addf %mul3A_23, %mul3A_29 : vector<5000x128xf32>
    %get3A_31 = arith.constant 0 : index
    %get3A_32 = arith.constant 0 : index
    %get3A_33 = vector.load %arg7[%get3A_31, %get3A_32] : memref<128x128xf32, #tpu.memory_space<vmem>>, vector<128x128xf32>
    %dot_general3A_34 = arith.constant dense<0.000000e+00> : vector<5000x128xf32>
    %dot_general3A_35 = tpu.matmul %add3A_30, %get3A_33, %dot_general3A_34 {dimension_numbers = #tpu.dot_dimension_numbers<[1], [0], [0], [1], [0, 0, 1, 1], [], []>, transpose_lhs_hint = false} : vector<5000x128xf32>, vector<128x128xf32>, vector<5000x128xf32> -> vector<5000x128xf32>
    %get3A_36 = arith.constant 0 : index
    %get3A_37 = arith.constant 0 : index
    %get3A_38 = vector.load %arg8[%get3A_36, %get3A_37] : memref<1x128xf32, #tpu.memory_space<vmem>>, vector<1x128xf32>
    %add3A_39 = vector.broadcast %get3A_38 : vector<1x128xf32> to vector<5000x128xf32>
    %add3A_40 = arith.addf %dot_general3A_35, %add3A_39 : vector<5000x128xf32>
    %get3A_41 = arith.constant 0 : index
    %get3A_42 = arith.constant 0 : index
    %get3A_43 = vector.load %arg2[%get3A_41, %get3A_42] : memref<5000x128xf32, #tpu.memory_space<vmem>>, vector<5000x128xf32>
    %add3A_44 = arith.addf %add3A_40, %get3A_43 : vector<5000x128xf32>
    %get3A_45 = arith.constant 0 : index
    %get3A_46 = arith.constant 0 : index
    %get3A_47 = vector.load %arg9[%get3A_45, %get3A_46] : memref<128x1xf32, #tpu.memory_space<vmem>>, vector<128x1xf32>
    %dot_general3A_48 = arith.constant dense<0.000000e+00> : vector<5000x1xf32>
    %dot_general3A_49 = tpu.matmul %add3A_44, %get3A_47, %dot_general3A_48 {dimension_numbers = #tpu.dot_dimension_numbers<[1], [0], [0], [1], [0, 0, 1, 1], [], []>, transpose_lhs_hint = false} : vector<5000x128xf32>, vector<128x1xf32>, vector<5000x1xf32> -> vector<5000x1xf32>
    %get3A_50 = arith.constant 0 : index
    %get3A_51 = arith.constant 0 : index
    %get3A_52 = vector.load %arg10[%get3A_50, %get3A_51] : memref<1x1xf32, #tpu.memory_space<vmem>>, vector<1x1xf32>
    %add3A_53 = vector.broadcast %get3A_52 : vector<1x1xf32> to vector<5000x1xf32>
    %add3A_54 = arith.addf %dot_general3A_49, %add3A_53 : vector<5000x1xf32>
    %broadcast_in_dim3A_55 = vector.shape_cast %add3A_54 : vector<5000x1xf32> to vector<5000x1xf32>
    %broadcast_in_dim3A_56 = vector.broadcast %broadcast_in_dim3A_55 : vector<5000x1xf32> to vector<5000x128xf32>
    %swap3A = arith.constant 0 : index
    %swap3A_57 = arith.constant 0 : index
    %swap3A_58 = vector.load %arg11[%swap3A, %swap3A_57] : memref<5000x128xf32, #tpu.memory_space<vmem>>, vector<5000x128xf32>
    tpu.vector_store %arg11[%swap3A, %swap3A_57], %broadcast_in_dim3A_56 {strides = array<i32>} : memref<5000x128xf32, #tpu.memory_space<vmem>>, vector<5000x128xf32>,
    return
  }
}

</mosaic_0001>

<sc_bundles>
// kernel: kernel.14.cloned.1.call-start
scs
__scs_entry_jumppad:
0x0: {  	(pc) =	sbr.rel $0x88, $3  }
0x1: {  	(tag) =	ssettag $0x0;
	lr =	simm.s32 $0x1  }
0x2: {  	[smem:$0x3F8B] =	sst lr;
	_ =	strace $0xD0000000  }
0x3: {  	_ = 	snop  }
0x4: {  	_ = 	snop  }
0x5: {  	_ = 	snop  }
0x6: {  	_ = 	snop  }
0x7: {  	_ = 	snop  }
__scs_overlays_trampoline_lowered:
0x8: {  	[smem:$0x3F9A] =	sst s0  }
0x9: {  	[smem:$0x3F9B] =	sst s1  }
0xa: {  	[smem:$0x3F9C] =	sst s2  }
0xb: {  	[smem:$0x3F9D] =	sst s3  }
0xc: {  	[smem:$0x3F9E] =	sst s4  }
0xd: {  	[smem:$0x3F9F] =	sst s5  }
0xe: {  	[smem:$0x3FA0] =	sst s6  }
0xf: {  	[smem:$0x3FA1] =	sst s7  }
0x10: {  	[smem:$0x3FA2] =	sst s8  }
0x11: {  	[smem:$0x3FA3] =	sst s9;
	s0 =	simm.s32 @!p0 $0x0  }
0x12: {  	s1 =	sld [smem:$0x3F89];
	s0 =	simm.s32 @p0 $0x1  }
0x13: {  	[smem:$0x3FA4] =	sst s0;
	s0 =	simm.s32 @!p1 $0x0  }
0x14: {  	s2 =	sld [smem:$0x3F88];
	s0 =	simm.s32 @p1 $0x1  }
0x15: {  	[smem:$0x3FA5] =	sst s0;
	s0 =	simm.s32 @!p2 $0x0  }
0x16: {  	s3 =	sld [smem:$0x3FDB];
	s0 =	simm.s32 @p2 $0x1  }
0x17: {  	s4 =	simm.s32 $0x1BF5;
	[smem:$0x3FA7] =	sst s0  }
0x18: {  	s0 =	sld [smem:$0x3F8A];
	_ =	swait.ge [sflag:s4], $0x0  }
0x19: {  	s7 =	sld [smem:$0x3F8B]  }
0x1a: {  	s8 =	sadd.s32 $0xFFFFE003, lr  }
0x1b: {  	s9 =	sadd.s32 $0xFFFFFEF7, lr;
	s5 =	simm.s32 $0xFFFFFFFF;
	p2 =	slt.u32 s8, $0xFFFFF086  }
0x1c: {  	p1 =	slt.u32 s9, $0xF7A;
	s5 =	simm.s32 @!p2 $0x0  }
0x1d: {  	s5 =	simm.s32 @p1 $0x1;
	p0 =	seq.s32 s7, s2  }
0x1e: {  	s7 =	smul.u32 @!p0 $0xF7A, s2;
	p2 =	seq.s32 @!p0 s5, $0x0  }
0x1f: {  	s9 =	smul.u32 $0xF7A, s1;
	s8 =	simm.s32 @!p0 $0x1BF5;
	p2 =	por !p2, p0  }
0x20: {  	[sflag:s8] =	ssyncset.s32 @!p0 $0xFFFFF086;
	s6 =	sadd.s32 @!p0 s3, s7;
	s7 =	simm.s32 @!p0 $0x108  }
0x21: {  	s3 =	sadd.s32 s3, s9;
	s6 =	sadd.s32 @!p0 $0x88, s6;
	s7 =	simm.s32 @p2 $0x1082  }
0x22: {  	[simem:s7], [sflag:s8] =	dma.local @!p0 [hbm:s6], $0xF7A  }
0x23: {  	s9 =	sor.u32 $0xD0000000, s2;
	s6 =	simm.s32 $0x108;
	_ =	swait.ge @!p0 [sflag:s8], $0x0  }
0x24: {  	s3 =	sadd.s32 $0x88, s3;
	s6 =	simm.s32 @!p1 $0x1082;
	[sflag:s4] =	ssyncset.s32 $0xFFFFF086  }
0x25: {  	[simem:s6], [sflag:s4] =	dma.local [hbm:s3], $0xF7A  }
0x26: {  	[smem:$0x3F8B] =	sst s1;
	(tag) =	ssettag s2;
	_ =	strace s9  }
0x27: {  	s1 =	sld [smem:$0x3F9B]  }
0x28: {  	s2 =	sld [smem:$0x3F9C]  }
0x29: {  	s4 =	sld [smem:$0x3F9E]  }
0x2a: {  	p0 =	seq.s32 s5, $0x0;
	s5 =	sld [smem:$0x3F9F]  }
0x2b: {  	s6 =	sld [smem:$0x3FA0]  }
0x2c: {  	s7 =	sld [smem:$0x3FA1]  }
0x2d: {  	s3 =	simm.s32 $0x108;
	s8 =	sld [smem:$0x3FA2]  }
0x2e: {  	s3 =	simm.s32 @!p0 $0x1082;
	s9 =	sld [smem:$0x3FA3]  }
0x2f: {  	lr =	sadd.s32 s0, s3;
	s0 =	sld [smem:$0x3F9A]  }
0x30: {  	s3 =	sld [smem:$0x3F9D]  }
0x31: {  	[smem:$0x3FA6] =	sst s10  }
0x32: {  	s10 =	sld [smem:$0x3FA4];
	_ =	sdelay $0x3  }
0x33: {  	p0 =	seq.s32 s10, $0x1;
	s10 =	sld [smem:$0x3FA6];
	_ =	sdelay $0x3  }
0x34: {  	[smem:$0x3FA6] =	sst s10  }
0x35: {  	s10 =	sld [smem:$0x3FA5];
	_ =	sdelay $0x3  }
0x36: {  	p1 =	seq.s32 s10, $0x1;
	s10 =	sld [smem:$0x3FA6];
	_ =	sdelay $0x3  }
0x37: {  	[smem:$0x3FA6] =	sst s10  }
0x38: {  	s10 =	sld [smem:$0x3FA7]  }
0x39: {  	_ = 	snop;
	(pc) =	sbr.ind lr, $3  }
0x3a: {  	_ = 	snop  }
0x3b: {  	_ = 	snop  }
0x3c: {  	p2 =	seq.s32 s10, $0x1;
	s10 =	sld [smem:$0x3FA6]  }
0x3d: {  	_ =	shalt  }
0x3e: {  	_ =	shalt  }
0x3f: {  	_ =	shalt  }
0x40: {  	_ =	shalt  }
0x41: {  	_ =	shalt  }
0x42: {  	_ =	shalt  }
0x43: {  	_ =	shalt  }
0x44: {  	_ =	shalt  }
0x45: {  	_ =	shalt  }
0x46: {  	_ =	shalt  }
0x47: {  	_ =	shalt  }
0x48: {  	_ =	shalt  }
0x49: {  	_ =	shalt  }
0x4a: {  	_ =	shalt  }
0x4b: {  	_ =	shalt  }
0x4c: {  	_ =	shalt  }
0x4d: {  	_ =	shalt  }
0x4e: {  	_ =	shalt  }
0x4f: {  	_ =	shalt  }
0x50: {  	_ =	shalt  }
0x51: {  	_ =	shalt  }
0x52: {  	_ =	shalt  }
0x53: {  	_ =	shalt  }
0x54: {  	_ =	shalt  }
0x55: {  	_ =	shalt  }
0x56: {  	_ =	shalt  }
0x57: {  	_ =	shalt  }
0x58: {  	_ =	shalt  }
0x59: {  	_ =	shalt  }
0x5a: {  	_ =	shalt  }
0x5b: {  	_ =	shalt  }
0x5c: {  	_ =	shalt  }
0x5d: {  	_ =	shalt  }
0x5e: {  	_ =	shalt  }
0x5f: {  	_ =	shalt  }
0x60: {  	_ =	shalt  }
0x61: {  	_ =	shalt  }
0x62: {  	_ =	shalt  }
0x63: {  	_ =	shalt  }
0x64: {  	_ =	shalt  }
0x65: {  	_ =	shalt  }
0x66: {  	_ =	shalt  }
0x67: {  	_ =	shalt  }
0x68: {  	_ =	shalt  }
0x69: {  	_ =	shalt  }
0x6a: {  	_ =	shalt  }
0x6b: {  	_ =	shalt  }
0x6c: {  	_ =	shalt  }
0x6d: {  	_ =	shalt  }
0x6e: {  	_ =	shalt  }
0x6f: {  	_ =	shalt  }
0x70: {  	_ =	shalt  }
0x71: {  	_ =	shalt  }
0x72: {  	_ =	shalt  }
0x73: {  	_ =	shalt  }
0x74: {  	_ =	shalt  }
0x75: {  	_ =	shalt  }
0x76: {  	_ =	shalt  }
0x77: {  	_ =	shalt  }
0x78: {  	_ =	shalt  }
0x79: {  	_ =	shalt  }
0x7a: {  	_ =	shalt  }
0x7b: {  	_ =	shalt  }
0x7c: {  	_ =	shalt  }
0x7d: {  	_ =	shalt  }
0x7e: {  	_ =	shalt  }
0x7f: {  	_ =	shalt  }
0x80: {  	_ =	shalt  }
0x81: {  	_ =	shalt  }
0x82: {  	_ =	shalt  }
0x83: {  	_ =	shalt  }
0x84: {  	_ =	shalt  }
0x85: {  	_ =	shalt  }
0x86: {  	_ =	shalt  }
0x87: {  	_ =	shalt  }
.Lfunc_end0:
.L_simem_size_0:
called_computation_lowered:
.L_overlay_start_0:
0x88: {  	s2 =	sld [smem:$0x3FD9]  }
0x89: {  	s3 =	sld [smem:$0x3FFE];
	_ =	sdelay $0x1  }
0x8a: {  	s1 =	srdreg.scid  }
0x8b: {  	s0 =	sand.u32 $0x1, s1  }
0x8c: {  	s16 =	sshll.u32 s0, $0xA;
	s2 =	sadd.s32 s3, s2  }
0x8d: {  	s2 =	sadd.s32 s2, s16  }
0x8e: {  	[smem:$0x3FB2] =	sst s2  }
0x8f: {  	_ = 	snop  }
0x90: {  	(tm) =	ssettm $0x1  }
0x91: {  	s17 =	sld [smem:$0x3FFB];
	_ =	sdelay $0x3  }
0x92: {  	_ =	strace s17  }
0x93: {  	s2 =	sld [smem:$0x3FFC];
	_ =	sdelay $0x3  }
0x94: {  	_ =	strace s2  }
0x95: {  	s2 =	sld [smem:$0x3FFD];
	_ =	sdelay $0x3  }
0x96: {  	_ =	strace s2  }
0x97: {  	_ =	strace $0x8FFFFFFF  }
0x98: {  	s18 =	sld [smem:$0x3FDB];
	_ =	sdelay $0x1  }
0x99: {  	s19 =	simm.s32 $_scs_section_size  }
0x9a: {  	s4 =	simm.s32 $_size__tile_overlayer_lowered;
	s5 =	simm.s32 $_tile_overlayer_lowered  }
0x9b: {  	s22 =	simm.s32 $0x1BFF;
	s21 =	sshll.u32 s5, $0x1;
	s2 =	sadd.s32 s19, s18  }
0x9c: {  	s6 =	simm.s32 $0x0;
	s20 =	sshll.u32 s4, $0x1;
	s4 =	sadd.s32 s21, s2  }
0x9d: {  	[timem:s6], [sflag:s22] =	dma.local [hbm:s4], s20  }
0x9e: {  	_ =	swait.ge [sflag:s22], s20  }
0x9f: {  	s3 =	ssub.s32 $0x0, s20;
	[sflag:s22] =	ssyncset.done $0x0  }
0xa0: {  	[sflag:s22] =	ssyncadd.s32 s3;
	_ =	sdelay $0x1  }
0xa1: {  	s23 =	simm.s32 $0x1B8B  }
0xa2: {  	_ =	swait.ge [sflag:s23], $0x1  }
0xa3: {  	[sflag:s23] =	ssyncset.done $0x0  }
0xa4: {  	s25 =	simm.s32 $0x1B8E;
	s24 =	sld [smem:$0x3FFE];
	[sflag:s23] =	ssyncadd.s32 $0xFFFFFFFF  }
0xa5: {  	s26 =	simm.s32 $execute0_lowered;
	[smem:$0x3FD2] =	sst s25  }
0xa6: {  	s4 =	sshll.u32 s26, $0x1;
	_ =	strace $0x80000046;
	[dreg:$0x1] =	wrdreg $0xFFFFFFFF  }
0xa7: {  	s28 =	simm.s32 $_size_execute0_lowered;
	s2 =	sadd.s32 s2, s4;
	[dreg:$0x0] =	wrdreg $0x0  }
0xa8: {  	s4 =	sshll.u32 s28, $0x1;
	[dreg:$0x2] =	wrdreg s2  }
0xa9: {  	[dreg:$0x3] =	wrdreg s4  }
0xaa: {  	[dreg:$0x4] =	wrdreg $0xC0  }
0xab: {  	_ =	task [dreg:s6], $0x5FFFF  }
0xac: {  	[dreg:$0x1] =	wrdreg $0xFFFFFFFF  }
0xad: {  	[dreg:$0x0] =	wrdreg $0x60  }
0xae: {  	[dreg:$0x2] =	wrdreg s24  }
0xaf: {  	[dreg:$0x3] =	wrdreg $0x93000  }
0xb0: {  	[dreg:$0x4] =	wrdreg $0x1D3000  }
0xb1: {  	[dreg:$0x5] =	wrdreg $0x9  }
0xb2: {  	_ =	task.clear_ibuf [dreg:s6], $0x6FFFF;
	_ =	strace $0x90000046  }
0xb3: {  	s29 =	simm.s32 $0x9;
	_ =	strace $0x80000048  }
0xb4: {  	_ =	swait.ge [sflag:s29], $0x1  }
0xb5: {  	[sflag:s29] =	ssyncadd.s32 $0xFFFFFFFF  }
0xb6: {  	_ =	strace $0x90000048  }
0xb7: {  	_ =	sfence  }
0xb8: {  	s30 =	sld [smem:$0x0];
	_ =	sdelay $0x2  }
0xb9: {  	s31 =	sshll.u32 s1, $0xD;
	s1 =	sshrl.u32 s1, $0x2  }
0xba: {  	s3 =	sand.u32 $0x4000, s31;
	s1 =	sadd.s32 s1, s30  }
0xbb: {  	s0 =	sor.u32 s3, s0;
	s1 =	sshll.u32 s1, $0x11  }
0xbc: {  	s0 =	sor.u32 s1, s0  }
0xbd: {  	s0 =	sadd.s32 $0x8F2B, s0  }
0xbe: {  	[sflag:s0] =	ssyncadd.remote.s32 $0x1  }
0xbf: {  	_ =	sfence.sel $0xFFFF  }
0xc0: {  	[dreg:$0x0] =	wrdreg $0xFFFFFFFF;
	(pc) =	sbr.abs _section_cstart, $3  }
0xc1: {  	[dreg:$0x1] =	wrdreg $0xFFFFFFFF  }
0xc2: {  	_ =	task.clear_ibuf [dreg:s6], $0x2FFFF;
	_ =	strace $0x9FFFFFFF  }
0xc3: {  	(tm) =	ssettm $0x7FFFFFFF  }
tec
execute0_lowered:
.L_overlay_start_1:
0x0: {  	(tag) =	ssettag $0x1  }
0x1: {  	s0 =	srdreg.scid;
	s1 =	rddreg [dreg:$0x0]  }
0x2: {  	s6 =	stileid.u32;
	s2 =	rddreg [dreg:$0x1];
	s30 =	simm.s32 $0x80  }
0x3: {  	s31 =	simm.s32 $0x1;
	s0 =	sand.u32 $0x1, s0;
	s19 =	smul.u32 $0x280, s6  }
0x4: {  	s21 =	sadd.s32 $0x6A200, s1;
	s3 =	sshll.u32 s0, $0x4;
	s20 =	smul.u32 $0x2800, s0  }
0x5: {  	s0 =	ssub.s32 $0x2, s0;
	s4 =	sor.u32 s6, s3;
	s3 =	rddreg [dreg:$0x2]  }
0x6: {  	s6 =	smul.u32 $0x50000, s6;
	s24 =	sshrl.u32 s0, $0x1;
	s25 =	sadd.s32 $0x80, s19  }
0x7: {  	s18 =	sadd.s32 $0x100, s19;
	s22 =	sadd.s32 $0x180, s19;
	s5 =	smul.u32 $0x500, s4  }
0x8: {  	s4 =	simm.s32 $0x0;
	s10 =	sadd.s32 s19, s20;
	s0 =	ssub.s32 s0, s24  }
0x9: {  	s26 =	sadd.s32 s20, s25;
	s28 =	sadd.s32 s20, s18;
	s18 =	sshll.u32 s18, $0x7  }
0xa: {  	s29 =	sshll.u32 s22, $0x7;
	s22 =	sadd.s32 s20, s22;
	[smem:$0x7FF] =	sst s4  }
0xb: {  	s7 =	sshrl.u32 s10, $0x3;
	s6 =	sshrl.u32 s6, $0x2;
	s11 =	sshll.u32 s10, $0x4  }
0xc: {  	s12 =	smax.u32 s0, $0x1;
	s0 =	sshll.u32 s25, $0x7;
	s23 =	sadd.s32 s18, s2  }
0xd: {  	s22 =	sshll.u32 s22, $0x4;
	_ =	strace $0x80000047;
	s9 =	sadd.s32 s5, s1  }
0xe: {  	s5 =	sadd.s32 $0x1A200, s1;
	s1 =	sadd.s32 s7, s1;
	s6 =	sadd.s32 s6, s2  }
0xf: {  	s7 =	sadd.s32 s19, s3;
	s11 =	sadd.s32 s21, s11;
	s0 =	sadd.s32 s0, s2  }
0x10: {  	s19 =	sadd.s32 $0x200, s19;
	s23 =	sshrl.u32 s23, $0x3;
	s8 =	sadd.s32 $0x10200, s9  }
0x11: {  	s9 =	sadd.s32 $0x6200, s9;
	s10 =	sadd.s32 $0xBA200, s1;
	s13 =	sadd.s32 $0x4000, s6  }
0x12: {  	s14 =	sadd.s32 $0x8000, s6;
	s15 =	sadd.s32 $0xC000, s6;
	s16 =	sadd.s32 $0x10000, s6  }
0x13: {  	s1 =	sshll.u32 s26, $0x4;
	s20 =	sadd.s32 s20, s19;
	s24 =	sshll.u32 s19, $0x7  }
0x14: {  	s19 =	sadd.s32 s21, s22;
	s22 =	sshrl.u32 s0, $0x3;
	s26 =	simm.s32 $0x2  }
0x15: {  	[dreg:$0x4] =	wrdreg s8;
	s17 =	sadd.s32 s21, s1;
	s1 =	sshll.u32 s28, $0x4  }
0x16: {  	s25 =	sadd.s32 s24, s2;
	s20 =	sshll.u32 s20, $0x4;
	s18 =	sadd.s32 s21, s1  }
0x17: {  	s1 =	sadd.s32 s29, s2;
	s20 =	sadd.s32 s21, s20;
	s21 =	simm.s32 $0x5000  }
0x18: {  	v0 =	vimm.f32 $0.0e+00;
	v1 =	vimm.f32 $1.000000000e+00;
	s25 =	sshrl.u32 s25, $0x3;
	s24 =	sshrl.u32 s1, $0x3;
	s1 =	simm.s32 $0x9000  }
.LBB2_1:
0x19: {  	s0 =	simm.s32 $0x0;
	s28 =	simm.s32 $0x200  }
.LBB2_2:
0x1a: {  	p0 =	sne.s32 s28, $0xFE00;
	[tilespmem:s0+$0x5070] =	vst v0  }
0x1b: {  	[tilespmem:s0+$0x5000] =	vst v0  }
0x1c: {  	[tilespmem:s0+$0x5010] =	vst v0  }
.Ltmp0:
0x1d: {  	[tilespmem:s0+$0x5020] =	vst v0;
	(pc) =	sbr.rel @p0 .LBB2_2-.Ltmp0, $4  }
0x1e: {  	[tilespmem:s0+$0x5030] =	vst v0  }
0x1f: {  	[tilespmem:s0+$0x5040] =	vst v0  }
0x20: {  	[tilespmem:s0+$0x5050] =	vst v0  }
0x21: {  	[tilespmem:s0+$0x5060] =	vst v0;
	s0 =	sshra.s32 s28, $0x2;
	s28 =	sadd.s32 $0x200, s28  }
0x22: {  	[tilespmem:s0+$0x5070] =	vst v0  }
0x23: {  	[tilespmem:s0+$0x5000] =	vst v0  }
0x24: {  	[tilespmem:s0+$0x5010] =	vst v0  }
0x25: {  	[tilespmem:s0+$0x5020] =	vst v0  }
0x26: {  	[tilespmem:s0+$0x5030] =	vst v0  }
0x27: {  	[tilespmem:s0+$0x5040] =	vst v0  }
0x28: {  	[tilespmem:s0+$0x5050] =	vst v0  }
0x29: {  	[tilespmem:s0+$0x5060] =	vst v0  }
0x2a: {  	[tilespmem:$0x9000] =	vst v1  }
0x2b: {  	[tilespmem:$0x9010] =	vst v1  }
0x2c: {  	[tilespmem:$0x9020] =	vst v1  }
0x2d: {  	[tilespmem:$0x9030] =	vst v1  }
0x2e: {  	[tilespmem:$0x9040] =	vst v1  }
0x2f: {  	[tilespmem:$0x9050] =	vst v1  }
0x30: {  	[tilespmem:$0x9060] =	vst v1  }
0x31: {  	[tilespmem:$0x9070] =	vst v1  }
0x32: {  	[tilespmem:$0x9080] =	vst v0  }
0x33: {  	[tilespmem:$0x9090] =	vst v0  }
0x34: {  	[tilespmem:$0x90A0] =	vst v0  }
0x35: {  	[tilespmem:$0x90B0] =	vst v0  }
0x36: {  	[tilespmem:$0x90C0] =	vst v0  }
0x37: {  	[tilespmem:$0x90D0] =	vst v0  }
0x38: {  	[tilespmem:$0x90E0] =	vst v0  }
0x39: {  	[tilespmem:$0x90F0] =	vst v0  }
0x3a: {  	[tilespmem:$0x9100] =	vst v0  }
0x3b: {  	[tilespmem:$0x9110] =	vst v0  }
0x3c: {  	[tilespmem:$0x9120] =	vst v0  }
0x3d: {  	[tilespmem:$0x9130] =	vst v0  }
0x3e: {  	[tilespmem:$0x9140] =	vst v0  }
0x3f: {  	[tilespmem:$0x9150] =	vst v0  }
0x40: {  	[tilespmem:$0x9160] =	vst v0  }
0x41: {  	[tilespmem:$0x9170] =	vst v0  }
0x42: {  	[tilespmem:$0x9180] =	vst v0  }
0x43: {  	[tilespmem:$0x9190] =	vst v0  }
0x44: {  	[tilespmem:$0x91A0] =	vst v0  }
0x45: {  	[tilespmem:$0x91B0] =	vst v0  }
0x46: {  	[tilespmem:$0x91C0] =	vst v0  }
0x47: {  	[tilespmem:$0x91D0] =	vst v0  }
0x48: {  	[tilespmem:$0x91E0] =	vst v0  }
0x49: {  	[tilespmem:$0x91F0] =	vst v0  }
0x4a: {  	[tilespmem:$0x9200] =	vst v0  }
0x4b: {  	[tilespmem:$0x9210] =	vst v0  }
0x4c: {  	[tilespmem:$0x9220] =	vst v0  }
0x4d: {  	[tilespmem:$0x9230] =	vst v0  }
0x4e: {  	[tilespmem:$0x9240] =	vst v0  }
0x4f: {  	[tilespmem:$0x9250] =	vst v0  }
0x50: {  	[tilespmem:$0x9260] =	vst v0  }
0x51: {  	[tilespmem:$0x9270] =	vst v0  }
0x52: {  	[tilespmem:$0x9280] =	vst v0  }
0x53: {  	[tilespmem:$0x9290] =	vst v0  }
0x54: {  	[tilespmem:$0x92A0] =	vst v0  }
0x55: {  	[tilespmem:$0x92B0] =	vst v0  }
0x56: {  	[tilespmem:$0x92C0] =	vst v0  }
0x57: {  	[tilespmem:$0x92D0] =	vst v0  }
0x58: {  	[tilespmem:$0x92E0] =	vst v0  }
0x59: {  	[tilespmem:$0x92F0] =	vst v0  }
0x5a: {  	[spmem:s6] =	stream.linear.scatter [tilespmem:s21], [sflag:$0x2], $0x4000, $0x38;
	[tilespmem:$0x1D580] =	vst v63  }
0x5b: {  	_ =	swait.ge [sflag:s26], $0x4000  }
0x5c: {  	[sflag:s26] =	ssyncset.done $0x0  }
0x5d: {  	[sflag:s26] =	ssyncadd.s32 $0xFFFFC000  }
0x5e: {  	[spmem:s13] =	stream.linear.scatter [tilespmem:s21], [sflag:$0x2], $0x4000, $0x38;
	[tilespmem:$0x1D580] =	vst v63  }
0x5f: {  	_ =	swait.ge [sflag:s26], $0x4000  }
0x60: {  	[sflag:s26] =	ssyncset.done $0x0  }
0x61: {  	[sflag:s26] =	ssyncadd.s32 $0xFFFFC000  }
0x62: {  	[spmem:s14] =	stream.linear.scatter [tilespmem:s21], [sflag:$0x2], $0x4000, $0x38;
	[tilespmem:$0x1D580] =	vst v63  }
0x63: {  	_ =	swait.ge [sflag:s26], $0x4000  }
0x64: {  	[sflag:s26] =	ssyncset.done $0x0  }
0x65: {  	[sflag:s26] =	ssyncadd.s32 $0xFFFFC000  }
0x66: {  	[spmem:s15] =	stream.linear.scatter [tilespmem:s21], [sflag:$0x2], $0x4000, $0x38;
	[tilespmem:$0x1D580] =	vst v63  }
0x67: {  	_ =	swait.ge [sflag:s26], $0x4000  }
0x68: {  	[sflag:s26] =	ssyncset.done $0x0  }
0x69: {  	[sflag:s26] =	ssyncadd.s32 $0xFFFFC000  }
0x6a: {  	[spmem:s16] =	stream.linear.scatter [tilespmem:s21], [sflag:$0x2], $0x4000, $0x38;
	[tilespmem:$0x1D580] =	vst v63  }
0x6b: {  	_ =	swait.ge [sflag:s26], $0x4000  }
0x6c: {  	[sflag:s26] =	ssyncset.done $0x0  }
0x6d: {  	s8 =	simm.s32 $0x9080;
	[sflag:s26] =	ssyncadd.s32 $0xFFFFC000  }
0x6e: {  	[spmem:s7] =	stream.linear.scatter [tilespmem:s8], [sflag:$0x2], $0x280, $0x38;
	[tilespmem:$0x1D580] =	vst v63  }
0x6f: {  	_ =	swait.ge [sflag:s26], $0x280  }
0x70: {  	[sflag:s26] =	ssyncset.done $0x0  }
0x71: {  	[sflag:s26] =	ssyncadd.s32 $0xFFFFFD80  }
0x72: {  	[bflag:$0x0] =	sbarrier.arrive $0xFFFF  }
0x73: {  	s0 =	simm.s32 $0x0;
	s8 =	rddreg [dreg:$0x4]  }
0x74: {  	[tilespmem:s0], [sflag:$0x2] =	stream.linear.gather [hbm4b:s8+s0], $0x2780, $0x38;
	[tilespmem:$0x1D580] =	vst v63  }
0x75: {  	_ =	swait.ge [sflag:s26], $0x2780  }
0x76: {  	[sflag:s26] =	ssyncset.done $0x0  }
0x77: {  	s29 =	simm.s32 $0x2800;
	[sflag:s26] =	ssyncadd.s32 $0xFFFFD880  }
0x78: {  	[tilespmem:s29], [sflag:$0x2] =	stream.linear.gather [hbm4b:s9+s0], $0x2780, $0x38;
	[tilespmem:$0x1D580] =	vst v63  }
0x79: {  	_ =	swait.ge [sflag:s26], $0x2780  }
0x7a: {  	[sflag:s26] =	ssyncset.done $0x0  }
0x7b: {  	s8 =	simm.s32 $0x0;
	[sflag:s26] =	ssyncadd.s32 $0xFFFFD880  }
0x7c: {  	[tilespmem:s21], [sflag:$0x1] =	stream.indirect.gather [hbm4b:s5+s30], $0x80, s8, s30, $0xb8;
	[tilespmem:$0x1D580] =	vst v63  }
0x7d: {  	_ =	swait.ge [sflag:s31], $0x4000  }
0x7e: {  	[sflag:s31] =	ssyncset.done $0x0  }
0x7f: {  	s29 =	simm.s32 $0x2800;
	[sflag:s31] =	ssyncadd.s32 $0xFFFFC000  }
0x80: {  	[spmem:s2] =	stream.indirect.scatter.add.f32 [tilespmem:s21], [sflag:$0x2], $0x80, s29, s30, $0xb8;
	[tilespmem:$0x1D580] =	vst v63  }
0x81: {  	_ =	swait.ge [sflag:s26], $0x4000  }
0x82: {  	[sflag:s26] =	ssyncset.done $0x0  }
0x83: {  	[sflag:s26] =	ssyncadd.s32 $0xFFFFC000  }
0x84: {  	[spmem:s3] =	stream.indirect.scatter.add.f32 [tilespmem:s1], [sflag:$0x2], $0x1, s29, s30, $0xb8;
	[tilespmem:$0x1D580] =	vst v63  }
0x85: {  	_ =	swait.ge [sflag:s26], $0x80  }
0x86: {  	s28 =	simm.s32 $0x400;
	s0 =	simm.s32 $0x200;
	[sflag:s26] =	ssyncset.done $0x0  }
.LBB2_4:
0x87: {  	s29 =	sshra.s32 s0, $0x2  }
0x88: {  	[sflag:s26] =	ssyncadd.s32 $0xFFFFFF80;
	s0 =	smov.u32 s28;
	s8 =	sadd.s32 $0x200, s28  }
0x89: {  	[tilespmem:s21], [sflag:$0x1] =	stream.indirect.gather [hbm4b:s5+s30], $0x80, s29, s30, $0xb8;
	[tilespmem:$0x1D580] =	vst v63  }
0x8a: {  	p0 =	sne.s32 s28, $0x9C00;
	_ =	swait.ge [sflag:s31], $0x4000  }
0x8b: {  	[sflag:s31] =	ssyncset.done $0x0  }
0x8c: {  	s28 =	sadd.s32 $0x2800, s29;
	[sflag:s31] =	ssyncadd.s32 $0xFFFFC000  }
0x8d: {  	[spmem:s2] =	stream.indirect.scatter.add.f32 [tilespmem:s21], [sflag:$0x2], $0x80, s28, s30, $0xb8;
	[tilespmem:$0x1D580] =	vst v63  }
0x8e: {  	_ =	swait.ge [sflag:s26], $0x4000  }
.Ltmp1:
0x8f: {  	[sflag:s26] =	ssyncset.done $0x0;
	(pc) =	sbr.rel @p0 .LBB2_4-.Ltmp1, $4  }
0x90: {  	[sflag:s26] =	ssyncadd.s32 $0xFFFFC000  }
0x91: {  	[spmem:s3] =	stream.indirect.scatter.add.f32 [tilespmem:s1], [sflag:$0x2], $0x1, s28, s30, $0xb8;
	[tilespmem:$0x1D580] =	vst v63  }
0x92: {  	_ =	swait.ge [sflag:s26], $0x80  }
0x93: {  	s28 =	smov.u32 s8;
	[sflag:s26] =	ssyncset.done $0x0  }
0x94: {  	s0 =	sshra.s32 s0, $0x2;
	[sflag:s26] =	ssyncadd.s32 $0xFFFFFF80  }
0x95: {  	[tilespmem:s21], [sflag:$0x1] =	stream.indirect.gather [hbm4b:s5+s30], $0x80, s0, s30, $0xb8;
	[tilespmem:$0x1D580] =	vst v63  }
0x96: {  	_ =	swait.ge [sflag:s31], $0x4000  }
0x97: {  	[sflag:s31] =	ssyncset.done $0x0  }
0x98: {  	s0 =	sadd.s32 $0x2800, s0;
	[sflag:s31] =	ssyncadd.s32 $0xFFFFC000  }
0x99: {  	[spmem:s2] =	stream.indirect.scatter.add.f32 [tilespmem:s21], [sflag:$0x2], $0x80, s0, s30, $0xb8;
	[tilespmem:$0x1D580] =	vst v63  }
0x9a: {  	_ =	swait.ge [sflag:s26], $0x4000  }
0x9b: {  	[sflag:s26] =	ssyncset.done $0x0  }
0x9c: {  	[sflag:s26] =	ssyncadd.s32 $0xFFFFC000  }
0x9d: {  	[spmem:s3] =	stream.indirect.scatter.add.f32 [tilespmem:s1], [sflag:$0x2], $0x1, s0, s30, $0xb8;
	[tilespmem:$0x1D580] =	vst v63  }
0x9e: {  	_ =	swait.ge [sflag:s26], $0x80  }
0x9f: {  	s28 =	stileid.u32;
	[sflag:s26] =	ssyncset.done $0x0  }
0xa0: {  	s0 =	sshll.u32 s28, $0x6;
	[sflag:s26] =	ssyncadd.s32 $0xFFFFFF80  }
0xa1: {  	s8 =	sshrl.u32 s6, $0x3;
	s0 =	sor.u32 $0x1C02, s0;
	[bflag:$0x0] =	sbarrier.arrive $0xFFFF  }
0xa2: {  	[hbm:s11], [sflag:s0] =	dma.local [spmem:s8], $0x800  }
0xa3: {  	_ =	swait.ge [sflag:s26], $0x800  }
0xa4: {  	[sflag:s26] =	ssyncset.done $0x0  }
0xa5: {  	[sflag:s26] =	ssyncadd.s32 $0xFFFFF800  }
0xa6: {  	[hbm:s17], [sflag:s0] =	dma.local [spmem:s22], $0x800  }
0xa7: {  	_ =	swait.ge [sflag:s26], $0x800  }
0xa8: {  	[sflag:s26] =	ssyncset.done $0x0  }
0xa9: {  	[sflag:s26] =	ssyncadd.s32 $0xFFFFF800  }
0xaa: {  	[hbm:s18], [sflag:s0] =	dma.local [spmem:s23], $0x800  }
0xab: {  	_ =	swait.ge [sflag:s26], $0x800  }
0xac: {  	[sflag:s26] =	ssyncset.done $0x0  }
0xad: {  	[sflag:s26] =	ssyncadd.s32 $0xFFFFF800  }
0xae: {  	[hbm:s19], [sflag:s0] =	dma.local [spmem:s24], $0x800  }
0xaf: {  	_ =	swait.ge [sflag:s26], $0x800  }
0xb0: {  	[sflag:s26] =	ssyncset.done $0x0  }
0xb1: {  	[sflag:s26] =	ssyncadd.s32 $0xFFFFF800  }
0xb2: {  	[hbm:s20], [sflag:s0] =	dma.local [spmem:s25], $0x800  }
0xb3: {  	s4 =	sadd.s32 $0x1, s4;
	_ =	swait.ge [sflag:s26], $0x800  }
0xb4: {  	p0 =	sne.s32 s4, s12;
	[sflag:s26] =	ssyncset.done $0x0  }
.Ltmp2:
0xb5: {  	s29 =	sshrl.u32 s7, $0x3;
	[sflag:s26] =	ssyncadd.s32 $0xFFFFF800;
	(pc) =	sbr.rel @p0 .LBB2_1-.Ltmp2, $4  }
0xb6: {  	[hbm:s10], [sflag:s0] =	dma.local [spmem:s29], $0x50  }
0xb7: {  	_ =	swait.ge [sflag:s26], $0x50  }
0xb8: {  	[sflag:s26] =	ssyncset.done $0x0  }
0xb9: {  	[sflag:s26] =	ssyncadd.s32 $0xFFFFFFB0  }
0xba: {  	_ =	sfence.sel $0x180000  }
0xbb: {  	[bflag:$0x0] =	sbarrier.arrive $0xFFFF  }
0xbc: {  	_ =	strace $0x90000047  }
0xbd: {  	s0 =	stileid.u32;
	[bflag:$0x2] =	sbarrier.arrive $0xFFFF  }
0xbe: {  	p0 =	sne.s32 s0, $0x0;
	s0 =	rddreg [dreg:$0x3]  }
0xbf: {  	s0 =	sadd.s32 @!p0 $0x100000, s0  }
0xc0: {  	[sflag:s0] =	ssyncadd.tile.s32 @!p0 $0x1;
	_ =	shalt  }
.Lfunc_end2:
_tile_overlayer_lowered:
.L_overlay_start_2:
0xc1: {  	(tag) =	ssettag $0x2  }
0xc2: {  	s0 =	rddreg [dreg:$0x0];
	s2 =	stileid.u32  }
0xc3: {  	s1 =	rddreg [dreg:$0x1];
	p0 =	sne.s32 s2, $0x0  }
0xc4: {  	s3 =	rddreg [dreg:$0x2];
	[bflag:$0x3] =	sbarrier.arrive $0xFFFF;
	s2 =	simm.s32 @!p0 $0x1C02  }
0xc5: {  	[timem:s3], [sflag:s2] =	dma.local @!p0 [hbm:s0], s1  }
0xc6: {  	s0 =	simm.s32 @!p0 $0x2  }
0xc7: {  	_ =	swait.ge @!p0 [sflag:s0], s1  }
0xc8: {  	s1 =	ssub.s32 @!p0 $0x0, s1;
	[sflag:s0] =	ssyncset.done @!p0 $0x0  }
0xc9: {  	[sflag:s0] =	ssyncadd.s32 @!p0 s1  }
0xca: {  	[bflag:$0x3] =	sbarrier.arrive $0xFFFF  }
0xcb: {  	_ =	shalt  }

// kernel: kernel.17.cloned.1.call-start
scs
__scs_entry_jumppad:
0x0: {  	(pc) =	sbr.rel $0x88, $3  }
0x1: {  	(tag) =	ssettag $0x0;
	lr =	simm.s32 $0x1  }
0x2: {  	[smem:$0x3F8B] =	sst lr;
	_ =	strace $0xD0000000  }
0x3: {  	_ = 	snop  }
0x4: {  	_ = 	snop  }
0x5: {  	_ = 	snop  }
0x6: {  	_ = 	snop  }
0x7: {  	_ = 	snop  }
__scs_overlays_trampoline_lowered:
0x8: {  	[smem:$0x3F9A] =	sst s0  }
0x9: {  	[smem:$0x3F9B] =	sst s1  }
0xa: {  	[smem:$0x3F9C] =	sst s2  }
0xb: {  	[smem:$0x3F9D] =	sst s3  }
0xc: {  	[smem:$0x3F9E] =	sst s4  }
0xd: {  	[smem:$0x3F9F] =	sst s5  }
0xe: {  	[smem:$0x3FA0] =	sst s6  }
0xf: {  	[smem:$0x3FA1] =	sst s7  }
0x10: {  	[smem:$0x3FA2] =	sst s8  }
0x11: {  	[smem:$0x3FA3] =	sst s9;
	s0 =	simm.s32 @!p0 $0x0  }
0x12: {  	s1 =	sld [smem:$0x3F89];
	s0 =	simm.s32 @p0 $0x1  }
0x13: {  	[smem:$0x3FA4] =	sst s0;
	s0 =	simm.s32 @!p1 $0x0  }
0x14: {  	s2 =	sld [smem:$0x3F88];
	s0 =	simm.s32 @p1 $0x1  }
0x15: {  	[smem:$0x3FA5] =	sst s0;
	s0 =	simm.s32 @!p2 $0x0  }
0x16: {  	s3 =	sld [smem:$0x3FDB];
	s0 =	simm.s32 @p2 $0x1  }
0x17: {  	s4 =	simm.s32 $0x1BF5;
	[smem:$0x3FA7] =	sst s0  }
0x18: {  	s0 =	sld [smem:$0x3F8A];
	_ =	swait.ge [sflag:s4], $0x0  }
0x19: {  	s7 =	sld [smem:$0x3F8B]  }
0x1a: {  	s8 =	sadd.s32 $0xFFFFE003, lr  }
0x1b: {  	s9 =	sadd.s32 $0xFFFFFEF7, lr;
	s5 =	simm.s32 $0xFFFFFFFF;
	p2 =	slt.u32 s8, $0xFFFFF086  }
0x1c: {  	p1 =	slt.u32 s9, $0xF7A;
	s5 =	simm.s32 @!p2 $0x0  }
0x1d: {  	s5 =	simm.s32 @p1 $0x1;
	p0 =	seq.s32 s7, s2  }
0x1e: {  	s7 =	smul.u32 @!p0 $0xF7A, s2;
	p2 =	seq.s32 @!p0 s5, $0x0  }
0x1f: {  	s9 =	smul.u32 $0xF7A, s1;
	s8 =	simm.s32 @!p0 $0x1BF5;
	p2 =	por !p2, p0  }
0x20: {  	[sflag:s8] =	ssyncset.s32 @!p0 $0xFFFFF086;
	s6 =	sadd.s32 @!p0 s3, s7;
	s7 =	simm.s32 @!p0 $0x108  }
0x21: {  	s3 =	sadd.s32 s3, s9;
	s6 =	sadd.s32 @!p0 $0x88, s6;
	s7 =	simm.s32 @p2 $0x1082  }
0x22: {  	[simem:s7], [sflag:s8] =	dma.local @!p0 [hbm:s6], $0xF7A  }
0x23: {  	s9 =	sor.u32 $0xD0000000, s2;
	s6 =	simm.s32 $0x108;
	_ =	swait.ge @!p0 [sflag:s8], $0x0  }
0x24: {  	s3 =	sadd.s32 $0x88, s3;
	s6 =	simm.s32 @!p1 $0x1082;
	[sflag:s4] =	ssyncset.s32 $0xFFFFF086  }
0x25: {  	[simem:s6], [sflag:s4] =	dma.local [hbm:s3], $0xF7A  }
0x26: {  	[smem:$0x3F8B] =	sst s1;
	(tag) =	ssettag s2;
	_ =	strace s9  }
0x27: {  	s1 =	sld [smem:$0x3F9B]  }
0x28: {  	s2 =	sld [smem:$0x3F9C]  }
0x29: {  	s4 =	sld [smem:$0x3F9E]  }
0x2a: {  	p0 =	seq.s32 s5, $0x0;
	s5 =	sld [smem:$0x3F9F]  }
0x2b: {  	s6 =	sld [smem:$0x3FA0]  }
0x2c: {  	s7 =	sld [smem:$0x3FA1]  }
0x2d: {  	s3 =	simm.s32 $0x108;
	s8 =	sld [smem:$0x3FA2]  }
0x2e: {  	s3 =	simm.s32 @!p0 $0x1082;
	s9 =	sld [smem:$0x3FA3]  }
0x2f: {  	lr =	sadd.s32 s0, s3;
	s0 =	sld [smem:$0x3F9A]  }
0x30: {  	s3 =	sld [smem:$0x3F9D]  }
0x31: {  	[smem:$0x3FA6] =	sst s10  }
0x32: {  	s10 =	sld [smem:$0x3FA4];
	_ =	sdelay $0x3  }
0x33: {  	p0 =	seq.s32 s10, $0x1;
	s10 =	sld [smem:$0x3FA6];
	_ =	sdelay $0x3  }
0x34: {  	[smem:$0x3FA6] =	sst s10  }
0x35: {  	s10 =	sld [smem:$0x3FA5];
	_ =	sdelay $0x3  }
0x36: {  	p1 =	seq.s32 s10, $0x1;
	s10 =	sld [smem:$0x3FA6];
	_ =	sdelay $0x3  }
0x37: {  	[smem:$0x3FA6] =	sst s10  }
0x38: {  	s10 =	sld [smem:$0x3FA7]  }
0x39: {  	_ = 	snop;
	(pc) =	sbr.ind lr, $3  }
0x3a: {  	_ = 	snop  }
0x3b: {  	_ = 	snop  }
0x3c: {  	p2 =	seq.s32 s10, $0x1;
	s10 =	sld [smem:$0x3FA6]  }
0x3d: {  	_ =	shalt  }
0x3e: {  	_ =	shalt  }
0x3f: {  	_ =	shalt  }
0x40: {  	_ =	shalt  }
0x41: {  	_ =	shalt  }
0x42: {  	_ =	shalt  }
0x43: {  	_ =	shalt  }
0x44: {  	_ =	shalt  }
0x45: {  	_ =	shalt  }
0x46: {  	_ =	shalt  }
0x47: {  	_ =	shalt  }
0x48: {  	_ =	shalt  }
0x49: {  	_ =	shalt  }
0x4a: {  	_ =	shalt  }
0x4b: {  	_ =	shalt  }
0x4c: {  	_ =	shalt  }
0x4d: {  	_ =	shalt  }
0x4e: {  	_ =	shalt  }
0x4f: {  	_ =	shalt  }
0x50: {  	_ =	shalt  }
0x51: {  	_ =	shalt  }
0x52: {  	_ =	shalt  }
0x53: {  	_ =	shalt  }
0x54: {  	_ =	shalt  }
0x55: {  	_ =	shalt  }
0x56: {  	_ =	shalt  }
0x57: {  	_ =	shalt  }
0x58: {  	_ =	shalt  }
0x59: {  	_ =	shalt  }
0x5a: {  	_ =	shalt  }
0x5b: {  	_ =	shalt  }
0x5c: {  	_ =	shalt  }
0x5d: {  	_ =	shalt  }
0x5e: {  	_ =	shalt  }
0x5f: {  	_ =	shalt  }
0x60: {  	_ =	shalt  }
0x61: {  	_ =	shalt  }
0x62: {  	_ =	shalt  }
0x63: {  	_ =	shalt  }
0x64: {  	_ =	shalt  }
0x65: {  	_ =	shalt  }
0x66: {  	_ =	shalt  }
0x67: {  	_ =	shalt  }
0x68: {  	_ =	shalt  }
0x69: {  	_ =	shalt  }
0x6a: {  	_ =	shalt  }
0x6b: {  	_ =	shalt  }
0x6c: {  	_ =	shalt  }
0x6d: {  	_ =	shalt  }
0x6e: {  	_ =	shalt  }
0x6f: {  	_ =	shalt  }
0x70: {  	_ =	shalt  }
0x71: {  	_ =	shalt  }
0x72: {  	_ =	shalt  }
0x73: {  	_ =	shalt  }
0x74: {  	_ =	shalt  }
0x75: {  	_ =	shalt  }
0x76: {  	_ =	shalt  }
0x77: {  	_ =	shalt  }
0x78: {  	_ =	shalt  }
0x79: {  	_ =	shalt  }
0x7a: {  	_ =	shalt  }
0x7b: {  	_ =	shalt  }
0x7c: {  	_ =	shalt  }
0x7d: {  	_ =	shalt  }
0x7e: {  	_ =	shalt  }
0x7f: {  	_ =	shalt  }
0x80: {  	_ =	shalt  }
0x81: {  	_ =	shalt  }
0x82: {  	_ =	shalt  }
0x83: {  	_ =	shalt  }
0x84: {  	_ =	shalt  }
0x85: {  	_ =	shalt  }
0x86: {  	_ =	shalt  }
0x87: {  	_ =	shalt  }
.Lfunc_end0:
.L_simem_size_0:
called_computation.1_lowered:
.L_overlay_start_0:
0x88: {  	s2 =	sld [smem:$0x3FD9]  }
0x89: {  	s3 =	sld [smem:$0x3FFE];
	_ =	sdelay $0x1  }
0x8a: {  	s1 =	srdreg.scid  }
0x8b: {  	s0 =	sand.u32 $0x1, s1  }
0x8c: {  	s16 =	sshll.u32 s0, $0xA;
	s2 =	sadd.s32 s3, s2  }
0x8d: {  	s2 =	sadd.s32 s2, s16  }
0x8e: {  	[smem:$0x3FB2] =	sst s2  }
0x8f: {  	_ = 	snop  }
0x90: {  	(tm) =	ssettm $0x1  }
0x91: {  	s17 =	sld [smem:$0x3FFB];
	_ =	sdelay $0x3  }
0x92: {  	_ =	strace s17  }
0x93: {  	s2 =	sld [smem:$0x3FFC];
	_ =	sdelay $0x3  }
0x94: {  	_ =	strace s2  }
0x95: {  	s2 =	sld [smem:$0x3FFD];
	_ =	sdelay $0x3  }
0x96: {  	_ =	strace s2  }
0x97: {  	_ =	strace $0x8FFFFFFF  }
0x98: {  	s18 =	sld [smem:$0x3FDB];
	_ =	sdelay $0x1  }
0x99: {  	s19 =	simm.s32 $_scs_section_size  }
0x9a: {  	s4 =	simm.s32 $_size__tile_overlayer_lowered;
	s5 =	simm.s32 $_tile_overlayer_lowered  }
0x9b: {  	s22 =	simm.s32 $0x1BFF;
	s21 =	sshll.u32 s5, $0x1;
	s2 =	sadd.s32 s19, s18  }
0x9c: {  	s6 =	simm.s32 $0x0;
	s20 =	sshll.u32 s4, $0x1;
	s4 =	sadd.s32 s21, s2  }
0x9d: {  	[timem:s6], [sflag:s22] =	dma.local [hbm:s4], s20  }
0x9e: {  	_ =	swait.ge [sflag:s22], s20  }
0x9f: {  	s3 =	ssub.s32 $0x0, s20;
	[sflag:s22] =	ssyncset.done $0x0  }
0xa0: {  	[sflag:s22] =	ssyncadd.s32 s3;
	_ =	sdelay $0x1  }
0xa1: {  	s23 =	simm.s32 $0x1B8B  }
0xa2: {  	_ =	swait.ge [sflag:s23], $0x1  }
0xa3: {  	[sflag:s23] =	ssyncset.done $0x0  }
0xa4: {  	s25 =	simm.s32 $0x1B8E;
	s24 =	sld [smem:$0x3FFE];
	[sflag:s23] =	ssyncadd.s32 $0xFFFFFFFF  }
0xa5: {  	s26 =	simm.s32 $execute0_lowered;
	[smem:$0x3FD2] =	sst s25  }
0xa6: {  	s4 =	sshll.u32 s26, $0x1;
	_ =	strace $0x80000049;
	[dreg:$0x1] =	wrdreg $0xFFFFFFFF  }
0xa7: {  	s28 =	simm.s32 $_size_execute0_lowered;
	s2 =	sadd.s32 s2, s4;
	[dreg:$0x0] =	wrdreg $0x0  }
0xa8: {  	s4 =	sshll.u32 s28, $0x1;
	[dreg:$0x2] =	wrdreg s2  }
0xa9: {  	[dreg:$0x3] =	wrdreg s4  }
0xaa: {  	[dreg:$0x4] =	wrdreg $0xC0  }
0xab: {  	_ =	task [dreg:s6], $0x5FFFF  }
0xac: {  	[dreg:$0x1] =	wrdreg $0xFFFFFFFF  }
0xad: {  	[dreg:$0x0] =	wrdreg $0x60  }
0xae: {  	[dreg:$0x2] =	wrdreg s24  }
0xaf: {  	[dreg:$0x3] =	wrdreg $0x93000  }
0xb0: {  	[dreg:$0x4] =	wrdreg $0x1D3000  }
0xb1: {  	[dreg:$0x5] =	wrdreg $0x9  }
0xb2: {  	_ =	task.clear_ibuf [dreg:s6], $0x6FFFF;
	_ =	strace $0x90000049  }
0xb3: {  	s29 =	simm.s32 $0x9;
	_ =	strace $0x8000004B  }
0xb4: {  	_ =	swait.ge [sflag:s29], $0x1  }
0xb5: {  	[sflag:s29] =	ssyncadd.s32 $0xFFFFFFFF  }
0xb6: {  	_ =	strace $0x9000004B  }
0xb7: {  	_ =	sfence  }
0xb8: {  	s30 =	sld [smem:$0x0];
	_ =	sdelay $0x2  }
0xb9: {  	s31 =	sshll.u32 s1, $0xD;
	s1 =	sshrl.u32 s1, $0x2  }
0xba: {  	s3 =	sand.u32 $0x4000, s31;
	s1 =	sadd.s32 s1, s30  }
0xbb: {  	s0 =	sor.u32 s3, s0;
	s1 =	sshll.u32 s1, $0x11  }
0xbc: {  	s0 =	sor.u32 s1, s0  }
0xbd: {  	s0 =	sadd.s32 $0x8F2B, s0  }
0xbe: {  	[sflag:s0] =	ssyncadd.remote.s32 $0x1  }
0xbf: {  	_ =	sfence.sel $0xFFFF  }
0xc0: {  	[dreg:$0x0] =	wrdreg $0xFFFFFFFF;
	(pc) =	sbr.abs _section_cstart, $3  }
0xc1: {  	[dreg:$0x1] =	wrdreg $0xFFFFFFFF  }
0xc2: {  	_ =	task.clear_ibuf [dreg:s6], $0x2FFFF;
	_ =	strace $0x9FFFFFFF  }
0xc3: {  	(tm) =	ssettm $0x7FFFFFFF  }
tec
execute0_lowered:
.L_overlay_start_1:
0x0: {  	(tag) =	ssettag $0x1  }
0x1: {  	s5 =	rddreg [dreg:$0x0]  }
0x2: {  	s0 =	srdreg.scid;
	s2 =	rddreg [dreg:$0x1]  }
0x3: {  	s20 =	stileid.u32;
	s6 =	rddreg [dreg:$0x2]  }
0x4: {  	s3 =	simm.s32 $0x0;
	s28 =	simm.s32 $0x80;
	s29 =	simm.s32 $0x1  }
0x5: {  	s4 =	sand.u32 $0x1, s0;
	[smem:$0x7FF] =	sst s3;
	s8 =	smul.u32 $0x50000, s20  }
0x6: {  	s17 =	smul.u32 $0x280, s20;
	s19 =	sadd.s32 $0x42200, s5;
	s1 =	sshll.u32 s4, $0x4  }
0x7: {  	_ =	strace $0x8000004A;
	s21 =	ssub.s32 $0x2, s4;
	s18 =	smul.u32 $0x2800, s4  }
0x8: {  	s4 =	sadd.s32 $0x1A200, s5;
	s7 =	sor.u32 s20, s1;
	s22 =	sshrl.u32 s21, $0x1  }
0x9: {  	s23 =	sshrl.u32 s8, $0x2;
	s6 =	sadd.s32 s17, s6;
	s15 =	sadd.s32 $0x80, s17  }
0xa: {  	s20 =	sadd.s32 $0x100, s17;
	s26 =	sadd.s32 $0x180, s17;
	s7 =	smul.u32 $0x500, s7  }
0xb: {  	s10 =	ssub.s32 s21, s22;
	s24 =	sadd.s32 s18, s17;
	s16 =	sshll.u32 s15, $0x7  }
0xc: {  	s15 =	sadd.s32 s18, s15;
	s25 =	sadd.s32 s18, s20;
	s20 =	sshll.u32 s20, $0x7  }
0xd: {  	s21 =	sshll.u32 s26, $0x7;
	s11 =	sshll.u32 s24, $0x4;
	s10 =	smax.u32 s10, $0x1  }
0xe: {  	s22 =	sadd.s32 s16, s2;
	s15 =	sshll.u32 s15, $0x4;
	s16 =	sshll.u32 s25, $0x4  }
0xf: {  	s24 =	sadd.s32 $0x200, s17;
	s25 =	sadd.s32 s21, s2;
	s21 =	simm.s32 $0x9080  }
0x10: {  	s9 =	sadd.s32 s7, s5;
	s5 =	sadd.s32 s23, s2;
	s15 =	sadd.s32 s19, s15  }
0x11: {  	s23 =	sadd.s32 s20, s2;
	s16 =	sadd.s32 s19, s16;
	s20 =	sadd.s32 s18, s26  }
0x12: {  	s18 =	sadd.s32 s18, s24;
	s31 =	sshll.u32 s24, $0x7;
	s22 =	sshrl.u32 s22, $0x3  }
0x13: {  	s24 =	sshrl.u32 s25, $0x3;
	s7 =	sadd.s32 $0x10200, s9;
	s8 =	sadd.s32 $0x6200, s9  }
0x14: {  	s9 =	sadd.s32 s19, s11;
	s11 =	sadd.s32 $0x4000, s5;
	s12 =	sadd.s32 $0x8000, s5  }
0x15: {  	s13 =	sadd.s32 $0xC000, s5;
	s14 =	sadd.s32 $0x10000, s5;
	s30 =	sshll.u32 s20, $0x4  }
0x16: {  	s18 =	sshll.u32 s18, $0x4;
	s26 =	sadd.s32 s31, s2;
	s20 =	simm.s32 $0x2  }
0x17: {  	s23 =	sshrl.u32 s23, $0x3;
	s17 =	sadd.s32 s19, s30;
	s18 =	sadd.s32 s19, s18  }
0x18: {  	v0 =	vimm.f32 $0.0e+00;
	v1 =	vimm.f32 $1.000000000e+00;
	s19 =	simm.s32 $0x5000;
	s25 =	sshrl.u32 s26, $0x3;
	s26 =	simm.s32 $0x2800  }
.LBB2_1:
0x19: {  	s30 =	simm.s32 $0x0;
	s31 =	simm.s32 $0x200  }
.LBB2_2:
0x1a: {  	p0 =	sne.s32 s31, $0xFE00;
	[tilespmem:s30+$0x5070] =	vst v0  }
0x1b: {  	[tilespmem:s30+$0x5000] =	vst v0  }
0x1c: {  	[tilespmem:s30+$0x5010] =	vst v0  }
.Ltmp0:
0x1d: {  	[tilespmem:s30+$0x5020] =	vst v0;
	(pc) =	sbr.rel @p0 .LBB2_2-.Ltmp0, $4  }
0x1e: {  	[tilespmem:s30+$0x5030] =	vst v0  }
0x1f: {  	[tilespmem:s30+$0x5040] =	vst v0  }
0x20: {  	[tilespmem:s30+$0x5050] =	vst v0  }
0x21: {  	[tilespmem:s30+$0x5060] =	vst v0;
	s30 =	sshra.s32 s31, $0x2;
	s31 =	sadd.s32 $0x200, s31  }
0x22: {  	[tilespmem:s30+$0x5070] =	vst v0  }
0x23: {  	[tilespmem:s30+$0x5000] =	vst v0  }
0x24: {  	[tilespmem:s30+$0x5010] =	vst v0  }
0x25: {  	[tilespmem:s30+$0x5020] =	vst v0  }
0x26: {  	[tilespmem:s30+$0x5030] =	vst v0  }
0x27: {  	[tilespmem:s30+$0x5040] =	vst v0  }
0x28: {  	[tilespmem:s30+$0x5050] =	vst v0  }
0x29: {  	[tilespmem:s30+$0x5060] =	vst v0  }
0x2a: {  	[tilespmem:$0x9000] =	vst v1  }
0x2b: {  	[tilespmem:$0x9010] =	vst v1  }
0x2c: {  	[tilespmem:$0x9020] =	vst v1  }
0x2d: {  	[tilespmem:$0x9030] =	vst v1  }
0x2e: {  	[tilespmem:$0x9040] =	vst v1  }
0x2f: {  	[tilespmem:$0x9050] =	vst v1  }
0x30: {  	[tilespmem:$0x9060] =	vst v1  }
0x31: {  	[tilespmem:$0x9070] =	vst v1  }
0x32: {  	[tilespmem:$0x9080] =	vst v0  }
0x33: {  	[tilespmem:$0x9090] =	vst v0  }
0x34: {  	[tilespmem:$0x90A0] =	vst v0  }
0x35: {  	[tilespmem:$0x90B0] =	vst v0  }
0x36: {  	[tilespmem:$0x90C0] =	vst v0  }
0x37: {  	[tilespmem:$0x90D0] =	vst v0  }
0x38: {  	[tilespmem:$0x90E0] =	vst v0  }
0x39: {  	[tilespmem:$0x90F0] =	vst v0  }
0x3a: {  	[tilespmem:$0x9100] =	vst v0  }
0x3b: {  	[tilespmem:$0x9110] =	vst v0  }
0x3c: {  	[tilespmem:$0x9120] =	vst v0  }
0x3d: {  	[tilespmem:$0x9130] =	vst v0  }
0x3e: {  	[tilespmem:$0x9140] =	vst v0  }
0x3f: {  	[tilespmem:$0x9150] =	vst v0  }
0x40: {  	[tilespmem:$0x9160] =	vst v0  }
0x41: {  	[tilespmem:$0x9170] =	vst v0  }
0x42: {  	[tilespmem:$0x9180] =	vst v0  }
0x43: {  	[tilespmem:$0x9190] =	vst v0  }
0x44: {  	[tilespmem:$0x91A0] =	vst v0  }
0x45: {  	[tilespmem:$0x91B0] =	vst v0  }
0x46: {  	[tilespmem:$0x91C0] =	vst v0  }
0x47: {  	[tilespmem:$0x91D0] =	vst v0  }
0x48: {  	[tilespmem:$0x91E0] =	vst v0  }
0x49: {  	[tilespmem:$0x91F0] =	vst v0  }
0x4a: {  	[tilespmem:$0x9200] =	vst v0  }
0x4b: {  	[tilespmem:$0x9210] =	vst v0  }
0x4c: {  	[tilespmem:$0x9220] =	vst v0  }
0x4d: {  	[tilespmem:$0x9230] =	vst v0  }
0x4e: {  	[tilespmem:$0x9240] =	vst v0  }
0x4f: {  	[tilespmem:$0x9250] =	vst v0  }
0x50: {  	[tilespmem:$0x9260] =	vst v0  }
0x51: {  	[tilespmem:$0x9270] =	vst v0  }
0x52: {  	[tilespmem:$0x9280] =	vst v0  }
0x53: {  	[tilespmem:$0x9290] =	vst v0  }
0x54: {  	[tilespmem:$0x92A0] =	vst v0  }
0x55: {  	[tilespmem:$0x92B0] =	vst v0  }
0x56: {  	[tilespmem:$0x92C0] =	vst v0  }
0x57: {  	[tilespmem:$0x92D0] =	vst v0  }
0x58: {  	[tilespmem:$0x92E0] =	vst v0  }
0x59: {  	[tilespmem:$0x92F0] =	vst v0  }
0x5a: {  	[spmem:s5] =	stream.linear.scatter [tilespmem:s19], [sflag:$0x2], $0x4000, $0x38;
	[tilespmem:$0x1D580] =	vst v63  }
0x5b: {  	_ =	swait.ge [sflag:s20], $0x4000  }
0x5c: {  	[sflag:s20] =	ssyncset.done $0x0  }
0x5d: {  	[sflag:s20] =	ssyncadd.s32 $0xFFFFC000  }
0x5e: {  	[spmem:s11] =	stream.linear.scatter [tilespmem:s19], [sflag:$0x2], $0x4000, $0x38;
	[tilespmem:$0x1D580] =	vst v63  }
0x5f: {  	_ =	swait.ge [sflag:s20], $0x4000  }
0x60: {  	[sflag:s20] =	ssyncset.done $0x0  }
0x61: {  	[sflag:s20] =	ssyncadd.s32 $0xFFFFC000  }
0x62: {  	[spmem:s12] =	stream.linear.scatter [tilespmem:s19], [sflag:$0x2], $0x4000, $0x38;
	[tilespmem:$0x1D580] =	vst v63  }
0x63: {  	_ =	swait.ge [sflag:s20], $0x4000  }
0x64: {  	[sflag:s20] =	ssyncset.done $0x0  }
0x65: {  	[sflag:s20] =	ssyncadd.s32 $0xFFFFC000  }
0x66: {  	[spmem:s13] =	stream.linear.scatter [tilespmem:s19], [sflag:$0x2], $0x4000, $0x38;
	[tilespmem:$0x1D580] =	vst v63  }
0x67: {  	_ =	swait.ge [sflag:s20], $0x4000  }
0x68: {  	[sflag:s20] =	ssyncset.done $0x0  }
0x69: {  	[sflag:s20] =	ssyncadd.s32 $0xFFFFC000  }
0x6a: {  	[spmem:s14] =	stream.linear.scatter [tilespmem:s19], [sflag:$0x2], $0x4000, $0x38;
	[tilespmem:$0x1D580] =	vst v63  }
0x6b: {  	_ =	swait.ge [sflag:s20], $0x4000  }
0x6c: {  	[sflag:s20] =	ssyncset.done $0x0  }
0x6d: {  	[sflag:s20] =	ssyncadd.s32 $0xFFFFC000  }
0x6e: {  	[spmem:s6] =	stream.linear.scatter [tilespmem:s21], [sflag:$0x2], $0x280, $0x38;
	[tilespmem:$0x1D580] =	vst v63  }
0x6f: {  	_ =	swait.ge [sflag:s20], $0x280  }
0x70: {  	[sflag:s20] =	ssyncset.done $0x0  }
0x71: {  	[sflag:s20] =	ssyncadd.s32 $0xFFFFFD80  }
0x72: {  	s30 =	simm.s32 $0x0;
	[bflag:$0x0] =	sbarrier.arrive $0xFFFF  }
0x73: {  	[tilespmem:s30], [sflag:$0x2] =	stream.linear.gather [hbm4b:s7+s30], $0x2780, $0x38;
	[tilespmem:$0x1D580] =	vst v63  }
0x74: {  	_ =	swait.ge [sflag:s20], $0x2780  }
0x75: {  	[sflag:s20] =	ssyncset.done $0x0  }
0x76: {  	[sflag:s20] =	ssyncadd.s32 $0xFFFFD880  }
0x77: {  	[tilespmem:s26], [sflag:$0x2] =	stream.linear.gather [hbm4b:s8+s30], $0x2780, $0x38;
	[tilespmem:$0x1D580] =	vst v63  }
0x78: {  	_ =	swait.ge [sflag:s20], $0x2780  }
0x79: {  	[sflag:s20] =	ssyncset.done $0x0  }
0x7a: {  	s30 =	simm.s32 $0x0;
	[sflag:s20] =	ssyncadd.s32 $0xFFFFD880  }
0x7b: {  	[tilespmem:s19], [sflag:$0x1] =	stream.indirect.gather [hbm4b:s4+s28], $0x80, s30, s28, $0xb8;
	[tilespmem:$0x1D580] =	vst v63  }
0x7c: {  	_ =	swait.ge [sflag:s29], $0x4000  }
0x7d: {  	[sflag:s29] =	ssyncset.done $0x0  }
0x7e: {  	s30 =	simm.s32 $0x2800;
	[sflag:s29] =	ssyncadd.s32 $0xFFFFC000  }
0x7f: {  	[spmem:s2] =	stream.indirect.scatter.add.f32 [tilespmem:s19], [sflag:$0x2], $0x80, s30, s28, $0xb8;
	[tilespmem:$0x1D580] =	vst v63  }
0x80: {  	_ =	swait.ge [sflag:s20], $0x4000  }
0x81: {  	s31 =	simm.s32 $0x400;
	s30 =	simm.s32 $0x200;
	[sflag:s20] =	ssyncset.done $0x0  }
.LBB2_4:
0x82: {  	s1 =	sshra.s32 s30, $0x2  }
0x83: {  	[sflag:s20] =	ssyncadd.s32 $0xFFFFC000;
	s30 =	smov.u32 s31;
	s0 =	sadd.s32 $0x200, s31  }
0x84: {  	[tilespmem:s19], [sflag:$0x1] =	stream.indirect.gather [hbm4b:s4+s28], $0x80, s1, s28, $0xb8;
	[tilespmem:$0x1D580] =	vst v63  }
0x85: {  	p0 =	sne.s32 s31, $0x9C00;
	_ =	swait.ge [sflag:s29], $0x4000  }
.Ltmp1:
0x86: {  	[sflag:s29] =	ssyncset.done $0x0;
	(pc) =	sbr.rel @p0 .LBB2_4-.Ltmp1, $4  }
0x87: {  	s1 =	sadd.s32 $0x2800, s1;
	[sflag:s29] =	ssyncadd.s32 $0xFFFFC000  }
0x88: {  	[spmem:s2] =	stream.indirect.scatter.add.f32 [tilespmem:s19], [sflag:$0x2], $0x80, s1, s28, $0xb8;
	[tilespmem:$0x1D580] =	vst v63  }
0x89: {  	_ =	swait.ge [sflag:s20], $0x4000  }
0x8a: {  	s31 =	smov.u32 s0;
	[sflag:s20] =	ssyncset.done $0x0  }
0x8b: {  	s0 =	sshra.s32 s30, $0x2;
	[sflag:s20] =	ssyncadd.s32 $0xFFFFC000  }
0x8c: {  	[tilespmem:s19], [sflag:$0x1] =	stream.indirect.gather [hbm4b:s4+s28], $0x80, s0, s28, $0xb8;
	[tilespmem:$0x1D580] =	vst v63  }
0x8d: {  	_ =	swait.ge [sflag:s29], $0x4000  }
0x8e: {  	[sflag:s29] =	ssyncset.done $0x0  }
0x8f: {  	s0 =	sadd.s32 $0x2800, s0;
	[sflag:s29] =	ssyncadd.s32 $0xFFFFC000  }
0x90: {  	[spmem:s2] =	stream.indirect.scatter.add.f32 [tilespmem:s19], [sflag:$0x2], $0x80, s0, s28, $0xb8;
	[tilespmem:$0x1D580] =	vst v63  }
0x91: {  	_ =	swait.ge [sflag:s20], $0x4000  }
0x92: {  	s31 =	stileid.u32;
	[sflag:s20] =	ssyncset.done $0x0  }
0x93: {  	s0 =	sshll.u32 s31, $0x6;
	[sflag:s20] =	ssyncadd.s32 $0xFFFFC000  }
0x94: {  	s1 =	sshrl.u32 s5, $0x3;
	s0 =	sor.u32 $0x1C02, s0;
	[bflag:$0x0] =	sbarrier.arrive $0xFFFF  }
0x95: {  	[hbm:s9], [sflag:s0] =	dma.local [spmem:s1], $0x800  }
0x96: {  	_ =	swait.ge [sflag:s20], $0x800  }
0x97: {  	[sflag:s20] =	ssyncset.done $0x0  }
0x98: {  	[sflag:s20] =	ssyncadd.s32 $0xFFFFF800  }
0x99: {  	[hbm:s15], [sflag:s0] =	dma.local [spmem:s22], $0x800  }
0x9a: {  	_ =	swait.ge [sflag:s20], $0x800  }
0x9b: {  	[sflag:s20] =	ssyncset.done $0x0  }
0x9c: {  	[sflag:s20] =	ssyncadd.s32 $0xFFFFF800  }
0x9d: {  	[hbm:s16], [sflag:s0] =	dma.local [spmem:s23], $0x800  }
0x9e: {  	_ =	swait.ge [sflag:s20], $0x800  }
0x9f: {  	[sflag:s20] =	ssyncset.done $0x0  }
0xa0: {  	[sflag:s20] =	ssyncadd.s32 $0xFFFFF800  }
0xa1: {  	[hbm:s17], [sflag:s0] =	dma.local [spmem:s24], $0x800  }
0xa2: {  	s3 =	sadd.s32 $0x1, s3;
	_ =	swait.ge [sflag:s20], $0x800  }
0xa3: {  	p0 =	sne.s32 s3, s10;
	[sflag:s20] =	ssyncset.done $0x0  }
.Ltmp2:
0xa4: {  	[sflag:s20] =	ssyncadd.s32 $0xFFFFF800;
	(pc) =	sbr.rel @p0 .LBB2_1-.Ltmp2, $4  }
0xa5: {  	[hbm:s18], [sflag:s0] =	dma.local [spmem:s25], $0x800  }
0xa6: {  	_ =	swait.ge [sflag:s20], $0x800  }
0xa7: {  	[sflag:s20] =	ssyncset.done $0x0  }
0xa8: {  	[sflag:s20] =	ssyncadd.s32 $0xFFFFF800  }
0xa9: {  	_ =	sfence.sel $0x180000  }
0xaa: {  	[bflag:$0x0] =	sbarrier.arrive $0xFFFF  }
0xab: {  	_ =	strace $0x9000004A  }
0xac: {  	s0 =	stileid.u32;
	[bflag:$0x2] =	sbarrier.arrive $0xFFFF  }
0xad: {  	p0 =	sne.s32 s0, $0x0;
	s0 =	rddreg [dreg:$0x3]  }
0xae: {  	s0 =	sadd.s32 @!p0 $0x100000, s0  }
0xaf: {  	[sflag:s0] =	ssyncadd.tile.s32 @!p0 $0x1;
	_ =	shalt  }
.Lfunc_end2:
_tile_overlayer_lowered:
.L_overlay_start_2:
0xb0: {  	(tag) =	ssettag $0x2  }
0xb1: {  	s0 =	rddreg [dreg:$0x0];
	s2 =	stileid.u32  }
0xb2: {  	s1 =	rddreg [dreg:$0x1];
	p0 =	sne.s32 s2, $0x0  }
0xb3: {  	s3 =	rddreg [dreg:$0x2];
	[bflag:$0x3] =	sbarrier.arrive $0xFFFF;
	s2 =	simm.s32 @!p0 $0x1C02  }
0xb4: {  	[timem:s3], [sflag:s2] =	dma.local @!p0 [hbm:s0], s1  }
0xb5: {  	s0 =	simm.s32 @!p0 $0x2  }
0xb6: {  	_ =	swait.ge @!p0 [sflag:s0], s1  }
0xb7: {  	s1 =	ssub.s32 @!p0 $0x0, s1;
	[sflag:s0] =	ssyncset.done @!p0 $0x0  }
0xb8: {  	[sflag:s0] =	ssyncadd.s32 @!p0 s1  }
0xb9: {  	[bflag:$0x3] =	sbarrier.arrive $0xFFFF  }
0xba: {  	_ =	shalt  }

// kernel: kernel.20.cloned.1.call-start
scs
__scs_entry_jumppad:
0x0: {  	(pc) =	sbr.rel $0x88, $3  }
0x1: {  	(tag) =	ssettag $0x0;
	lr =	simm.s32 $0x1  }
0x2: {  	[smem:$0x3F8B] =	sst lr;
	_ =	strace $0xD0000000  }
0x3: {  	_ = 	snop  }
0x4: {  	_ = 	snop  }
0x5: {  	_ = 	snop  }
0x6: {  	_ = 	snop  }
0x7: {  	_ = 	snop  }
__scs_overlays_trampoline_lowered:
0x8: {  	[smem:$0x3F9A] =	sst s0  }
0x9: {  	[smem:$0x3F9B] =	sst s1  }
0xa: {  	[smem:$0x3F9C] =	sst s2  }
0xb: {  	[smem:$0x3F9D] =	sst s3  }
0xc: {  	[smem:$0x3F9E] =	sst s4  }
0xd: {  	[smem:$0x3F9F] =	sst s5  }
0xe: {  	[smem:$0x3FA0] =	sst s6  }
0xf: {  	[smem:$0x3FA1] =	sst s7  }
0x10: {  	[smem:$0x3FA2] =	sst s8  }
0x11: {  	[smem:$0x3FA3] =	sst s9;
	s0 =	simm.s32 @!p0 $0x0  }
0x12: {  	s1 =	sld [smem:$0x3F89];
	s0 =	simm.s32 @p0 $0x1  }
0x13: {  	[smem:$0x3FA4] =	sst s0;
	s0 =	simm.s32 @!p1 $0x0  }
0x14: {  	s2 =	sld [smem:$0x3F88];
	s0 =	simm.s32 @p1 $0x1  }
0x15: {  	[smem:$0x3FA5] =	sst s0;
	s0 =	simm.s32 @!p2 $0x0  }
0x16: {  	s3 =	sld [smem:$0x3FDB];
	s0 =	simm.s32 @p2 $0x1  }
0x17: {  	s4 =	simm.s32 $0x1BF5;
	[smem:$0x3FA7] =	sst s0  }
0x18: {  	s0 =	sld [smem:$0x3F8A];
	_ =	swait.ge [sflag:s4], $0x0  }
0x19: {  	s7 =	sld [smem:$0x3F8B]  }
0x1a: {  	s8 =	sadd.s32 $0xFFFFE003, lr  }
0x1b: {  	s9 =	sadd.s32 $0xFFFFFEF7, lr;
	s5 =	simm.s32 $0xFFFFFFFF;
	p2 =	slt.u32 s8, $0xFFFFF086  }
0x1c: {  	p1 =	slt.u32 s9, $0xF7A;
	s5 =	simm.s32 @!p2 $0x0  }
0x1d: {  	s5 =	simm.s32 @p1 $0x1;
	p0 =	seq.s32 s7, s2  }
0x1e: {  	s7 =	smul.u32 @!p0 $0xF7A, s2;
	p2 =	seq.s32 @!p0 s5, $0x0  }
0x1f: {  	s9 =	smul.u32 $0xF7A, s1;
	s8 =	simm.s32 @!p0 $0x1BF5;
	p2 =	por !p2, p0  }
0x20: {  	[sflag:s8] =	ssyncset.s32 @!p0 $0xFFFFF086;
	s6 =	sadd.s32 @!p0 s3, s7;
	s7 =	simm.s32 @!p0 $0x108  }
0x21: {  	s3 =	sadd.s32 s3, s9;
	s6 =	sadd.s32 @!p0 $0x88, s6;
	s7 =	simm.s32 @p2 $0x1082  }
0x22: {  	[simem:s7], [sflag:s8] =	dma.local @!p0 [hbm:s6], $0xF7A  }
0x23: {  	s9 =	sor.u32 $0xD0000000, s2;
	s6 =	simm.s32 $0x108;
	_ =	swait.ge @!p0 [sflag:s8], $0x0  }
0x24: {  	s3 =	sadd.s32 $0x88, s3;
	s6 =	simm.s32 @!p1 $0x1082;
	[sflag:s4] =	ssyncset.s32 $0xFFFFF086  }
0x25: {  	[simem:s6], [sflag:s4] =	dma.local [hbm:s3], $0xF7A  }
0x26: {  	[smem:$0x3F8B] =	sst s1;
	(tag) =	ssettag s2;
	_ =	strace s9  }
0x27: {  	s1 =	sld [smem:$0x3F9B]  }
0x28: {  	s2 =	sld [smem:$0x3F9C]  }
0x29: {  	s4 =	sld [smem:$0x3F9E]  }
0x2a: {  	p0 =	seq.s32 s5, $0x0;
	s5 =	sld [smem:$0x3F9F]  }
0x2b: {  	s6 =	sld [smem:$0x3FA0]  }
0x2c: {  	s7 =	sld [smem:$0x3FA1]  }
0x2d: {  	s3 =	simm.s32 $0x108;
	s8 =	sld [smem:$0x3FA2]  }
0x2e: {  	s3 =	simm.s32 @!p0 $0x1082;
	s9 =	sld [smem:$0x3FA3]  }
0x2f: {  	lr =	sadd.s32 s0, s3;
	s0 =	sld [smem:$0x3F9A]  }
0x30: {  	s3 =	sld [smem:$0x3F9D]  }
0x31: {  	[smem:$0x3FA6] =	sst s10  }
0x32: {  	s10 =	sld [smem:$0x3FA4];
	_ =	sdelay $0x3  }
0x33: {  	p0 =	seq.s32 s10, $0x1;
	s10 =	sld [smem:$0x3FA6];
	_ =	sdelay $0x3  }
0x34: {  	[smem:$0x3FA6] =	sst s10  }
0x35: {  	s10 =	sld [smem:$0x3FA5];
	_ =	sdelay $0x3  }
0x36: {  	p1 =	seq.s32 s10, $0x1;
	s10 =	sld [smem:$0x3FA6];
	_ =	sdelay $0x3  }
0x37: {  	[smem:$0x3FA6] =	sst s10  }
0x38: {  	s10 =	sld [smem:$0x3FA7]  }
0x39: {  	_ = 	snop;
	(pc) =	sbr.ind lr, $3  }
0x3a: {  	_ = 	snop  }
0x3b: {  	_ = 	snop  }
0x3c: {  	p2 =	seq.s32 s10, $0x1;
	s10 =	sld [smem:$0x3FA6]  }
0x3d: {  	_ =	shalt  }
0x3e: {  	_ =	shalt  }
0x3f: {  	_ =	shalt  }
0x40: {  	_ =	shalt  }
0x41: {  	_ =	shalt  }
0x42: {  	_ =	shalt  }
0x43: {  	_ =	shalt  }
0x44: {  	_ =	shalt  }
0x45: {  	_ =	shalt  }
0x46: {  	_ =	shalt  }
0x47: {  	_ =	shalt  }
0x48: {  	_ =	shalt  }
0x49: {  	_ =	shalt  }
0x4a: {  	_ =	shalt  }
0x4b: {  	_ =	shalt  }
0x4c: {  	_ =	shalt  }
0x4d: {  	_ =	shalt  }
0x4e: {  	_ =	shalt  }
0x4f: {  	_ =	shalt  }
0x50: {  	_ =	shalt  }
0x51: {  	_ =	shalt  }
0x52: {  	_ =	shalt  }
0x53: {  	_ =	shalt  }
0x54: {  	_ =	shalt  }
0x55: {  	_ =	shalt  }
0x56: {  	_ =	shalt  }
0x57: {  	_ =	shalt  }
0x58: {  	_ =	shalt  }
0x59: {  	_ =	shalt  }
0x5a: {  	_ =	shalt  }
0x5b: {  	_ =	shalt  }
0x5c: {  	_ =	shalt  }
0x5d: {  	_ =	shalt  }
0x5e: {  	_ =	shalt  }
0x5f: {  	_ =	shalt  }
0x60: {  	_ =	shalt  }
0x61: {  	_ =	shalt  }
0x62: {  	_ =	shalt  }
0x63: {  	_ =	shalt  }
0x64: {  	_ =	shalt  }
0x65: {  	_ =	shalt  }
0x66: {  	_ =	shalt  }
0x67: {  	_ =	shalt  }
0x68: {  	_ =	shalt  }
0x69: {  	_ =	shalt  }
0x6a: {  	_ =	shalt  }
0x6b: {  	_ =	shalt  }
0x6c: {  	_ =	shalt  }
0x6d: {  	_ =	shalt  }
0x6e: {  	_ =	shalt  }
0x6f: {  	_ =	shalt  }
0x70: {  	_ =	shalt  }
0x71: {  	_ =	shalt  }
0x72: {  	_ =	shalt  }
0x73: {  	_ =	shalt  }
0x74: {  	_ =	shalt  }
0x75: {  	_ =	shalt  }
0x76: {  	_ =	shalt  }
0x77: {  	_ =	shalt  }
0x78: {  	_ =	shalt  }
0x79: {  	_ =	shalt  }
0x7a: {  	_ =	shalt  }
0x7b: {  	_ =	shalt  }
0x7c: {  	_ =	shalt  }
0x7d: {  	_ =	shalt  }
0x7e: {  	_ =	shalt  }
0x7f: {  	_ =	shalt  }
0x80: {  	_ =	shalt  }
0x81: {  	_ =	shalt  }
0x82: {  	_ =	shalt  }
0x83: {  	_ =	shalt  }
0x84: {  	_ =	shalt  }
0x85: {  	_ =	shalt  }
0x86: {  	_ =	shalt  }
0x87: {  	_ =	shalt  }
.Lfunc_end0:
.L_simem_size_0:
called_computation.2_lowered:
.L_overlay_start_0:
0x88: {  	s2 =	sld [smem:$0x3FD9]  }
0x89: {  	s3 =	sld [smem:$0x3FFE];
	_ =	sdelay $0x1  }
0x8a: {  	s1 =	srdreg.scid  }
0x8b: {  	s0 =	sand.u32 $0x1, s1  }
0x8c: {  	s16 =	sshll.u32 s0, $0xA;
	s2 =	sadd.s32 s3, s2  }
0x8d: {  	s2 =	sadd.s32 s2, s16  }
0x8e: {  	[smem:$0x3FB2] =	sst s2  }
0x8f: {  	_ = 	snop  }
0x90: {  	(tm) =	ssettm $0x1  }
0x91: {  	s17 =	sld [smem:$0x3FFB];
	_ =	sdelay $0x3  }
0x92: {  	_ =	strace s17  }
0x93: {  	s2 =	sld [smem:$0x3FFC];
	_ =	sdelay $0x3  }
0x94: {  	_ =	strace s2  }
0x95: {  	s2 =	sld [smem:$0x3FFD];
	_ =	sdelay $0x3  }
0x96: {  	_ =	strace s2  }
0x97: {  	_ =	strace $0x8FFFFFFF  }
0x98: {  	s18 =	sld [smem:$0x3FDB];
	_ =	sdelay $0x1  }
0x99: {  	s19 =	simm.s32 $_scs_section_size  }
0x9a: {  	s4 =	simm.s32 $_size__tile_overlayer_lowered;
	s5 =	simm.s32 $_tile_overlayer_lowered  }
0x9b: {  	s22 =	simm.s32 $0x1BFF;
	s21 =	sshll.u32 s5, $0x1;
	s2 =	sadd.s32 s19, s18  }
0x9c: {  	s6 =	simm.s32 $0x0;
	s20 =	sshll.u32 s4, $0x1;
	s4 =	sadd.s32 s21, s2  }
0x9d: {  	[timem:s6], [sflag:s22] =	dma.local [hbm:s4], s20  }
0x9e: {  	_ =	swait.ge [sflag:s22], s20  }
0x9f: {  	s3 =	ssub.s32 $0x0, s20;
	[sflag:s22] =	ssyncset.done $0x0  }
0xa0: {  	[sflag:s22] =	ssyncadd.s32 s3;
	_ =	sdelay $0x1  }
0xa1: {  	s23 =	simm.s32 $0x1B8B  }
0xa2: {  	_ =	swait.ge [sflag:s23], $0x1  }
0xa3: {  	[sflag:s23] =	ssyncset.done $0x0  }
0xa4: {  	s25 =	simm.s32 $0x1B8E;
	s24 =	sld [smem:$0x3FFE];
	[sflag:s23] =	ssyncadd.s32 $0xFFFFFFFF  }
0xa5: {  	s26 =	simm.s32 $execute0_lowered;
	[smem:$0x3FD2] =	sst s25  }
0xa6: {  	s4 =	sshll.u32 s26, $0x1;
	_ =	strace $0x8000004C;
	[dreg:$0x1] =	wrdreg $0xFFFFFFFF  }
0xa7: {  	s28 =	simm.s32 $_size_execute0_lowered;
	s2 =	sadd.s32 s2, s4;
	[dreg:$0x0] =	wrdreg $0x0  }
0xa8: {  	s4 =	sshll.u32 s28, $0x1;
	[dreg:$0x2] =	wrdreg s2  }
0xa9: {  	[dreg:$0x3] =	wrdreg s4  }
0xaa: {  	[dreg:$0x4] =	wrdreg $0xC0  }
0xab: {  	_ =	task [dreg:s6], $0x5FFFF  }
0xac: {  	[dreg:$0x1] =	wrdreg $0xFFFFFFFF  }
0xad: {  	[dreg:$0x0] =	wrdreg $0x60  }
0xae: {  	[dreg:$0x2] =	wrdreg s24  }
0xaf: {  	[dreg:$0x3] =	wrdreg $0x9  }
0xb0: {  	_ =	task.clear_ibuf [dreg:s6], $0x4FFFF;
	_ =	strace $0x9000004C  }
0xb1: {  	s29 =	simm.s32 $0x9;
	_ =	strace $0x8000004E  }
0xb2: {  	_ =	swait.ge [sflag:s29], $0x1  }
0xb3: {  	[sflag:s29] =	ssyncadd.s32 $0xFFFFFFFF  }
0xb4: {  	_ =	strace $0x9000004E  }
0xb5: {  	_ =	sfence  }
0xb6: {  	s30 =	sld [smem:$0x0];
	_ =	sdelay $0x2  }
0xb7: {  	s31 =	sshll.u32 s1, $0xD;
	s1 =	sshrl.u32 s1, $0x2  }
0xb8: {  	s3 =	sand.u32 $0x4000, s31;
	s1 =	sadd.s32 s1, s30  }
0xb9: {  	s0 =	sor.u32 s3, s0;
	s1 =	sshll.u32 s1, $0x11  }
0xba: {  	s0 =	sor.u32 s1, s0  }
0xbb: {  	s0 =	sadd.s32 $0x8F2B, s0  }
0xbc: {  	[sflag:s0] =	ssyncadd.remote.s32 $0x1  }
0xbd: {  	_ =	sfence.sel $0xFFFF  }
0xbe: {  	[dreg:$0x0] =	wrdreg $0xFFFFFFFF;
	(pc) =	sbr.abs _section_cstart, $3  }
0xbf: {  	[dreg:$0x1] =	wrdreg $0xFFFFFFFF  }
0xc0: {  	_ =	task.clear_ibuf [dreg:s6], $0x2FFFF;
	_ =	strace $0x9FFFFFFF  }
0xc1: {  	(tm) =	ssettm $0x7FFFFFFF  }
tec
execute0_lowered:
.L_overlay_start_1:
0x0: {  	(tag) =	ssettag $0x1  }
0x1: {  	s1 =	srdreg.scid  }
0x2: {  	s0 =	stileid.u32;
	s13 =	sand.u32 $0x1, s1  }
0x3: {  	s2 =	sshll.u32 s0, $0x9;
	s1 =	sshll.u32 s13, $0xD  }
0x4: {  	s9 =	rddreg [dreg:$0x0];
	s10 =	sor.u32 s2, s1  }
0x5: {  	s1 =	rddreg [dreg:$0x1];
	s2 =	simm.s32 $0x0;
	s3 =	sshrl.u32 s10, $0x3  }
0x6: {  	[smem:$0x7FF] =	sst s2;
	s3 =	sadd.s32 s3, s9  }
0x7: {  	_ =	strace $0x8000004D;
	s4 =	sadd.s32 $0x92200, s3;
	s3 =	simm.s32 $0x2  }
0x8: {  	[tilespmem:s2], [sflag:$0x2] =	stream.linear.gather [hbm4b:s4+s2], $0x200, $0x38;
	[tilespmem:$0x4200] =	vst v63  }
0x9: {  	_ =	swait.ge [sflag:s3], $0x200  }
0xa: {  	s6 =	simm.s32 $0x80;
	s7 =	simm.s32 $0x200;
	[sflag:s3] =	ssyncset.done $0x0  }
0xb: {  	s8 =	simm.s32 $0x1;
	s5 =	sadd.s32 $0x6200, s9;
	[sflag:s3] =	ssyncadd.s32 $0xFFFFFE00  }
0xc: {  	[tilespmem:s7], [sflag:$0x1] =	stream.indirect.gather [hbm4b:s5+s6], $0x80, s2, s6, $0xb8;
	[tilespmem:$0x4200] =	vst v63  }
0xd: {  	s10 =	sshll.u32 s10, $0x4;
	_ =	swait.ge [sflag:s8], $0x4000  }
0xe: {  	s14 =	sadd.s32 s10, s9;
	[sflag:s8] =	ssyncset.done $0x0  }
0xf: {  	s9 =	sadd.s32 $0x2E200, s14;
	[sflag:s8] =	ssyncadd.s32 $0xFFFFC000  }
0x10: {  	[hbm4b:s9+s2] =	stream.linear.scatter [tilespmem:s7], [sflag:$0x2], $0x4000, $0x38;
	[tilespmem:$0x4200] =	vst v63  }
0x11: {  	_ =	swait.ge [sflag:s3], $0x4000  }
0x12: {  	[sflag:s3] =	ssyncset.done $0x0  }
0x13: {  	[sflag:s3] =	ssyncadd.s32 $0xFFFFC000  }
0x14: {  	[tilespmem:s7], [sflag:$0x1] =	stream.indirect.gather [hbm4b:s5+s6], $0x80, s6, s6, $0xb8;
	[tilespmem:$0x4200] =	vst v63  }
0x15: {  	_ =	swait.ge [sflag:s8], $0x4000  }
0x16: {  	[sflag:s8] =	ssyncset.done $0x0  }
0x17: {  	s10 =	sadd.s32 $0x2EA00, s14;
	[sflag:s8] =	ssyncadd.s32 $0xFFFFC000  }
0x18: {  	[hbm4b:s10+s2] =	stream.linear.scatter [tilespmem:s7], [sflag:$0x2], $0x4000, $0x38;
	[tilespmem:$0x4200] =	vst v63  }
0x19: {  	_ =	swait.ge [sflag:s3], $0x4000  }
0x1a: {  	[sflag:s3] =	ssyncset.done $0x0  }
0x1b: {  	s11 =	simm.s32 $0x100;
	[sflag:s3] =	ssyncadd.s32 $0xFFFFC000  }
0x1c: {  	[tilespmem:s7], [sflag:$0x1] =	stream.indirect.gather [hbm4b:s5+s6], $0x80, s11, s6, $0xb8;
	[tilespmem:$0x4200] =	vst v63  }
0x1d: {  	_ =	swait.ge [sflag:s8], $0x4000  }
0x1e: {  	[sflag:s8] =	ssyncset.done $0x0  }
0x1f: {  	s15 =	ssub.s32 $0x2, s13;
	s12 =	sadd.s32 $0x2F200, s14;
	[sflag:s8] =	ssyncadd.s32 $0xFFFFC000  }
0x20: {  	[hbm4b:s12+s2] =	stream.linear.scatter [tilespmem:s7], [sflag:$0x2], $0x4000, $0x38;
	[tilespmem:$0x4200] =	vst v63  }
0x21: {  	s16 =	sshrl.u32 s15, $0x1;
	_ =	swait.ge [sflag:s3], $0x4000  }
0x22: {  	s15 =	ssub.s32 s15, s16;
	[sflag:s3] =	ssyncset.done $0x0  }
0x23: {  	s13 =	simm.s32 $0x180;
	s15 =	smax.u32 s15, $0x1;
	[sflag:s3] =	ssyncadd.s32 $0xFFFFC000  }
0x24: {  	[tilespmem:s7], [sflag:$0x1] =	stream.indirect.gather [hbm4b:s5+s6], $0x80, s13, s6, $0xb8;
	[tilespmem:$0x4200] =	vst v63  }
0x25: {  	p0 =	sne.s32 s15, $0x1;
	_ =	swait.ge [sflag:s8], $0x4000  }
.Ltmp0:
0x26: {  	[sflag:s8] =	ssyncset.done $0x0;
	(pc) =	sbr.rel @!p0 .LBB2_2-.Ltmp0, $4  }
0x27: {  	s14 =	sadd.s32 $0x2FA00, s14;
	[sflag:s8] =	ssyncadd.s32 $0xFFFFC000  }
0x28: {  	[hbm4b:s14+s2] =	stream.linear.scatter [tilespmem:s7], [sflag:$0x2], $0x4000, $0x38;
	[tilespmem:$0x4200] =	vst v63  }
0x29: {  	_ =	swait.ge [sflag:s3], $0x4000  }
0x2a: {  	s15 =	sadd.s32 $0xFFFFFFFF, s15;
	[sflag:s3] =	ssyncset.done $0x0  }
.LBB2_1:
0x2b: {  	p0 =	sne.s32 s15, $0x1;
	s15 =	sadd.s32 $0xFFFFFFFF, s15;
	[sflag:s3] =	ssyncadd.s32 $0xFFFFC000  }
0x2c: {  	[tilespmem:s2], [sflag:$0x2] =	stream.linear.gather [hbm4b:s4+s2], $0x200, $0x38;
	[tilespmem:$0x4200] =	vst v63  }
0x2d: {  	_ =	swait.ge [sflag:s3], $0x200  }
0x2e: {  	[sflag:s3] =	ssyncset.done $0x0  }
0x2f: {  	[sflag:s3] =	ssyncadd.s32 $0xFFFFFE00  }
0x30: {  	[tilespmem:s7], [sflag:$0x1] =	stream.indirect.gather [hbm4b:s5+s6], $0x80, s2, s6, $0xb8;
	[tilespmem:$0x4200] =	vst v63  }
0x31: {  	_ =	swait.ge [sflag:s8], $0x4000  }
0x32: {  	[sflag:s8] =	ssyncset.done $0x0  }
0x33: {  	[sflag:s8] =	ssyncadd.s32 $0xFFFFC000  }
0x34: {  	[hbm4b:s9+s2] =	stream.linear.scatter [tilespmem:s7], [sflag:$0x2], $0x4000, $0x38;
	[tilespmem:$0x4200] =	vst v63  }
0x35: {  	_ =	swait.ge [sflag:s3], $0x4000  }
0x36: {  	[sflag:s3] =	ssyncset.done $0x0  }
0x37: {  	[sflag:s3] =	ssyncadd.s32 $0xFFFFC000  }
0x38: {  	[tilespmem:s7], [sflag:$0x1] =	stream.indirect.gather [hbm4b:s5+s6], $0x80, s6, s6, $0xb8;
	[tilespmem:$0x4200] =	vst v63  }
0x39: {  	_ =	swait.ge [sflag:s8], $0x4000  }
0x3a: {  	[sflag:s8] =	ssyncset.done $0x0  }
0x3b: {  	[sflag:s8] =	ssyncadd.s32 $0xFFFFC000  }
0x3c: {  	[hbm4b:s10+s2] =	stream.linear.scatter [tilespmem:s7], [sflag:$0x2], $0x4000, $0x38;
	[tilespmem:$0x4200] =	vst v63  }
0x3d: {  	_ =	swait.ge [sflag:s3], $0x4000  }
0x3e: {  	[sflag:s3] =	ssyncset.done $0x0  }
0x3f: {  	[sflag:s3] =	ssyncadd.s32 $0xFFFFC000  }
0x40: {  	[tilespmem:s7], [sflag:$0x1] =	stream.indirect.gather [hbm4b:s5+s6], $0x80, s11, s6, $0xb8;
	[tilespmem:$0x4200] =	vst v63  }
0x41: {  	_ =	swait.ge [sflag:s8], $0x4000  }
0x42: {  	[sflag:s8] =	ssyncset.done $0x0  }
0x43: {  	[sflag:s8] =	ssyncadd.s32 $0xFFFFC000  }
0x44: {  	[hbm4b:s12+s2] =	stream.linear.scatter [tilespmem:s7], [sflag:$0x2], $0x4000, $0x38;
	[tilespmem:$0x4200] =	vst v63  }
0x45: {  	_ =	swait.ge [sflag:s3], $0x4000  }
0x46: {  	[sflag:s3] =	ssyncset.done $0x0  }
0x47: {  	[sflag:s3] =	ssyncadd.s32 $0xFFFFC000  }
0x48: {  	[tilespmem:s7], [sflag:$0x1] =	stream.indirect.gather [hbm4b:s5+s6], $0x80, s13, s6, $0xb8;
	[tilespmem:$0x4200] =	vst v63  }
0x49: {  	_ =	swait.ge [sflag:s8], $0x4000  }
.Ltmp1:
0x4a: {  	[sflag:s8] =	ssyncset.done $0x0;
	(pc) =	sbr.rel @p0 .LBB2_1-.Ltmp1, $4  }
0x4b: {  	[sflag:s8] =	ssyncadd.s32 $0xFFFFC000  }
0x4c: {  	[hbm4b:s14+s2] =	stream.linear.scatter [tilespmem:s7], [sflag:$0x2], $0x4000, $0x38;
	[tilespmem:$0x4200] =	vst v63  }
0x4d: {  	_ =	swait.ge [sflag:s3], $0x4000  }
0x4e: {  	[sflag:s3] =	ssyncset.done $0x0  }
.LBB2_2:
0x4f: {  	[sflag:s3] =	ssyncadd.s32 $0xFFFFC000  }
0x50: {  	_ =	sfence.sel $0x180000  }
0x51: {  	[bflag:$0x0] =	sbarrier.arrive $0xFFFF  }
0x52: {  	p0 =	sne.s32 s0, $0x0;
	_ =	strace $0x9000004D  }
0x53: {  	s0 =	sadd.s32 @!p0 $0x100000, s1;
	[bflag:$0x2] =	sbarrier.arrive $0xFFFF  }
0x54: {  	[sflag:s0] =	ssyncadd.tile.s32 @!p0 $0x1;
	_ =	shalt  }
.Lfunc_end2:
_tile_overlayer_lowered:
.L_overlay_start_2:
0x55: {  	(tag) =	ssettag $0x2  }
0x56: {  	s0 =	rddreg [dreg:$0x0];
	s2 =	stileid.u32  }
0x57: {  	s1 =	rddreg [dreg:$0x1];
	p0 =	sne.s32 s2, $0x0  }
0x58: {  	s3 =	rddreg [dreg:$0x2];
	[bflag:$0x3] =	sbarrier.arrive $0xFFFF;
	s2 =	simm.s32 @!p0 $0x1C02  }
0x59: {  	[timem:s3], [sflag:s2] =	dma.local @!p0 [hbm:s0], s1  }
0x5a: {  	s0 =	simm.s32 @!p0 $0x2  }
0x5b: {  	_ =	swait.ge @!p0 [sflag:s0], s1  }
0x5c: {  	s1 =	ssub.s32 @!p0 $0x0, s1;
	[sflag:s0] =	ssyncset.done @!p0 $0x0  }
0x5d: {  	[sflag:s0] =	ssyncadd.s32 @!p0 s1  }
0x5e: {  	[bflag:$0x3] =	sbarrier.arrive $0xFFFF  }
0x5f: {  	_ =	shalt  }

// kernel: kernel.23.cloned.1.call-start
scs
__scs_entry_jumppad:
0x0: {  	(pc) =	sbr.rel $0x88, $3  }
0x1: {  	(tag) =	ssettag $0x0;
	lr =	simm.s32 $0x1  }
0x2: {  	[smem:$0x3F8B] =	sst lr;
	_ =	strace $0xD0000000  }
0x3: {  	_ = 	snop  }
0x4: {  	_ = 	snop  }
0x5: {  	_ = 	snop  }
0x6: {  	_ = 	snop  }
0x7: {  	_ = 	snop  }
__scs_overlays_trampoline_lowered:
0x8: {  	[smem:$0x3F9A] =	sst s0  }
0x9: {  	[smem:$0x3F9B] =	sst s1  }
0xa: {  	[smem:$0x3F9C] =	sst s2  }
0xb: {  	[smem:$0x3F9D] =	sst s3  }
0xc: {  	[smem:$0x3F9E] =	sst s4  }
0xd: {  	[smem:$0x3F9F] =	sst s5  }
0xe: {  	[smem:$0x3FA0] =	sst s6  }
0xf: {  	[smem:$0x3FA1] =	sst s7  }
0x10: {  	[smem:$0x3FA2] =	sst s8  }
0x11: {  	[smem:$0x3FA3] =	sst s9;
	s0 =	simm.s32 @!p0 $0x0  }
0x12: {  	s1 =	sld [smem:$0x3F89];
	s0 =	simm.s32 @p0 $0x1  }
0x13: {  	[smem:$0x3FA4] =	sst s0;
	s0 =	simm.s32 @!p1 $0x0  }
0x14: {  	s2 =	sld [smem:$0x3F88];
	s0 =	simm.s32 @p1 $0x1  }
0x15: {  	[smem:$0x3FA5] =	sst s0;
	s0 =	simm.s32 @!p2 $0x0  }
0x16: {  	s3 =	sld [smem:$0x3FDB];
	s0 =	simm.s32 @p2 $0x1  }
0x17: {  	s4 =	simm.s32 $0x1BF5;
	[smem:$0x3FA7] =	sst s0  }
0x18: {  	s0 =	sld [smem:$0x3F8A];
	_ =	swait.ge [sflag:s4], $0x0  }
0x19: {  	s7 =	sld [smem:$0x3F8B]  }
0x1a: {  	s8 =	sadd.s32 $0xFFFFE003, lr  }
0x1b: {  	s9 =	sadd.s32 $0xFFFFFEF7, lr;
	s5 =	simm.s32 $0xFFFFFFFF;
	p2 =	slt.u32 s8, $0xFFFFF086  }
0x1c: {  	p1 =	slt.u32 s9, $0xF7A;
	s5 =	simm.s32 @!p2 $0x0  }
0x1d: {  	s5 =	simm.s32 @p1 $0x1;
	p0 =	seq.s32 s7, s2  }
0x1e: {  	s7 =	smul.u32 @!p0 $0xF7A, s2;
	p2 =	seq.s32 @!p0 s5, $0x0  }
0x1f: {  	s9 =	smul.u32 $0xF7A, s1;
	s8 =	simm.s32 @!p0 $0x1BF5;
	p2 =	por !p2, p0  }
0x20: {  	[sflag:s8] =	ssyncset.s32 @!p0 $0xFFFFF086;
	s6 =	sadd.s32 @!p0 s3, s7;
	s7 =	simm.s32 @!p0 $0x108  }
0x21: {  	s3 =	sadd.s32 s3, s9;
	s6 =	sadd.s32 @!p0 $0x88, s6;
	s7 =	simm.s32 @p2 $0x1082  }
0x22: {  	[simem:s7], [sflag:s8] =	dma.local @!p0 [hbm:s6], $0xF7A  }
0x23: {  	s9 =	sor.u32 $0xD0000000, s2;
	s6 =	simm.s32 $0x108;
	_ =	swait.ge @!p0 [sflag:s8], $0x0  }
0x24: {  	s3 =	sadd.s32 $0x88, s3;
	s6 =	simm.s32 @!p1 $0x1082;
	[sflag:s4] =	ssyncset.s32 $0xFFFFF086  }
0x25: {  	[simem:s6], [sflag:s4] =	dma.local [hbm:s3], $0xF7A  }
0x26: {  	[smem:$0x3F8B] =	sst s1;
	(tag) =	ssettag s2;
	_ =	strace s9  }
0x27: {  	s1 =	sld [smem:$0x3F9B]  }
0x28: {  	s2 =	sld [smem:$0x3F9C]  }
0x29: {  	s4 =	sld [smem:$0x3F9E]  }
0x2a: {  	p0 =	seq.s32 s5, $0x0;
	s5 =	sld [smem:$0x3F9F]  }
0x2b: {  	s6 =	sld [smem:$0x3FA0]  }
0x2c: {  	s7 =	sld [smem:$0x3FA1]  }
0x2d: {  	s3 =	simm.s32 $0x108;
	s8 =	sld [smem:$0x3FA2]  }
0x2e: {  	s3 =	simm.s32 @!p0 $0x1082;
	s9 =	sld [smem:$0x3FA3]  }
0x2f: {  	lr =	sadd.s32 s0, s3;
	s0 =	sld [smem:$0x3F9A]  }
0x30: {  	s3 =	sld [smem:$0x3F9D]  }
0x31: {  	[smem:$0x3FA6] =	sst s10  }
0x32: {  	s10 =	sld [smem:$0x3FA4];
	_ =	sdelay $0x3  }
0x33: {  	p0 =	seq.s32 s10, $0x1;
	s10 =	sld [smem:$0x3FA6];
	_ =	sdelay $0x3  }
0x34: {  	[smem:$0x3FA6] =	sst s10  }
0x35: {  	s10 =	sld [smem:$0x3FA5];
	_ =	sdelay $0x3  }
0x36: {  	p1 =	seq.s32 s10, $0x1;
	s10 =	sld [smem:$0x3FA6];
	_ =	sdelay $0x3  }
0x37: {  	[smem:$0x3FA6] =	sst s10  }
0x38: {  	s10 =	sld [smem:$0x3FA7]  }
0x39: {  	_ = 	snop;
	(pc) =	sbr.ind lr, $3  }
0x3a: {  	_ = 	snop  }
0x3b: {  	_ = 	snop  }
0x3c: {  	p2 =	seq.s32 s10, $0x1;
	s10 =	sld [smem:$0x3FA6]  }
0x3d: {  	_ =	shalt  }
0x3e: {  	_ =	shalt  }
0x3f: {  	_ =	shalt  }
0x40: {  	_ =	shalt  }
0x41: {  	_ =	shalt  }
0x42: {  	_ =	shalt  }
0x43: {  	_ =	shalt  }
0x44: {  	_ =	shalt  }
0x45: {  	_ =	shalt  }
0x46: {  	_ =	shalt  }
0x47: {  	_ =	shalt  }
0x48: {  	_ =	shalt  }
0x49: {  	_ =	shalt  }
0x4a: {  	_ =	shalt  }
0x4b: {  	_ =	shalt  }
0x4c: {  	_ =	shalt  }
0x4d: {  	_ =	shalt  }
0x4e: {  	_ =	shalt  }
0x4f: {  	_ =	shalt  }
0x50: {  	_ =	shalt  }
0x51: {  	_ =	shalt  }
0x52: {  	_ =	shalt  }
0x53: {  	_ =	shalt  }
0x54: {  	_ =	shalt  }
0x55: {  	_ =	shalt  }
0x56: {  	_ =	shalt  }
0x57: {  	_ =	shalt  }
0x58: {  	_ =	shalt  }
0x59: {  	_ =	shalt  }
0x5a: {  	_ =	shalt  }
0x5b: {  	_ =	shalt  }
0x5c: {  	_ =	shalt  }
0x5d: {  	_ =	shalt  }
0x5e: {  	_ =	shalt  }
0x5f: {  	_ =	shalt  }
0x60: {  	_ =	shalt  }
0x61: {  	_ =	shalt  }
0x62: {  	_ =	shalt  }
0x63: {  	_ =	shalt  }
0x64: {  	_ =	shalt  }
0x65: {  	_ =	shalt  }
0x66: {  	_ =	shalt  }
0x67: {  	_ =	shalt  }
0x68: {  	_ =	shalt  }
0x69: {  	_ =	shalt  }
0x6a: {  	_ =	shalt  }
0x6b: {  	_ =	shalt  }
0x6c: {  	_ =	shalt  }
0x6d: {  	_ =	shalt  }
0x6e: {  	_ =	shalt  }
0x6f: {  	_ =	shalt  }
0x70: {  	_ =	shalt  }
0x71: {  	_ =	shalt  }
0x72: {  	_ =	shalt  }
0x73: {  	_ =	shalt  }
0x74: {  	_ =	shalt  }
0x75: {  	_ =	shalt  }
0x76: {  	_ =	shalt  }
0x77: {  	_ =	shalt  }
0x78: {  	_ =	shalt  }
0x79: {  	_ =	shalt  }
0x7a: {  	_ =	shalt  }
0x7b: {  	_ =	shalt  }
0x7c: {  	_ =	shalt  }
0x7d: {  	_ =	shalt  }
0x7e: {  	_ =	shalt  }
0x7f: {  	_ =	shalt  }
0x80: {  	_ =	shalt  }
0x81: {  	_ =	shalt  }
0x82: {  	_ =	shalt  }
0x83: {  	_ =	shalt  }
0x84: {  	_ =	shalt  }
0x85: {  	_ =	shalt  }
0x86: {  	_ =	shalt  }
0x87: {  	_ =	shalt  }
.Lfunc_end0:
.L_simem_size_0:
called_computation.3_lowered:
.L_overlay_start_0:
0x88: {  	s2 =	sld [smem:$0x3FD9]  }
0x89: {  	s3 =	sld [smem:$0x3FFE];
	_ =	sdelay $0x1  }
0x8a: {  	s1 =	srdreg.scid  }
0x8b: {  	s0 =	sand.u32 $0x1, s1  }
0x8c: {  	s16 =	sshll.u32 s0, $0xA;
	s2 =	sadd.s32 s3, s2  }
0x8d: {  	s2 =	sadd.s32 s2, s16  }
0x8e: {  	[smem:$0x3FB2] =	sst s2  }
0x8f: {  	_ = 	snop  }
0x90: {  	(tm) =	ssettm $0x1  }
0x91: {  	s17 =	sld [smem:$0x3FFB];
	_ =	sdelay $0x3  }
0x92: {  	_ =	strace s17  }
0x93: {  	s2 =	sld [smem:$0x3FFC];
	_ =	sdelay $0x3  }
0x94: {  	_ =	strace s2  }
0x95: {  	s2 =	sld [smem:$0x3FFD];
	_ =	sdelay $0x3  }
0x96: {  	_ =	strace s2  }
0x97: {  	_ =	strace $0x8FFFFFFF  }
0x98: {  	s18 =	sld [smem:$0x3FDB];
	_ =	sdelay $0x1  }
0x99: {  	s19 =	simm.s32 $_scs_section_size  }
0x9a: {  	s4 =	simm.s32 $_size__tile_overlayer_lowered;
	s5 =	simm.s32 $_tile_overlayer_lowered  }
0x9b: {  	s22 =	simm.s32 $0x1BFF;
	s21 =	sshll.u32 s5, $0x1;
	s2 =	sadd.s32 s19, s18  }
0x9c: {  	s6 =	simm.s32 $0x0;
	s20 =	sshll.u32 s4, $0x1;
	s4 =	sadd.s32 s21, s2  }
0x9d: {  	[timem:s6], [sflag:s22] =	dma.local [hbm:s4], s20  }
0x9e: {  	_ =	swait.ge [sflag:s22], s20  }
0x9f: {  	s3 =	ssub.s32 $0x0, s20;
	[sflag:s22] =	ssyncset.done $0x0  }
0xa0: {  	[sflag:s22] =	ssyncadd.s32 s3;
	_ =	sdelay $0x1  }
0xa1: {  	s23 =	simm.s32 $0x1B8B  }
0xa2: {  	_ =	swait.ge [sflag:s23], $0x1  }
0xa3: {  	[sflag:s23] =	ssyncset.done $0x0  }
0xa4: {  	s25 =	simm.s32 $0x1B8E;
	s24 =	sld [smem:$0x3FFE];
	[sflag:s23] =	ssyncadd.s32 $0xFFFFFFFF  }
0xa5: {  	s26 =	simm.s32 $execute0_lowered;
	[smem:$0x3FD2] =	sst s25  }
0xa6: {  	s4 =	sshll.u32 s26, $0x1;
	_ =	strace $0x8000004F;
	[dreg:$0x1] =	wrdreg $0xFFFFFFFF  }
0xa7: {  	s28 =	simm.s32 $_size_execute0_lowered;
	s2 =	sadd.s32 s2, s4;
	[dreg:$0x0] =	wrdreg $0x0  }
0xa8: {  	s4 =	sshll.u32 s28, $0x1;
	[dreg:$0x2] =	wrdreg s2  }
0xa9: {  	[dreg:$0x3] =	wrdreg s4  }
0xaa: {  	[dreg:$0x4] =	wrdreg $0xC0  }
0xab: {  	_ =	task [dreg:s6], $0x5FFFF  }
0xac: {  	[dreg:$0x1] =	wrdreg $0xFFFFFFFF  }
0xad: {  	[dreg:$0x0] =	wrdreg $0x60  }
0xae: {  	[dreg:$0x2] =	wrdreg s24  }
0xaf: {  	[dreg:$0x3] =	wrdreg $0x92800  }
0xb0: {  	[dreg:$0x4] =	wrdreg $0x192800  }
0xb1: {  	[dreg:$0x5] =	wrdreg $0x9  }
0xb2: {  	_ =	task.clear_ibuf [dreg:s6], $0x6FFFF;
	_ =	strace $0x9000004F  }
0xb3: {  	s29 =	simm.s32 $0x9;
	_ =	strace $0x80000051  }
0xb4: {  	_ =	swait.ge [sflag:s29], $0x1  }
0xb5: {  	[sflag:s29] =	ssyncadd.s32 $0xFFFFFFFF  }
0xb6: {  	_ =	strace $0x90000051  }
0xb7: {  	_ =	sfence  }
0xb8: {  	s30 =	sld [smem:$0x0];
	_ =	sdelay $0x2  }
0xb9: {  	s31 =	sshll.u32 s1, $0xD;
	s1 =	sshrl.u32 s1, $0x2  }
0xba: {  	s3 =	sand.u32 $0x4000, s31;
	s1 =	sadd.s32 s1, s30  }
0xbb: {  	s0 =	sor.u32 s3, s0;
	s1 =	sshll.u32 s1, $0x11  }
0xbc: {  	s0 =	sor.u32 s1, s0  }
0xbd: {  	s0 =	sadd.s32 $0x8F2B, s0  }
0xbe: {  	[sflag:s0] =	ssyncadd.remote.s32 $0x1  }
0xbf: {  	_ =	sfence.sel $0xFFFF  }
0xc0: {  	[dreg:$0x0] =	wrdreg $0xFFFFFFFF;
	(pc) =	sbr.abs _section_cstart, $3  }
0xc1: {  	[dreg:$0x1] =	wrdreg $0xFFFFFFFF  }
0xc2: {  	_ =	task.clear_ibuf [dreg:s6], $0x2FFFF;
	_ =	strace $0x9FFFFFFF  }
0xc3: {  	(tm) =	ssettm $0x7FFFFFFF  }
tec
execute0_lowered:
.L_overlay_start_1:
0x0: {  	(tag) =	ssettag $0x1  }
0x1: {  	s6 =	rddreg [dreg:$0x0]  }
0x2: {  	s0 =	srdreg.scid;
	s2 =	rddreg [dreg:$0x1]  }
0x3: {  	s21 =	stileid.u32;
	s3 =	rddreg [dreg:$0x2]  }
0x4: {  	s4 =	simm.s32 $0x0;
	s28 =	simm.s32 $0x1;
	s29 =	simm.s32 $0x9000  }
0x5: {  	s7 =	sand.u32 $0x1, s0;
	[smem:$0x7FF] =	sst s4;
	s17 =	sshll.u32 s21, $0x9  }
0x6: {  	s12 =	sshll.u32 s21, $0x10;
	s24 =	sshll.u32 s21, $0xD;
	s1 =	sshll.u32 s7, $0x4  }
0x7: {  	_ =	strace $0x80000050;
	s8 =	sshll.u32 s7, $0x11;
	s10 =	sshll.u32 s7, $0xD  }
0x8: {  	s7 =	ssub.s32 $0x2, s7;
	s16 =	sor.u32 $0x80, s17;
	s20 =	sor.u32 $0x100, s17  }
0x9: {  	s30 =	sor.u32 $0x180, s17;
	s5 =	sor.u32 s21, s1;
	s11 =	sadd.s32 s8, s6  }
0xa: {  	s22 =	sor.u32 s17, s10;
	s23 =	sshrl.u32 s7, $0x1;
	s19 =	sshll.u32 s16, $0x7  }
0xb: {  	s16 =	sshll.u32 s16, $0x4;
	s25 =	sshll.u32 s20, $0x7;
	s26 =	sshll.u32 s20, $0x4  }
0xc: {  	s31 =	sshll.u32 s30, $0x7;
	s20 =	sshll.u32 s30, $0x4;
	s21 =	simm.s32 $0x9080  }
0xd: {  	s5 =	smul.u32 $0x500, s5;
	s8 =	sshrl.u32 s22, $0x3;
	s14 =	ssub.s32 s7, s23  }
0xe: {  	s7 =	sadd.s32 s17, s3;
	s18 =	sadd.s32 $0xC2A00, s11;
	s23 =	sadd.s32 s19, s2  }
0xf: {  	s19 =	simm.s32 $0x5000;
	s22 =	simm.s32 $0x2800;
	s13 =	sadd.s32 s8, s6  }
0x10: {  	s11 =	sadd.s32 s24, s18;
	s16 =	sadd.s32 s16, s18;
	s24 =	sadd.s32 s25, s2  }
0x11: {  	s17 =	sadd.s32 s26, s18;
	s25 =	sadd.s32 s31, s2;
	s18 =	sadd.s32 s20, s18  }
0x12: {  	s20 =	simm.s32 $0x2;
	s23 =	sshrl.u32 s23, $0x3;
	s26 =	simm.s32 $0x80  }
0x13: {  	s9 =	sadd.s32 s5, s6;
	s5 =	sadd.s32 $0x82200, s6;
	s6 =	sadd.s32 s12, s2  }
0x14: {  	s10 =	sadd.s32 $0xC2200, s13;
	s12 =	smax.u32 s14, $0x1;
	s24 =	sshrl.u32 s24, $0x3  }
0x15: {  	s25 =	sshrl.u32 s25, $0x3;
	s8 =	sadd.s32 $0x6E200, s9;
	s9 =	sadd.s32 $0x78200, s9  }
0x16: {  	v0 =	vimm.f32 $0.0e+00;
	v1 =	vimm.f32 $1.000000000e+00;
	s13 =	sadd.s32 $0x4000, s6;
	s14 =	sadd.s32 $0x8000, s6;
	s15 =	sadd.s32 $0xC000, s6  }
.LBB2_1:
0x17: {  	s30 =	simm.s32 $0x0;
	s31 =	simm.s32 $0x200  }
.LBB2_2:
0x18: {  	p0 =	sne.s32 s31, $0xFE00;
	[tilespmem:s30+$0x5070] =	vst v0  }
0x19: {  	[tilespmem:s30+$0x5000] =	vst v0  }
0x1a: {  	[tilespmem:s30+$0x5010] =	vst v0  }
.Ltmp0:
0x1b: {  	[tilespmem:s30+$0x5020] =	vst v0;
	(pc) =	sbr.rel @p0 .LBB2_2-.Ltmp0, $4  }
0x1c: {  	[tilespmem:s30+$0x5030] =	vst v0  }
0x1d: {  	[tilespmem:s30+$0x5040] =	vst v0  }
0x1e: {  	[tilespmem:s30+$0x5050] =	vst v0  }
0x1f: {  	[tilespmem:s30+$0x5060] =	vst v0;
	s30 =	sshra.s32 s31, $0x2;
	s31 =	sadd.s32 $0x200, s31  }
0x20: {  	[tilespmem:s30+$0x5070] =	vst v0  }
0x21: {  	[tilespmem:s30+$0x5000] =	vst v0  }
0x22: {  	[tilespmem:s30+$0x5010] =	vst v0  }
0x23: {  	[tilespmem:s30+$0x5020] =	vst v0  }
0x24: {  	[tilespmem:s30+$0x5030] =	vst v0  }
0x25: {  	[tilespmem:s30+$0x5040] =	vst v0  }
0x26: {  	[tilespmem:s30+$0x5050] =	vst v0  }
0x27: {  	[tilespmem:s30+$0x5060] =	vst v0  }
0x28: {  	[tilespmem:$0x9000] =	vst v1  }
0x29: {  	[tilespmem:$0x9010] =	vst v1  }
0x2a: {  	[tilespmem:$0x9020] =	vst v1  }
0x2b: {  	[tilespmem:$0x9030] =	vst v1  }
0x2c: {  	[tilespmem:$0x9040] =	vst v1  }
0x2d: {  	[tilespmem:$0x9050] =	vst v1  }
0x2e: {  	[tilespmem:$0x9060] =	vst v1  }
0x2f: {  	[tilespmem:$0x9070] =	vst v1  }
0x30: {  	[tilespmem:$0x9080] =	vst v0  }
0x31: {  	[tilespmem:$0x9090] =	vst v0  }
0x32: {  	[tilespmem:$0x90A0] =	vst v0  }
0x33: {  	[tilespmem:$0x90B0] =	vst v0  }
0x34: {  	[tilespmem:$0x90C0] =	vst v0  }
0x35: {  	[tilespmem:$0x90D0] =	vst v0  }
0x36: {  	[tilespmem:$0x90E0] =	vst v0  }
0x37: {  	[tilespmem:$0x90F0] =	vst v0  }
0x38: {  	[tilespmem:$0x9100] =	vst v0  }
0x39: {  	[tilespmem:$0x9110] =	vst v0  }
0x3a: {  	[tilespmem:$0x9120] =	vst v0  }
0x3b: {  	[tilespmem:$0x9130] =	vst v0  }
0x3c: {  	[tilespmem:$0x9140] =	vst v0  }
0x3d: {  	[tilespmem:$0x9150] =	vst v0  }
0x3e: {  	[tilespmem:$0x9160] =	vst v0  }
0x3f: {  	[tilespmem:$0x9170] =	vst v0  }
0x40: {  	[tilespmem:$0x9180] =	vst v0  }
0x41: {  	[tilespmem:$0x9190] =	vst v0  }
0x42: {  	[tilespmem:$0x91A0] =	vst v0  }
0x43: {  	[tilespmem:$0x91B0] =	vst v0  }
0x44: {  	[tilespmem:$0x91C0] =	vst v0  }
0x45: {  	[tilespmem:$0x91D0] =	vst v0  }
0x46: {  	[tilespmem:$0x91E0] =	vst v0  }
0x47: {  	[tilespmem:$0x91F0] =	vst v0  }
0x48: {  	[tilespmem:$0x9200] =	vst v0  }
0x49: {  	[tilespmem:$0x9210] =	vst v0  }
0x4a: {  	[tilespmem:$0x9220] =	vst v0  }
0x4b: {  	[tilespmem:$0x9230] =	vst v0  }
0x4c: {  	[tilespmem:$0x9240] =	vst v0  }
0x4d: {  	[tilespmem:$0x9250] =	vst v0  }
0x4e: {  	[tilespmem:$0x9260] =	vst v0  }
0x4f: {  	[tilespmem:$0x9270] =	vst v0  }
0x50: {  	[spmem:s6] =	stream.linear.scatter [tilespmem:s19], [sflag:$0x2], $0x4000, $0x38;
	[tilespmem:$0x19480] =	vst v63  }
0x51: {  	_ =	swait.ge [sflag:s20], $0x4000  }
0x52: {  	[sflag:s20] =	ssyncset.done $0x0  }
0x53: {  	[sflag:s20] =	ssyncadd.s32 $0xFFFFC000  }
0x54: {  	[spmem:s13] =	stream.linear.scatter [tilespmem:s19], [sflag:$0x2], $0x4000, $0x38;
	[tilespmem:$0x19480] =	vst v63  }
0x55: {  	_ =	swait.ge [sflag:s20], $0x4000  }
0x56: {  	[sflag:s20] =	ssyncset.done $0x0  }
0x57: {  	[sflag:s20] =	ssyncadd.s32 $0xFFFFC000  }
0x58: {  	[spmem:s14] =	stream.linear.scatter [tilespmem:s19], [sflag:$0x2], $0x4000, $0x38;
	[tilespmem:$0x19480] =	vst v63  }
0x59: {  	_ =	swait.ge [sflag:s20], $0x4000  }
0x5a: {  	[sflag:s20] =	ssyncset.done $0x0  }
0x5b: {  	[sflag:s20] =	ssyncadd.s32 $0xFFFFC000  }
0x5c: {  	[spmem:s15] =	stream.linear.scatter [tilespmem:s19], [sflag:$0x2], $0x4000, $0x38;
	[tilespmem:$0x19480] =	vst v63  }
0x5d: {  	_ =	swait.ge [sflag:s20], $0x4000  }
0x5e: {  	[sflag:s20] =	ssyncset.done $0x0  }
0x5f: {  	[sflag:s20] =	ssyncadd.s32 $0xFFFFC000  }
0x60: {  	[spmem:s7] =	stream.linear.scatter [tilespmem:s21], [sflag:$0x2], $0x200, $0x38;
	[tilespmem:$0x19480] =	vst v63  }
0x61: {  	_ =	swait.ge [sflag:s20], $0x200  }
0x62: {  	[sflag:s20] =	ssyncset.done $0x0  }
0x63: {  	[sflag:s20] =	ssyncadd.s32 $0xFFFFFE00  }
0x64: {  	s30 =	simm.s32 $0x0;
	[bflag:$0x0] =	sbarrier.arrive $0xFFFF  }
0x65: {  	[tilespmem:s30], [sflag:$0x2] =	stream.linear.gather [hbm4b:s8+s30], $0x2780, $0x38;
	[tilespmem:$0x19480] =	vst v63  }
0x66: {  	_ =	swait.ge [sflag:s20], $0x2780  }
0x67: {  	[sflag:s20] =	ssyncset.done $0x0  }
0x68: {  	[sflag:s20] =	ssyncadd.s32 $0xFFFFD880  }
0x69: {  	[tilespmem:s22], [sflag:$0x2] =	stream.linear.gather [hbm4b:s9+s30], $0x2780, $0x38;
	[tilespmem:$0x19480] =	vst v63  }
0x6a: {  	_ =	swait.ge [sflag:s20], $0x2780  }
0x6b: {  	[sflag:s20] =	ssyncset.done $0x0  }
0x6c: {  	s30 =	simm.s32 $0x0;
	[sflag:s20] =	ssyncadd.s32 $0xFFFFD880  }
0x6d: {  	[tilespmem:s19], [sflag:$0x1] =	stream.indirect.gather [hbm4b:s5+s26], $0x80, s30, s26, $0xb8;
	[tilespmem:$0x19480] =	vst v63  }
0x6e: {  	_ =	swait.ge [sflag:s28], $0x4000  }
0x6f: {  	[sflag:s28] =	ssyncset.done $0x0  }
0x70: {  	s30 =	simm.s32 $0x2800;
	[sflag:s28] =	ssyncadd.s32 $0xFFFFC000  }
0x71: {  	[spmem:s2] =	stream.indirect.scatter.add.f32 [tilespmem:s19], [sflag:$0x2], $0x80, s30, s26, $0xb8;
	[tilespmem:$0x19480] =	vst v63  }
0x72: {  	_ =	swait.ge [sflag:s20], $0x4000  }
0x73: {  	[sflag:s20] =	ssyncset.done $0x0  }
0x74: {  	[sflag:s20] =	ssyncadd.s32 $0xFFFFC000  }
0x75: {  	[spmem:s3] =	stream.indirect.scatter.add.f32 [tilespmem:s29], [sflag:$0x2], $0x1, s30, s26, $0xb8;
	[tilespmem:$0x19480] =	vst v63  }
0x76: {  	_ =	swait.ge [sflag:s20], $0x80  }
0x77: {  	s31 =	simm.s32 $0x400;
	s30 =	simm.s32 $0x200;
	[sflag:s20] =	ssyncset.done $0x0  }
.LBB2_4:
0x78: {  	s1 =	sshra.s32 s30, $0x2  }
0x79: {  	[sflag:s20] =	ssyncadd.s32 $0xFFFFFF80;
	s30 =	smov.u32 s31;
	s0 =	sadd.s32 $0x200, s31  }
0x7a: {  	[tilespmem:s19], [sflag:$0x1] =	stream.indirect.gather [hbm4b:s5+s26], $0x80, s1, s26, $0xb8;
	[tilespmem:$0x19480] =	vst v63  }
0x7b: {  	p0 =	sne.s32 s31, $0x9C00;
	_ =	swait.ge [sflag:s28], $0x4000  }
0x7c: {  	[sflag:s28] =	ssyncset.done $0x0  }
0x7d: {  	s1 =	sadd.s32 $0x2800, s1;
	[sflag:s28] =	ssyncadd.s32 $0xFFFFC000  }
0x7e: {  	[spmem:s2] =	stream.indirect.scatter.add.f32 [tilespmem:s19], [sflag:$0x2], $0x80, s1, s26, $0xb8;
	[tilespmem:$0x19480] =	vst v63  }
0x7f: {  	_ =	swait.ge [sflag:s20], $0x4000  }
.Ltmp1:
0x80: {  	[sflag:s20] =	ssyncset.done $0x0;
	(pc) =	sbr.rel @p0 .LBB2_4-.Ltmp1, $4  }
0x81: {  	[sflag:s20] =	ssyncadd.s32 $0xFFFFC000  }
0x82: {  	[spmem:s3] =	stream.indirect.scatter.add.f32 [tilespmem:s29], [sflag:$0x2], $0x1, s1, s26, $0xb8;
	[tilespmem:$0x19480] =	vst v63  }
0x83: {  	_ =	swait.ge [sflag:s20], $0x80  }
0x84: {  	s31 =	smov.u32 s0;
	[sflag:s20] =	ssyncset.done $0x0  }
0x85: {  	s0 =	sshra.s32 s30, $0x2;
	[sflag:s20] =	ssyncadd.s32 $0xFFFFFF80  }
0x86: {  	[tilespmem:s19], [sflag:$0x1] =	stream.indirect.gather [hbm4b:s5+s26], $0x80, s0, s26, $0xb8;
	[tilespmem:$0x19480] =	vst v63  }
0x87: {  	_ =	swait.ge [sflag:s28], $0x4000  }
0x88: {  	[sflag:s28] =	ssyncset.done $0x0  }
0x89: {  	s0 =	sadd.s32 $0x2800, s0;
	[sflag:s28] =	ssyncadd.s32 $0xFFFFC000  }
0x8a: {  	[spmem:s2] =	stream.indirect.scatter.add.f32 [tilespmem:s19], [sflag:$0x2], $0x80, s0, s26, $0xb8;
	[tilespmem:$0x19480] =	vst v63  }
0x8b: {  	_ =	swait.ge [sflag:s20], $0x4000  }
0x8c: {  	[sflag:s20] =	ssyncset.done $0x0  }
0x8d: {  	[sflag:s20] =	ssyncadd.s32 $0xFFFFC000  }
0x8e: {  	[spmem:s3] =	stream.indirect.scatter.add.f32 [tilespmem:s29], [sflag:$0x2], $0x1, s0, s26, $0xb8;
	[tilespmem:$0x19480] =	vst v63  }
0x8f: {  	_ =	swait.ge [sflag:s20], $0x80  }
0x90: {  	s30 =	stileid.u32;
	[sflag:s20] =	ssyncset.done $0x0  }
0x91: {  	s0 =	sshll.u32 s30, $0x6;
	[sflag:s20] =	ssyncadd.s32 $0xFFFFFF80  }
0x92: {  	s1 =	sshrl.u32 s6, $0x3;
	s0 =	sor.u32 $0x1C02, s0;
	[bflag:$0x0] =	sbarrier.arrive $0xFFFF  }
0x93: {  	[hbm:s11], [sflag:s0] =	dma.local [spmem:s1], $0x800  }
0x94: {  	_ =	swait.ge [sflag:s20], $0x800  }
0x95: {  	[sflag:s20] =	ssyncset.done $0x0  }
0x96: {  	[sflag:s20] =	ssyncadd.s32 $0xFFFFF800  }
0x97: {  	[hbm:s16], [sflag:s0] =	dma.local [spmem:s23], $0x800  }
0x98: {  	_ =	swait.ge [sflag:s20], $0x800  }
0x99: {  	[sflag:s20] =	ssyncset.done $0x0  }
0x9a: {  	[sflag:s20] =	ssyncadd.s32 $0xFFFFF800  }
0x9b: {  	[hbm:s17], [sflag:s0] =	dma.local [spmem:s24], $0x800  }
0x9c: {  	_ =	swait.ge [sflag:s20], $0x800  }
0x9d: {  	[sflag:s20] =	ssyncset.done $0x0  }
0x9e: {  	[sflag:s20] =	ssyncadd.s32 $0xFFFFF800  }
0x9f: {  	[hbm:s18], [sflag:s0] =	dma.local [spmem:s25], $0x800  }
0xa0: {  	s4 =	sadd.s32 $0x1, s4;
	_ =	swait.ge [sflag:s20], $0x800  }
0xa1: {  	p0 =	sne.s32 s4, s12;
	[sflag:s20] =	ssyncset.done $0x0  }
.Ltmp2:
0xa2: {  	s31 =	sshrl.u32 s7, $0x3;
	[sflag:s20] =	ssyncadd.s32 $0xFFFFF800;
	(pc) =	sbr.rel @p0 .LBB2_1-.Ltmp2, $4  }
0xa3: {  	[hbm:s10], [sflag:s0] =	dma.local [spmem:s31], $0x40  }
0xa4: {  	_ =	swait.ge [sflag:s20], $0x40  }
0xa5: {  	[sflag:s20] =	ssyncset.done $0x0  }
0xa6: {  	[sflag:s20] =	ssyncadd.s32 $0xFFFFFFC0  }
0xa7: {  	_ =	sfence.sel $0x180000  }
0xa8: {  	[bflag:$0x0] =	sbarrier.arrive $0xFFFF  }
0xa9: {  	_ =	strace $0x90000050  }
0xaa: {  	s0 =	stileid.u32;
	[bflag:$0x2] =	sbarrier.arrive $0xFFFF  }
0xab: {  	p0 =	sne.s32 s0, $0x0;
	s0 =	rddreg [dreg:$0x3]  }
0xac: {  	s0 =	sadd.s32 @!p0 $0x100000, s0  }
0xad: {  	[sflag:s0] =	ssyncadd.tile.s32 @!p0 $0x1;
	_ =	shalt  }
.Lfunc_end2:
_tile_overlayer_lowered:
.L_overlay_start_2:
0xae: {  	(tag) =	ssettag $0x2  }
0xaf: {  	s0 =	rddreg [dreg:$0x0];
	s2 =	stileid.u32  }
0xb0: {  	s1 =	rddreg [dreg:$0x1];
	p0 =	sne.s32 s2, $0x0  }
0xb1: {  	s3 =	rddreg [dreg:$0x2];
	[bflag:$0x3] =	sbarrier.arrive $0xFFFF;
	s2 =	simm.s32 @!p0 $0x1C02  }
0xb2: {  	[timem:s3], [sflag:s2] =	dma.local @!p0 [hbm:s0], s1  }
0xb3: {  	s0 =	simm.s32 @!p0 $0x2  }
0xb4: {  	_ =	swait.ge @!p0 [sflag:s0], s1  }
0xb5: {  	s1 =	ssub.s32 @!p0 $0x0, s1;
	[sflag:s0] =	ssyncset.done @!p0 $0x0  }
0xb6: {  	[sflag:s0] =	ssyncadd.s32 @!p0 s1  }
0xb7: {  	[bflag:$0x3] =	sbarrier.arrive $0xFFFF  }
0xb8: {  	_ =	shalt  }

// kernel: kernel.26.cloned.1.call-start
scs
__scs_entry_jumppad:
0x0: {  	(pc) =	sbr.rel $0x88, $3  }
0x1: {  	(tag) =	ssettag $0x0;
	lr =	simm.s32 $0x1  }
0x2: {  	[smem:$0x3F8B] =	sst lr;
	_ =	strace $0xD0000000  }
0x3: {  	_ = 	snop  }
0x4: {  	_ = 	snop  }
0x5: {  	_ = 	snop  }
0x6: {  	_ = 	snop  }
0x7: {  	_ = 	snop  }
__scs_overlays_trampoline_lowered:
0x8: {  	[smem:$0x3F9A] =	sst s0  }
0x9: {  	[smem:$0x3F9B] =	sst s1  }
0xa: {  	[smem:$0x3F9C] =	sst s2  }
0xb: {  	[smem:$0x3F9D] =	sst s3  }
0xc: {  	[smem:$0x3F9E] =	sst s4  }
0xd: {  	[smem:$0x3F9F] =	sst s5  }
0xe: {  	[smem:$0x3FA0] =	sst s6  }
0xf: {  	[smem:$0x3FA1] =	sst s7  }
0x10: {  	[smem:$0x3FA2] =	sst s8  }
0x11: {  	[smem:$0x3FA3] =	sst s9;
	s0 =	simm.s32 @!p0 $0x0  }
0x12: {  	s1 =	sld [smem:$0x3F89];
	s0 =	simm.s32 @p0 $0x1  }
0x13: {  	[smem:$0x3FA4] =	sst s0;
	s0 =	simm.s32 @!p1 $0x0  }
0x14: {  	s2 =	sld [smem:$0x3F88];
	s0 =	simm.s32 @p1 $0x1  }
0x15: {  	[smem:$0x3FA5] =	sst s0;
	s0 =	simm.s32 @!p2 $0x0  }
0x16: {  	s3 =	sld [smem:$0x3FDB];
	s0 =	simm.s32 @p2 $0x1  }
0x17: {  	s4 =	simm.s32 $0x1BF5;
	[smem:$0x3FA7] =	sst s0  }
0x18: {  	s0 =	sld [smem:$0x3F8A];
	_ =	swait.ge [sflag:s4], $0x0  }
0x19: {  	s7 =	sld [smem:$0x3F8B]  }
0x1a: {  	s8 =	sadd.s32 $0xFFFFE003, lr  }
0x1b: {  	s9 =	sadd.s32 $0xFFFFFEF7, lr;
	s5 =	simm.s32 $0xFFFFFFFF;
	p2 =	slt.u32 s8, $0xFFFFF086  }
0x1c: {  	p1 =	slt.u32 s9, $0xF7A;
	s5 =	simm.s32 @!p2 $0x0  }
0x1d: {  	s5 =	simm.s32 @p1 $0x1;
	p0 =	seq.s32 s7, s2  }
0x1e: {  	s7 =	smul.u32 @!p0 $0xF7A, s2;
	p2 =	seq.s32 @!p0 s5, $0x0  }
0x1f: {  	s9 =	smul.u32 $0xF7A, s1;
	s8 =	simm.s32 @!p0 $0x1BF5;
	p2 =	por !p2, p0  }
0x20: {  	[sflag:s8] =	ssyncset.s32 @!p0 $0xFFFFF086;
	s6 =	sadd.s32 @!p0 s3, s7;
	s7 =	simm.s32 @!p0 $0x108  }
0x21: {  	s3 =	sadd.s32 s3, s9;
	s6 =	sadd.s32 @!p0 $0x88, s6;
	s7 =	simm.s32 @p2 $0x1082  }
0x22: {  	[simem:s7], [sflag:s8] =	dma.local @!p0 [hbm:s6], $0xF7A  }
0x23: {  	s9 =	sor.u32 $0xD0000000, s2;
	s6 =	simm.s32 $0x108;
	_ =	swait.ge @!p0 [sflag:s8], $0x0  }
0x24: {  	s3 =	sadd.s32 $0x88, s3;
	s6 =	simm.s32 @!p1 $0x1082;
	[sflag:s4] =	ssyncset.s32 $0xFFFFF086  }
0x25: {  	[simem:s6], [sflag:s4] =	dma.local [hbm:s3], $0xF7A  }
0x26: {  	[smem:$0x3F8B] =	sst s1;
	(tag) =	ssettag s2;
	_ =	strace s9  }
0x27: {  	s1 =	sld [smem:$0x3F9B]  }
0x28: {  	s2 =	sld [smem:$0x3F9C]  }
0x29: {  	s4 =	sld [smem:$0x3F9E]  }
0x2a: {  	p0 =	seq.s32 s5, $0x0;
	s5 =	sld [smem:$0x3F9F]  }
0x2b: {  	s6 =	sld [smem:$0x3FA0]  }
0x2c: {  	s7 =	sld [smem:$0x3FA1]  }
0x2d: {  	s3 =	simm.s32 $0x108;
	s8 =	sld [smem:$0x3FA2]  }
0x2e: {  	s3 =	simm.s32 @!p0 $0x1082;
	s9 =	sld [smem:$0x3FA3]  }
0x2f: {  	lr =	sadd.s32 s0, s3;
	s0 =	sld [smem:$0x3F9A]  }
0x30: {  	s3 =	sld [smem:$0x3F9D]  }
0x31: {  	[smem:$0x3FA6] =	sst s10  }
0x32: {  	s10 =	sld [smem:$0x3FA4];
	_ =	sdelay $0x3  }
0x33: {  	p0 =	seq.s32 s10, $0x1;
	s10 =	sld [smem:$0x3FA6];
	_ =	sdelay $0x3  }
0x34: {  	[smem:$0x3FA6] =	sst s10  }
0x35: {  	s10 =	sld [smem:$0x3FA5];
	_ =	sdelay $0x3  }
0x36: {  	p1 =	seq.s32 s10, $0x1;
	s10 =	sld [smem:$0x3FA6];
	_ =	sdelay $0x3  }
0x37: {  	[smem:$0x3FA6] =	sst s10  }
0x38: {  	s10 =	sld [smem:$0x3FA7]  }
0x39: {  	_ = 	snop;
	(pc) =	sbr.ind lr, $3  }
0x3a: {  	_ = 	snop  }
0x3b: {  	_ = 	snop  }
0x3c: {  	p2 =	seq.s32 s10, $0x1;
	s10 =	sld [smem:$0x3FA6]  }
0x3d: {  	_ =	shalt  }
0x3e: {  	_ =	shalt  }
0x3f: {  	_ =	shalt  }
0x40: {  	_ =	shalt  }
0x41: {  	_ =	shalt  }
0x42: {  	_ =	shalt  }
0x43: {  	_ =	shalt  }
0x44: {  	_ =	shalt  }
0x45: {  	_ =	shalt  }
0x46: {  	_ =	shalt  }
0x47: {  	_ =	shalt  }
0x48: {  	_ =	shalt  }
0x49: {  	_ =	shalt  }
0x4a: {  	_ =	shalt  }
0x4b: {  	_ =	shalt  }
0x4c: {  	_ =	shalt  }
0x4d: {  	_ =	shalt  }
0x4e: {  	_ =	shalt  }
0x4f: {  	_ =	shalt  }
0x50: {  	_ =	shalt  }
0x51: {  	_ =	shalt  }
0x52: {  	_ =	shalt  }
0x53: {  	_ =	shalt  }
0x54: {  	_ =	shalt  }
0x55: {  	_ =	shalt  }
0x56: {  	_ =	shalt  }
0x57: {  	_ =	shalt  }
0x58: {  	_ =	shalt  }
0x59: {  	_ =	shalt  }
0x5a: {  	_ =	shalt  }
0x5b: {  	_ =	shalt  }
0x5c: {  	_ =	shalt  }
0x5d: {  	_ =	shalt  }
0x5e: {  	_ =	shalt  }
0x5f: {  	_ =	shalt  }
0x60: {  	_ =	shalt  }
0x61: {  	_ =	shalt  }
0x62: {  	_ =	shalt  }
0x63: {  	_ =	shalt  }
0x64: {  	_ =	shalt  }
0x65: {  	_ =	shalt  }
0x66: {  	_ =	shalt  }
0x67: {  	_ =	shalt  }
0x68: {  	_ =	shalt  }
0x69: {  	_ =	shalt  }
0x6a: {  	_ =	shalt  }
0x6b: {  	_ =	shalt  }
0x6c: {  	_ =	shalt  }
0x6d: {  	_ =	shalt  }
0x6e: {  	_ =	shalt  }
0x6f: {  	_ =	shalt  }
0x70: {  	_ =	shalt  }
0x71: {  	_ =	shalt  }
0x72: {  	_ =	shalt  }
0x73: {  	_ =	shalt  }
0x74: {  	_ =	shalt  }
0x75: {  	_ =	shalt  }
0x76: {  	_ =	shalt  }
0x77: {  	_ =	shalt  }
0x78: {  	_ =	shalt  }
0x79: {  	_ =	shalt  }
0x7a: {  	_ =	shalt  }
0x7b: {  	_ =	shalt  }
0x7c: {  	_ =	shalt  }
0x7d: {  	_ =	shalt  }
0x7e: {  	_ =	shalt  }
0x7f: {  	_ =	shalt  }
0x80: {  	_ =	shalt  }
0x81: {  	_ =	shalt  }
0x82: {  	_ =	shalt  }
0x83: {  	_ =	shalt  }
0x84: {  	_ =	shalt  }
0x85: {  	_ =	shalt  }
0x86: {  	_ =	shalt  }
0x87: {  	_ =	shalt  }
.Lfunc_end0:
.L_simem_size_0:
called_computation.4_lowered:
.L_overlay_start_0:
0x88: {  	s2 =	sld [smem:$0x3FD9]  }
0x89: {  	s3 =	sld [smem:$0x3FFE];
	_ =	sdelay $0x1  }
0x8a: {  	s1 =	srdreg.scid  }
0x8b: {  	s0 =	sand.u32 $0x1, s1  }
0x8c: {  	s16 =	sshll.u32 s0, $0xA;
	s2 =	sadd.s32 s3, s2  }
0x8d: {  	s2 =	sadd.s32 s2, s16  }
0x8e: {  	[smem:$0x3FB2] =	sst s2  }
0x8f: {  	_ = 	snop  }
0x90: {  	(tm) =	ssettm $0x1  }
0x91: {  	s17 =	sld [smem:$0x3FFB];
	_ =	sdelay $0x3  }
0x92: {  	_ =	strace s17  }
0x93: {  	s2 =	sld [smem:$0x3FFC];
	_ =	sdelay $0x3  }
0x94: {  	_ =	strace s2  }
0x95: {  	s2 =	sld [smem:$0x3FFD];
	_ =	sdelay $0x3  }
0x96: {  	_ =	strace s2  }
0x97: {  	_ =	strace $0x8FFFFFFF  }
0x98: {  	s18 =	sld [smem:$0x3FDB];
	_ =	sdelay $0x1  }
0x99: {  	s19 =	simm.s32 $_scs_section_size  }
0x9a: {  	s4 =	simm.s32 $_size__tile_overlayer_lowered;
	s5 =	simm.s32 $_tile_overlayer_lowered  }
0x9b: {  	s22 =	simm.s32 $0x1BFF;
	s21 =	sshll.u32 s5, $0x1;
	s2 =	sadd.s32 s19, s18  }
0x9c: {  	s6 =	simm.s32 $0x0;
	s20 =	sshll.u32 s4, $0x1;
	s4 =	sadd.s32 s21, s2  }
0x9d: {  	[timem:s6], [sflag:s22] =	dma.local [hbm:s4], s20  }
0x9e: {  	_ =	swait.ge [sflag:s22], s20  }
0x9f: {  	s3 =	ssub.s32 $0x0, s20;
	[sflag:s22] =	ssyncset.done $0x0  }
0xa0: {  	[sflag:s22] =	ssyncadd.s32 s3;
	_ =	sdelay $0x1  }
0xa1: {  	s23 =	simm.s32 $0x1B8B  }
0xa2: {  	_ =	swait.ge [sflag:s23], $0x1  }
0xa3: {  	[sflag:s23] =	ssyncset.done $0x0  }
0xa4: {  	s25 =	simm.s32 $0x1B8E;
	s24 =	sld [smem:$0x3FFE];
	[sflag:s23] =	ssyncadd.s32 $0xFFFFFFFF  }
0xa5: {  	s26 =	simm.s32 $execute0_lowered;
	[smem:$0x3FD2] =	sst s25  }
0xa6: {  	s4 =	sshll.u32 s26, $0x1;
	_ =	strace $0x80000052;
	[dreg:$0x1] =	wrdreg $0xFFFFFFFF  }
0xa7: {  	s28 =	simm.s32 $_size_execute0_lowered;
	s2 =	sadd.s32 s2, s4;
	[dreg:$0x0] =	wrdreg $0x0  }
0xa8: {  	s4 =	sshll.u32 s28, $0x1;
	[dreg:$0x2] =	wrdreg s2  }
0xa9: {  	[dreg:$0x3] =	wrdreg s4  }
0xaa: {  	[dreg:$0x4] =	wrdreg $0xC0  }
0xab: {  	_ =	task [dreg:s6], $0x5FFFF  }
0xac: {  	[dreg:$0x1] =	wrdreg $0xFFFFFFFF  }
0xad: {  	[dreg:$0x0] =	wrdreg $0x60  }
0xae: {  	[dreg:$0x2] =	wrdreg s24  }
0xaf: {  	[dreg:$0x3] =	wrdreg $0x92800  }
0xb0: {  	[dreg:$0x4] =	wrdreg $0x192800  }
0xb1: {  	[dreg:$0x5] =	wrdreg $0x9  }
0xb2: {  	_ =	task.clear_ibuf [dreg:s6], $0x6FFFF;
	_ =	strace $0x90000052  }
0xb3: {  	s29 =	simm.s32 $0x9;
	_ =	strace $0x80000054  }
0xb4: {  	_ =	swait.ge [sflag:s29], $0x1  }
0xb5: {  	[sflag:s29] =	ssyncadd.s32 $0xFFFFFFFF  }
0xb6: {  	_ =	strace $0x90000054  }
0xb7: {  	_ =	sfence  }
0xb8: {  	s30 =	sld [smem:$0x0];
	_ =	sdelay $0x2  }
0xb9: {  	s31 =	sshll.u32 s1, $0xD;
	s1 =	sshrl.u32 s1, $0x2  }
0xba: {  	s3 =	sand.u32 $0x4000, s31;
	s1 =	sadd.s32 s1, s30  }
0xbb: {  	s0 =	sor.u32 s3, s0;
	s1 =	sshll.u32 s1, $0x11  }
0xbc: {  	s0 =	sor.u32 s1, s0  }
0xbd: {  	s0 =	sadd.s32 $0x8F2B, s0  }
0xbe: {  	[sflag:s0] =	ssyncadd.remote.s32 $0x1  }
0xbf: {  	_ =	sfence.sel $0xFFFF  }
0xc0: {  	[dreg:$0x0] =	wrdreg $0xFFFFFFFF;
	(pc) =	sbr.abs _section_cstart, $3  }
0xc1: {  	[dreg:$0x1] =	wrdreg $0xFFFFFFFF  }
0xc2: {  	_ =	task.clear_ibuf [dreg:s6], $0x2FFFF;
	_ =	strace $0x9FFFFFFF  }
0xc3: {  	(tm) =	ssettm $0x7FFFFFFF  }
tec
execute0_lowered:
.L_overlay_start_1:
0x0: {  	(tag) =	ssettag $0x1  }
0x1: {  	s5 =	rddreg [dreg:$0x0]  }
0x2: {  	s0 =	srdreg.scid;
	s2 =	rddreg [dreg:$0x1]  }
0x3: {  	s7 =	rddreg [dreg:$0x2];
	s3 =	simm.s32 $0x0;
	s20 =	simm.s32 $0x2800  }
0x4: {  	s21 =	simm.s32 $0x80;
	s22 =	simm.s32 $0x1;
	s6 =	sand.u32 $0x1, s0  }
0x5: {  	s0 =	stileid.u32;
	[smem:$0x7FF] =	sst s3;
	s1 =	sshll.u32 s6, $0x4  }
0x6: {  	s9 =	sshll.u32 s6, $0x11;
	s26 =	ssub.s32 $0x2, s6;
	s10 =	sshll.u32 s0, $0x10  }
0x7: {  	s15 =	sshll.u32 s0, $0x9;
	s28 =	sshll.u32 s0, $0xD;
	s4 =	sor.u32 s0, s1  }
0x8: {  	s1 =	rddreg [dreg:$0x3];
	_ =	strace $0x80000053;
	s9 =	sadd.s32 s9, s5  }
0x9: {  	s6 =	sshrl.u32 s26, $0x1;
	s14 =	sor.u32 $0x80, s15;
	s18 =	sor.u32 $0x100, s15  }
0xa: {  	s4 =	smul.u32 $0x500, s4;
	s11 =	ssub.s32 s26, s6;
	s6 =	sadd.s32 s15, s7  }
0xb: {  	s16 =	sadd.s32 $0xC2200, s9;
	s17 =	sshll.u32 s14, $0x7;
	s14 =	sshll.u32 s14, $0x4  }
0xc: {  	s29 =	sshll.u32 s18, $0x7;
	s15 =	sor.u32 $0x180, s15;
	s30 =	sshll.u32 s18, $0x4  }
0xd: {  	s18 =	simm.s32 $0x2;
	s9 =	sadd.s32 s28, s16;
	s23 =	sadd.s32 s17, s2  }
0xe: {  	s14 =	sadd.s32 s14, s16;
	s24 =	sadd.s32 s29, s2;
	s31 =	sshll.u32 s15, $0x7  }
0xf: {  	s19 =	sshll.u32 s15, $0x4;
	s15 =	sadd.s32 s30, s16;
	s17 =	simm.s32 $0x5000  }
0x10: {  	s8 =	sadd.s32 s4, s5;
	s4 =	sadd.s32 $0x2E200, s5;
	s5 =	sadd.s32 s10, s2  }
0x11: {  	s10 =	smax.u32 s11, $0x1;
	s25 =	sadd.s32 s31, s2;
	s16 =	sadd.s32 s19, s16  }
0x12: {  	s19 =	simm.s32 $0x9080;
	s23 =	sshrl.u32 s23, $0x3;
	s24 =	sshrl.u32 s24, $0x3  }
0x13: {  	s7 =	sadd.s32 $0x6E200, s8;
	s8 =	sadd.s32 $0x78200, s8;
	s11 =	sadd.s32 $0x4000, s5  }
0x14: {  	v0 =	vimm.f32 $0.0e+00;
	v1 =	vimm.f32 $1.000000000e+00;
	s12 =	sadd.s32 $0x8000, s5;
	s13 =	sadd.s32 $0xC000, s5;
	s25 =	sshrl.u32 s25, $0x3  }
.LBB2_1:
0x15: {  	s26 =	simm.s32 $0x0;
	s28 =	simm.s32 $0x200  }
.LBB2_2:
0x16: {  	p0 =	sne.s32 s28, $0xFE00;
	[tilespmem:s26+$0x5070] =	vst v0  }
0x17: {  	[tilespmem:s26+$0x5000] =	vst v0  }
0x18: {  	[tilespmem:s26+$0x5010] =	vst v0  }
.Ltmp0:
0x19: {  	[tilespmem:s26+$0x5020] =	vst v0;
	(pc) =	sbr.rel @p0 .LBB2_2-.Ltmp0, $4  }
0x1a: {  	[tilespmem:s26+$0x5030] =	vst v0  }
0x1b: {  	[tilespmem:s26+$0x5040] =	vst v0  }
0x1c: {  	[tilespmem:s26+$0x5050] =	vst v0  }
0x1d: {  	[tilespmem:s26+$0x5060] =	vst v0;
	s26 =	sshra.s32 s28, $0x2;
	s28 =	sadd.s32 $0x200, s28  }
0x1e: {  	[tilespmem:s26+$0x5070] =	vst v0  }
0x1f: {  	[tilespmem:s26+$0x5000] =	vst v0  }
0x20: {  	[tilespmem:s26+$0x5010] =	vst v0  }
0x21: {  	[tilespmem:s26+$0x5020] =	vst v0  }
0x22: {  	[tilespmem:s26+$0x5030] =	vst v0  }
0x23: {  	[tilespmem:s26+$0x5040] =	vst v0  }
0x24: {  	[tilespmem:s26+$0x5050] =	vst v0  }
0x25: {  	[tilespmem:s26+$0x5060] =	vst v0  }
0x26: {  	[tilespmem:$0x9000] =	vst v1  }
0x27: {  	[tilespmem:$0x9010] =	vst v1  }
0x28: {  	[tilespmem:$0x9020] =	vst v1  }
0x29: {  	[tilespmem:$0x9030] =	vst v1  }
0x2a: {  	[tilespmem:$0x9040] =	vst v1  }
0x2b: {  	[tilespmem:$0x9050] =	vst v1  }
0x2c: {  	[tilespmem:$0x9060] =	vst v1  }
0x2d: {  	[tilespmem:$0x9070] =	vst v1  }
0x2e: {  	[tilespmem:$0x9080] =	vst v0  }
0x2f: {  	[tilespmem:$0x9090] =	vst v0  }
0x30: {  	[tilespmem:$0x90A0] =	vst v0  }
0x31: {  	[tilespmem:$0x90B0] =	vst v0  }
0x32: {  	[tilespmem:$0x90C0] =	vst v0  }
0x33: {  	[tilespmem:$0x90D0] =	vst v0  }
0x34: {  	[tilespmem:$0x90E0] =	vst v0  }
0x35: {  	[tilespmem:$0x90F0] =	vst v0  }
0x36: {  	[tilespmem:$0x9100] =	vst v0  }
0x37: {  	[tilespmem:$0x9110] =	vst v0  }
0x38: {  	[tilespmem:$0x9120] =	vst v0  }
0x39: {  	[tilespmem:$0x9130] =	vst v0  }
0x3a: {  	[tilespmem:$0x9140] =	vst v0  }
0x3b: {  	[tilespmem:$0x9150] =	vst v0  }
0x3c: {  	[tilespmem:$0x9160] =	vst v0  }
0x3d: {  	[tilespmem:$0x9170] =	vst v0  }
0x3e: {  	[tilespmem:$0x9180] =	vst v0  }
0x3f: {  	[tilespmem:$0x9190] =	vst v0  }
0x40: {  	[tilespmem:$0x91A0] =	vst v0  }
0x41: {  	[tilespmem:$0x91B0] =	vst v0  }
0x42: {  	[tilespmem:$0x91C0] =	vst v0  }
0x43: {  	[tilespmem:$0x91D0] =	vst v0  }
0x44: {  	[tilespmem:$0x91E0] =	vst v0  }
0x45: {  	[tilespmem:$0x91F0] =	vst v0  }
0x46: {  	[tilespmem:$0x9200] =	vst v0  }
0x47: {  	[tilespmem:$0x9210] =	vst v0  }
0x48: {  	[tilespmem:$0x9220] =	vst v0  }
0x49: {  	[tilespmem:$0x9230] =	vst v0  }
0x4a: {  	[tilespmem:$0x9240] =	vst v0  }
0x4b: {  	[tilespmem:$0x9250] =	vst v0  }
0x4c: {  	[tilespmem:$0x9260] =	vst v0  }
0x4d: {  	[tilespmem:$0x9270] =	vst v0  }
0x4e: {  	[spmem:s5] =	stream.linear.scatter [tilespmem:s17], [sflag:$0x2], $0x4000, $0x38;
	[tilespmem:$0x19480] =	vst v63  }
0x4f: {  	_ =	swait.ge [sflag:s18], $0x4000  }
0x50: {  	[sflag:s18] =	ssyncset.done $0x0  }
0x51: {  	[sflag:s18] =	ssyncadd.s32 $0xFFFFC000  }
0x52: {  	[spmem:s11] =	stream.linear.scatter [tilespmem:s17], [sflag:$0x2], $0x4000, $0x38;
	[tilespmem:$0x19480] =	vst v63  }
0x53: {  	_ =	swait.ge [sflag:s18], $0x4000  }
0x54: {  	[sflag:s18] =	ssyncset.done $0x0  }
0x55: {  	[sflag:s18] =	ssyncadd.s32 $0xFFFFC000  }
0x56: {  	[spmem:s12] =	stream.linear.scatter [tilespmem:s17], [sflag:$0x2], $0x4000, $0x38;
	[tilespmem:$0x19480] =	vst v63  }
0x57: {  	_ =	swait.ge [sflag:s18], $0x4000  }
0x58: {  	[sflag:s18] =	ssyncset.done $0x0  }
0x59: {  	[sflag:s18] =	ssyncadd.s32 $0xFFFFC000  }
0x5a: {  	[spmem:s13] =	stream.linear.scatter [tilespmem:s17], [sflag:$0x2], $0x4000, $0x38;
	[tilespmem:$0x19480] =	vst v63  }
0x5b: {  	_ =	swait.ge [sflag:s18], $0x4000  }
0x5c: {  	[sflag:s18] =	ssyncset.done $0x0  }
0x5d: {  	[sflag:s18] =	ssyncadd.s32 $0xFFFFC000  }
0x5e: {  	[spmem:s6] =	stream.linear.scatter [tilespmem:s19], [sflag:$0x2], $0x200, $0x38;
	[tilespmem:$0x19480] =	vst v63  }
0x5f: {  	_ =	swait.ge [sflag:s18], $0x200  }
0x60: {  	[sflag:s18] =	ssyncset.done $0x0  }
0x61: {  	[sflag:s18] =	ssyncadd.s32 $0xFFFFFE00  }
0x62: {  	s29 =	simm.s32 $0x0;
	[bflag:$0x0] =	sbarrier.arrive $0xFFFF  }
0x63: {  	[tilespmem:s29], [sflag:$0x2] =	stream.linear.gather [hbm4b:s7+s29], $0x2780, $0x38;
	[tilespmem:$0x19480] =	vst v63  }
0x64: {  	_ =	swait.ge [sflag:s18], $0x2780  }
0x65: {  	[sflag:s18] =	ssyncset.done $0x0  }
0x66: {  	[sflag:s18] =	ssyncadd.s32 $0xFFFFD880  }
0x67: {  	[tilespmem:s20], [sflag:$0x2] =	stream.linear.gather [hbm4b:s8+s29], $0x2780, $0x38;
	[tilespmem:$0x19480] =	vst v63  }
0x68: {  	_ =	swait.ge [sflag:s18], $0x2780  }
0x69: {  	[sflag:s18] =	ssyncset.done $0x0  }
0x6a: {  	s30 =	simm.s32 $0x0;
	[sflag:s18] =	ssyncadd.s32 $0xFFFFD880  }
0x6b: {  	[tilespmem:s17], [sflag:$0x1] =	stream.indirect.gather [hbm4b:s4+s21], $0x80, s30, s21, $0xb8;
	[tilespmem:$0x19480] =	vst v63  }
0x6c: {  	_ =	swait.ge [sflag:s22], $0x4000  }
0x6d: {  	[sflag:s22] =	ssyncset.done $0x0  }
0x6e: {  	s31 =	simm.s32 $0x2800;
	[sflag:s22] =	ssyncadd.s32 $0xFFFFC000  }
0x6f: {  	[spmem:s2] =	stream.indirect.scatter.add.f32 [tilespmem:s17], [sflag:$0x2], $0x80, s31, s21, $0xb8;
	[tilespmem:$0x19480] =	vst v63  }
0x70: {  	_ =	swait.ge [sflag:s18], $0x4000  }
0x71: {  	s26 =	simm.s32 $0x200;
	s28 =	simm.s32 $0x400;
	[sflag:s18] =	ssyncset.done $0x0  }
.LBB2_4:
0x72: {  	s29 =	sshra.s32 s26, $0x2  }
0x73: {  	[sflag:s18] =	ssyncadd.s32 $0xFFFFC000;
	s26 =	smov.u32 s28;
	s30 =	sadd.s32 $0x200, s28  }
0x74: {  	[tilespmem:s17], [sflag:$0x1] =	stream.indirect.gather [hbm4b:s4+s21], $0x80, s29, s21, $0xb8;
	[tilespmem:$0x19480] =	vst v63  }
0x75: {  	p0 =	sne.s32 s28, $0x9C00;
	_ =	swait.ge [sflag:s22], $0x4000  }
.Ltmp1:
0x76: {  	[sflag:s22] =	ssyncset.done $0x0;
	(pc) =	sbr.rel @p0 .LBB2_4-.Ltmp1, $4  }
0x77: {  	s28 =	sadd.s32 $0x2800, s29;
	[sflag:s22] =	ssyncadd.s32 $0xFFFFC000  }
0x78: {  	[spmem:s2] =	stream.indirect.scatter.add.f32 [tilespmem:s17], [sflag:$0x2], $0x80, s28, s21, $0xb8;
	[tilespmem:$0x19480] =	vst v63  }
0x79: {  	_ =	swait.ge [sflag:s18], $0x4000  }
0x7a: {  	s28 =	smov.u32 s30;
	[sflag:s18] =	ssyncset.done $0x0  }
0x7b: {  	s26 =	sshra.s32 s26, $0x2;
	[sflag:s18] =	ssyncadd.s32 $0xFFFFC000  }
0x7c: {  	[tilespmem:s17], [sflag:$0x1] =	stream.indirect.gather [hbm4b:s4+s21], $0x80, s26, s21, $0xb8;
	[tilespmem:$0x19480] =	vst v63  }
0x7d: {  	_ =	swait.ge [sflag:s22], $0x4000  }
0x7e: {  	[sflag:s22] =	ssyncset.done $0x0  }
0x7f: {  	s26 =	sadd.s32 $0x2800, s26;
	[sflag:s22] =	ssyncadd.s32 $0xFFFFC000  }
0x80: {  	[spmem:s2] =	stream.indirect.scatter.add.f32 [tilespmem:s17], [sflag:$0x2], $0x80, s26, s21, $0xb8;
	[tilespmem:$0x19480] =	vst v63  }
0x81: {  	_ =	swait.ge [sflag:s18], $0x4000  }
0x82: {  	[sflag:s18] =	ssyncset.done $0x0  }
0x83: {  	s31 =	sshll.u32 s0, $0x6;
	[sflag:s18] =	ssyncadd.s32 $0xFFFFC000  }
0x84: {  	s28 =	sshrl.u32 s5, $0x3;
	s26 =	sor.u32 $0x1C02, s31;
	[bflag:$0x0] =	sbarrier.arrive $0xFFFF  }
0x85: {  	[hbm:s9], [sflag:s26] =	dma.local [spmem:s28], $0x800  }
0x86: {  	_ =	swait.ge [sflag:s18], $0x800  }
0x87: {  	[sflag:s18] =	ssyncset.done $0x0  }
0x88: {  	[sflag:s18] =	ssyncadd.s32 $0xFFFFF800  }
0x89: {  	[hbm:s14], [sflag:s26] =	dma.local [spmem:s23], $0x800  }
0x8a: {  	_ =	swait.ge [sflag:s18], $0x800  }
0x8b: {  	[sflag:s18] =	ssyncset.done $0x0  }
0x8c: {  	[sflag:s18] =	ssyncadd.s32 $0xFFFFF800  }
0x8d: {  	[hbm:s15], [sflag:s26] =	dma.local [spmem:s24], $0x800  }
0x8e: {  	s3 =	sadd.s32 $0x1, s3;
	_ =	swait.ge [sflag:s18], $0x800  }
0x8f: {  	p0 =	sne.s32 s3, s10;
	[sflag:s18] =	ssyncset.done $0x0  }
.Ltmp2:
0x90: {  	[sflag:s18] =	ssyncadd.s32 $0xFFFFF800;
	(pc) =	sbr.rel @p0 .LBB2_1-.Ltmp2, $4  }
0x91: {  	[hbm:s16], [sflag:s26] =	dma.local [spmem:s25], $0x800  }
0x92: {  	_ =	swait.ge [sflag:s18], $0x800  }
0x93: {  	[sflag:s18] =	ssyncset.done $0x0  }
0x94: {  	[sflag:s18] =	ssyncadd.s32 $0xFFFFF800  }
0x95: {  	_ =	sfence.sel $0x180000  }
0x96: {  	[bflag:$0x0] =	sbarrier.arrive $0xFFFF  }
0x97: {  	p0 =	sne.s32 s0, $0x0;
	_ =	strace $0x90000053  }
0x98: {  	s0 =	sadd.s32 @!p0 $0x100000, s1;
	[bflag:$0x2] =	sbarrier.arrive $0xFFFF  }
0x99: {  	[sflag:s0] =	ssyncadd.tile.s32 @!p0 $0x1;
	_ =	shalt  }
.Lfunc_end2:
_tile_overlayer_lowered:
.L_overlay_start_2:
0x9a: {  	(tag) =	ssettag $0x2  }
0x9b: {  	s0 =	rddreg [dreg:$0x0];
	s2 =	stileid.u32  }
0x9c: {  	s1 =	rddreg [dreg:$0x1];
	p0 =	sne.s32 s2, $0x0  }
0x9d: {  	s3 =	rddreg [dreg:$0x2];
	[bflag:$0x3] =	sbarrier.arrive $0xFFFF;
	s2 =	simm.s32 @!p0 $0x1C02  }
0x9e: {  	[timem:s3], [sflag:s2] =	dma.local @!p0 [hbm:s0], s1  }
0x9f: {  	s0 =	simm.s32 @!p0 $0x2  }
0xa0: {  	_ =	swait.ge @!p0 [sflag:s0], s1  }
0xa1: {  	s1 =	ssub.s32 @!p0 $0x0, s1;
	[sflag:s0] =	ssyncset.done @!p0 $0x0  }
0xa2: {  	[sflag:s0] =	ssyncadd.s32 @!p0 s1  }
0xa3: {  	[bflag:$0x3] =	sbarrier.arrive $0xFFFF  }
0xa4: {  	_ =	shalt  }

</sc_bundles>
